<compile_context>
chip_gen: v7x
topology: tpu7x:2x2x1
jax: 0.10.2.dev20260603
libtpu: 0.0.44.dev20260713+nightly
codegen_flags: <defaults>
</compile_context>

<pallas_src>
import functools

import jax
import jax.numpy as jnp
import numpy as np
from jax import lax
from jax.experimental import pallas as pl
from jax.experimental.pallas import tpu as pltpu
from jax.experimental.pallas import tpu_sc as plsc

_ROWS = 8192
_COLS = 2048
_LANES = 16
_NUM_CORES = 2
_NUM_SUBCORES = 16
_NUM_TILES = _NUM_CORES * _NUM_SUBCORES
_TROWS = _ROWS // 8
_TROW = 8 * _COLS
_TROWS_PER_TILE = _TROWS // _NUM_TILES
_JCHUNKS = _COLS // _LANES

_PERM_NP = np.random.RandomState(0).permutation(_COLS).astype(np.int32)
_SRCBASE_NP = ((_PERM_NP // 128) * 1024 + (_PERM_NP % 128)).astype(np.int32)


_NBUF = 3


def _body(x_hbm, srcbase_hbm, out_hbm, srcbase_v, inb, outb, *sems):
    wid = lax.axis_index("s") * _NUM_CORES + lax.axis_index("c")
    base = wid * _TROWS_PER_TILE
    pltpu.sync_copy(srcbase_hbm, srcbase_v)

    sin = sems[:_NBUF]
    sout = sems[_NBUF:]

    def in_copy(c, b):
        pltpu.async_copy(x_hbm.at[base + c], inb.at[b], sin[b])

    def in_wait(c, b):
        pltpu.make_async_copy(x_hbm.at[base + c], inb.at[b], sin[b]).wait()

    def out_copy(c, b):
        pltpu.async_copy(outb.at[b], out_hbm.at[base + c], sout[b])

    def out_wait(c, b):
        pltpu.make_async_copy(outb.at[b], out_hbm.at[base + c], sout[b]).wait()

    for b in range(_NBUF):
        in_copy(b, b)

    def process(c, b, first):
        in_wait(c, b)

        @pl.when(jnp.logical_not(first))
        def _():
            out_wait(c - _NBUF, b)

        @plsc.parallel_loop(0, _JCHUNKS, unroll=4)
        def _(jj):
            joff = pl.multiple_of(jj * _LANES, _LANES)
            sb = srcbase_v[pl.ds(joff, _LANES)]
            doff = (jj // 8) * 1024 + (jj % 8) * _LANES
            for r in range(8):
                v = plsc.load_gather(inb.at[b], [sb + r * 128])
                outb[b, pl.ds(pl.multiple_of(doff + r * 128, _LANES), _LANES)] = v

        out_copy(c, b)

        @pl.when(c + _NBUF < _TROWS_PER_TILE)
        def _():
            in_copy(c + _NBUF, b)

    _NFULL = _TROWS_PER_TILE // _NBUF

    def gbody(g, carry):
        for b in range(_NBUF):
            process(_NBUF * g + b, b, g == 0)
        return carry

    lax.fori_loop(0, _NFULL, gbody, 0)
    for c in range(_NFULL * _NBUF, _TROWS_PER_TILE):
        process(c, c % _NBUF, False)

    for c in range(_TROWS_PER_TILE - _NBUF, _TROWS_PER_TILE):
        out_wait(c, c % _NBUF)


@jax.jit
def _sc_permute(x):
    x0 = x[0]
    xt = x0.reshape(_TROWS, 8, 16, 128).transpose(0, 2, 1, 3).reshape(_TROWS, _TROW)
    srcbase = jnp.asarray(_SRCBASE_NP, dtype=jnp.int32)
    mesh = plsc.VectorSubcoreMesh(
        core_axis_name="c",
        subcore_axis_name="s",
        num_cores=_NUM_CORES,
        num_subcores=_NUM_SUBCORES,
    )
    k = pl.kernel(
        _body,
        out_type=jax.ShapeDtypeStruct((_TROWS, _TROW), jnp.float32),
        mesh=mesh,
        compiler_params=pltpu.CompilerParams(
            use_tc_tiling_on_sc=False,
            needs_layout_passes=False,
            disable_bounds_checks=True,
            disable_semaphore_checks=True,
            skip_device_barrier=True,
        ),
        scratch_types=[
            pltpu.VMEM((_COLS,), jnp.int32),
            pltpu.VMEM((_NBUF, _TROW), jnp.float32),
            pltpu.VMEM((_NBUF, _TROW), jnp.float32),
        ]
        + [pltpu.SemaphoreType.DMA] * (2 * _NBUF),
    )
    ot = k(xt, srcbase)
    return ot.reshape(_TROWS, 16, 8, 128).transpose(0, 2, 1, 3).reshape(_ROWS, _COLS)


def kernel(x):
    return _sc_permute(x)

# --- scband reference (transcript-rebuilt; emitter-appended) ---
"""Pipeline reference for scband-permute-layer-16389595201978 (READ-ONLY COPY).

The authoritative reference and input builder live on the scoring server;
editing this copy changes nothing except your own understanding.
"""

import jax, jax.numpy as jnp
import numpy as np

# permute_layer builds a fixed permutation from np.random.seed(seed) with seed=0
_IN_CHANNELS = 2048
_rng = np.random.RandomState(0)
_PERM_NP = _rng.permutation(_IN_CHANNELS)
PERM = jnp.asarray(_PERM_NP, dtype=jnp.int64)


def setup_inputs(seed: int = 0) -> dict:
    key = jax.random.key(seed)
    # module forward takes x as a list of tensors; we model that as a leading
    # singleton axis so x[0] yields the [B, C] tensor, matching x[0][:, perm]
    x = jax.random.normal(key, (1, 8192, 2048), dtype=jnp.float32)
    return {"x": x}


def reference(x):
    # forward(x, rev=False): return [x[0][:, self.perm]]
    x0 = x[0]
    out = x0[:, PERM]
    return out

if __name__ == "__main__":
    import jax
    _d = setup_inputs()
    print(jax.jit(kernel)(*tuple(_d.values())))

</pallas_src>

<mosaic_0001>
#map = affine_map<(d0, d1) -> (0, 0)>
#map1 = affine_map<(d0, d1) -> (0)>
module attributes {stable_mosaic.version = 14 : i64} {
  func.func @_body(%arg0: i32, %arg1: i32, %arg2: memref<1024x16384xf32, #tpu.memory_space<hbm>>, %arg3: memref<2048xi32, #tpu.memory_space<hbm>>, %arg4: memref<1024x16384xf32, #tpu.memory_space<hbm>>, %arg5: memref<2048xi32, #tpu.memory_space<vmem>>, %arg6: memref<3x16384xf32, #tpu.memory_space<vmem>>, %arg7: memref<3x16384xf32, #tpu.memory_space<vmem>>, %arg8: memref<!tpu.dma_semaphore, #tpu.memory_space<semaphore_mem>>, %arg9: memref<!tpu.dma_semaphore, #tpu.memory_space<semaphore_mem>>, %arg10: memref<!tpu.dma_semaphore, #tpu.memory_space<semaphore_mem>>, %arg11: memref<!tpu.dma_semaphore, #tpu.memory_space<semaphore_mem>>, %arg12: memref<!tpu.dma_semaphore, #tpu.memory_space<semaphore_mem>>, %arg13: memref<!tpu.dma_semaphore, #tpu.memory_space<semaphore_mem>>) attributes {dimension_semantics = [#tpu.dimension_semantics<core_parallel>, #tpu.dimension_semantics<subcore_parallel>], iteration_bounds = array<i64: 2, 16>, scalar_prefetch = 0 : i64, scratch_operands = 9 : i64, tpu.core_type = #tpu.core_type<sc_vector_subcore>, window_params = [{transform_indices = #map}, {transform_indices = #map1}, {transform_indices = #map}]} {
    %mul3A = arith.constant 2 : i32
    %mul3A_0 = arith.muli %arg1, %mul3A : i32
    %add3A = arith.addi %mul3A_0, %arg0 : i32
    %mul3A_1 = arith.constant 32 : i32
    %mul3A_2 = arith.muli %add3A, %mul3A_1 : i32
    "tpu.region"() ({
      %run_scoped3A = tpu.sem_alloc : memref<!tpu.dma_semaphore, #tpu.memory_space<semaphore_mem>>
      tpu.enqueue_dma source(%arg3 : memref<2048xi32, #tpu.memory_space<hbm>>) target(%arg5 : memref<2048xi32, #tpu.memory_space<vmem>>) target_semaphore(%run_scoped3A : memref<!tpu.dma_semaphore, #tpu.memory_space<semaphore_mem>>)
      tpu.wait_dma2 semaphore(%run_scoped3A : memref<!tpu.dma_semaphore, #tpu.memory_space<semaphore_mem>>) src(%arg3 : memref<2048xi32, #tpu.memory_space<hbm>>) dst(%arg5 : memref<2048xi32, #tpu.memory_space<vmem>>)
      tpu.yield
    }) : () -> ()
    %add3A_3 = arith.constant 0 : i32
    %add3A_4 = arith.addi %mul3A_2, %add3A_3 : i32
    %dma_start3A = arith.constant 0 : i32
    %dma_start3A_5 = arith.constant 0 : i32
    %dma_start3A_6 = tpu.memref_slice %arg6[%dma_start3A, %dma_start3A_5] : memref<3x16384xf32, #tpu.memory_space<vmem>> -> memref<1x16384xf32, #tpu.memory_space<vmem>>
    %dma_start3A_7 = tpu.memref_squeeze %dma_start3A_6 : memref<1x16384xf32, #tpu.memory_space<vmem>> -> memref<16384xf32, #tpu.memory_space<vmem>>
    %dma_start3A_8 = arith.constant 0 : i32
    %dma_start3A_9 = tpu.memref_slice %arg2[%add3A_4, %dma_start3A_8] : memref<1024x16384xf32, #tpu.memory_space<hbm>> -> memref<1x16384xf32, #tpu.memory_space<hbm>>
    %dma_start3A_10 = tpu.memref_squeeze %dma_start3A_9 : memref<1x16384xf32, #tpu.memory_space<hbm>> -> memref<16384xf32, #tpu.memory_space<hbm>>
    %dma_start3A_11 = arith.constant 0 : i32
    %dma_start3A_12 = tpu.memref_slice %arg6[%dma_start3A, %dma_start3A_11] : memref<3x16384xf32, #tpu.memory_space<vmem>> -> memref<1x16384xf32, #tpu.memory_space<vmem>>
    %dma_start3A_13 = tpu.memref_squeeze %dma_start3A_12 : memref<1x16384xf32, #tpu.memory_space<vmem>> -> memref<16384xf32, #tpu.memory_space<vmem>>
    %dma_start3A_14 = arith.constant 0 : i32
    %dma_start3A_15 = tpu.memref_slice %arg2[%add3A_4, %dma_start3A_14] : memref<1024x16384xf32, #tpu.memory_space<hbm>> -> memref<1x16384xf32, #tpu.memory_space<hbm>>
    %dma_start3A_16 = tpu.memref_squeeze %dma_start3A_15 : memref<1x16384xf32, #tpu.memory_space<hbm>> -> memref<16384xf32, #tpu.memory_space<hbm>>
    tpu.enqueue_dma source(%dma_start3A_16 : memref<16384xf32, #tpu.memory_space<hbm>>) target(%dma_start3A_13 : memref<16384xf32, #tpu.memory_space<vmem>>) target_semaphore(%arg8 : memref<!tpu.dma_semaphore, #tpu.memory_space<semaphore_mem>>)
    %add3A_17 = arith.constant 1 : i32
    %add3A_18 = arith.addi %mul3A_2, %add3A_17 : i32
    %dma_start3A_19 = arith.constant 1 : i32
    %dma_start3A_20 = arith.constant 0 : i32
    %dma_start3A_21 = tpu.memref_slice %arg6[%dma_start3A_19, %dma_start3A_20] : memref<3x16384xf32, #tpu.memory_space<vmem>> -> memref<1x16384xf32, #tpu.memory_space<vmem>>
    %dma_start3A_22 = tpu.memref_squeeze %dma_start3A_21 : memref<1x16384xf32, #tpu.memory_space<vmem>> -> memref<16384xf32, #tpu.memory_space<vmem>>
    %dma_start3A_23 = arith.constant 0 : i32
    %dma_start3A_24 = tpu.memref_slice %arg2[%add3A_18, %dma_start3A_23] : memref<1024x16384xf32, #tpu.memory_space<hbm>> -> memref<1x16384xf32, #tpu.memory_space<hbm>>
    %dma_start3A_25 = tpu.memref_squeeze %dma_start3A_24 : memref<1x16384xf32, #tpu.memory_space<hbm>> -> memref<16384xf32, #tpu.memory_space<hbm>>
    %dma_start3A_26 = arith.constant 0 : i32
    %dma_start3A_27 = tpu.memref_slice %arg6[%dma_start3A_19, %dma_start3A_26] : memref<3x16384xf32, #tpu.memory_space<vmem>> -> memref<1x16384xf32, #tpu.memory_space<vmem>>
    %dma_start3A_28 = tpu.memref_squeeze %dma_start3A_27 : memref<1x16384xf32, #tpu.memory_space<vmem>> -> memref<16384xf32, #tpu.memory_space<vmem>>
    %dma_start3A_29 = arith.constant 0 : i32
    %dma_start3A_30 = tpu.memref_slice %arg2[%add3A_18, %dma_start3A_29] : memref<1024x16384xf32, #tpu.memory_space<hbm>> -> memref<1x16384xf32, #tpu.memory_space<hbm>>
    %dma_start3A_31 = tpu.memref_squeeze %dma_start3A_30 : memref<1x16384xf32, #tpu.memory_space<hbm>> -> memref<16384xf32, #tpu.memory_space<hbm>>
    tpu.enqueue_dma source(%dma_start3A_31 : memref<16384xf32, #tpu.memory_space<hbm>>) target(%dma_start3A_28 : memref<16384xf32, #tpu.memory_space<vmem>>) target_semaphore(%arg9 : memref<!tpu.dma_semaphore, #tpu.memory_space<semaphore_mem>>)
    %add3A_32 = arith.constant 2 : i32
    %add3A_33 = arith.addi %mul3A_2, %add3A_32 : i32
    %dma_start3A_34 = arith.constant 2 : i32
    %dma_start3A_35 = arith.constant 0 : i32
    %dma_start3A_36 = tpu.memref_slice %arg6[%dma_start3A_34, %dma_start3A_35] : memref<3x16384xf32, #tpu.memory_space<vmem>> -> memref<1x16384xf32, #tpu.memory_space<vmem>>
    %dma_start3A_37 = tpu.memref_squeeze %dma_start3A_36 : memref<1x16384xf32, #tpu.memory_space<vmem>> -> memref<16384xf32, #tpu.memory_space<vmem>>
    %dma_start3A_38 = arith.constant 0 : i32
    %dma_start3A_39 = tpu.memref_slice %arg2[%add3A_33, %dma_start3A_38] : memref<1024x16384xf32, #tpu.memory_space<hbm>> -> memref<1x16384xf32, #tpu.memory_space<hbm>>
    %dma_start3A_40 = tpu.memref_squeeze %dma_start3A_39 : memref<1x16384xf32, #tpu.memory_space<hbm>> -> memref<16384xf32, #tpu.memory_space<hbm>>
    %dma_start3A_41 = arith.constant 0 : i32
    %dma_start3A_42 = tpu.memref_slice %arg6[%dma_start3A_34, %dma_start3A_41] : memref<3x16384xf32, #tpu.memory_space<vmem>> -> memref<1x16384xf32, #tpu.memory_space<vmem>>
    %dma_start3A_43 = tpu.memref_squeeze %dma_start3A_42 : memref<1x16384xf32, #tpu.memory_space<vmem>> -> memref<16384xf32, #tpu.memory_space<vmem>>
    %dma_start3A_44 = arith.constant 0 : i32
    %dma_start3A_45 = tpu.memref_slice %arg2[%add3A_33, %dma_start3A_44] : memref<1024x16384xf32, #tpu.memory_space<hbm>> -> memref<1x16384xf32, #tpu.memory_space<hbm>>
    %dma_start3A_46 = tpu.memref_squeeze %dma_start3A_45 : memref<1x16384xf32, #tpu.memory_space<hbm>> -> memref<16384xf32, #tpu.memory_space<hbm>>
    tpu.enqueue_dma source(%dma_start3A_46 : memref<16384xf32, #tpu.memory_space<hbm>>) target(%dma_start3A_43 : memref<16384xf32, #tpu.memory_space<vmem>>) target_semaphore(%arg10 : memref<!tpu.dma_semaphore, #tpu.memory_space<semaphore_mem>>)
    %scan3A = arith.constant 0 : i32
    %scan3A_47 = arith.constant 0 : i32
    %scan3A_48 = arith.constant 10 : i32
    %scan3A_49 = arith.addi %scan3A_47, %scan3A_48 : i32
    %scan3A_50 = arith.constant 1 : i32
    scf.for %scan3A_170 = %scan3A_47 to %scan3A_49 step %scan3A_50  : i32 {
      %mul3A_171 = arith.constant 3 : i32
      %mul3A_172 = arith.muli %mul3A_171, %scan3A_170 : i32
      %add3A_173 = arith.constant 0 : i32
      %add3A_174 = arith.addi %mul3A_172, %add3A_173 : i32
      %eq3A = arith.constant 0 : i32
      %eq3A_175 = arith.cmpi eq, %scan3A_170, %eq3A : i32
      %add3A_176 = arith.addi %mul3A_2, %add3A_174 : i32
      %dma_wait3A_177 = arith.constant 0 : i32
      %dma_wait3A_178 = arith.constant 0 : i32
      %dma_wait3A_179 = tpu.memref_slice %arg6[%dma_wait3A_177, %dma_wait3A_178] : memref<3x16384xf32, #tpu.memory_space<vmem>> -> memref<1x16384xf32, #tpu.memory_space<vmem>>
      %dma_wait3A_180 = tpu.memref_squeeze %dma_wait3A_179 : memref<1x16384xf32, #tpu.memory_space<vmem>> -> memref<16384xf32, #tpu.memory_space<vmem>>
      %dma_wait3A_181 = arith.constant 0 : i32
      %dma_wait3A_182 = tpu.memref_slice %arg2[%add3A_176, %dma_wait3A_181] : memref<1024x16384xf32, #tpu.memory_space<hbm>> -> memref<1x16384xf32, #tpu.memory_space<hbm>>
      %dma_wait3A_183 = tpu.memref_squeeze %dma_wait3A_182 : memref<1x16384xf32, #tpu.memory_space<hbm>> -> memref<16384xf32, #tpu.memory_space<hbm>>
      %dma_wait3A_184 = arith.constant 0 : i32
      %dma_wait3A_185 = tpu.memref_slice %arg6[%dma_wait3A_177, %dma_wait3A_184] : memref<3x16384xf32, #tpu.memory_space<vmem>> -> memref<1x16384xf32, #tpu.memory_space<vmem>>
      %dma_wait3A_186 = tpu.memref_squeeze %dma_wait3A_185 : memref<1x16384xf32, #tpu.memory_space<vmem>> -> memref<16384xf32, #tpu.memory_space<vmem>>
      %dma_wait3A_187 = arith.constant 0 : i32
      %dma_wait3A_188 = tpu.memref_slice %arg2[%add3A_176, %dma_wait3A_187] : memref<1024x16384xf32, #tpu.memory_space<hbm>> -> memref<1x16384xf32, #tpu.memory_space<hbm>>
      %dma_wait3A_189 = tpu.memref_squeeze %dma_wait3A_188 : memref<1x16384xf32, #tpu.memory_space<hbm>> -> memref<16384xf32, #tpu.memory_space<hbm>>
      tpu.wait_dma2 semaphore(%arg8 : memref<!tpu.dma_semaphore, #tpu.memory_space<semaphore_mem>>) src(%dma_wait3A_189 : memref<16384xf32, #tpu.memory_space<hbm>>) dst(%dma_wait3A_186 : memref<16384xf32, #tpu.memory_space<vmem>>)
      %not3A_190 = arith.constant true
      %not3A_191 = arith.xori %eq3A_175, %not3A_190 : i1
      %convert_element_type3A_192 = arith.extui %not3A_191 : i1 to i32
      %cond3A_193 = arith.constant 0 : i32
      %cond3A_194 = arith.cmpi ne, %convert_element_type3A_192, %cond3A_193 : i32
      scf.if %cond3A_194 {
        %sub3A = arith.constant 3 : i32
        %sub3A_316 = arith.subi %add3A_174, %sub3A : i32
        %add3A_317 = arith.addi %mul3A_2, %sub3A_316 : i32
        %dma_wait3A_318 = arith.constant 0 : i32
        %dma_wait3A_319 = arith.constant 0 : i32
        %dma_wait3A_320 = tpu.memref_slice %arg7[%dma_wait3A_318, %dma_wait3A_319] : memref<3x16384xf32, #tpu.memory_space<vmem>> -> memref<1x16384xf32, #tpu.memory_space<vmem>>
        %dma_wait3A_321 = tpu.memref_squeeze %dma_wait3A_320 : memref<1x16384xf32, #tpu.memory_space<vmem>> -> memref<16384xf32, #tpu.memory_space<vmem>>
        %dma_wait3A_322 = arith.constant 0 : i32
        %dma_wait3A_323 = tpu.memref_slice %arg4[%add3A_317, %dma_wait3A_322] : memref<1024x16384xf32, #tpu.memory_space<hbm>> -> memref<1x16384xf32, #tpu.memory_space<hbm>>
        %dma_wait3A_324 = tpu.memref_squeeze %dma_wait3A_323 : memref<1x16384xf32, #tpu.memory_space<hbm>> -> memref<16384xf32, #tpu.memory_space<hbm>>
        %dma_wait3A_325 = arith.constant 0 : i32
        %dma_wait3A_326 = tpu.memref_slice %arg4[%add3A_317, %dma_wait3A_325] : memref<1024x16384xf32, #tpu.memory_space<hbm>> -> memref<1x16384xf32, #tpu.memory_space<hbm>>
        %dma_wait3A_327 = tpu.memref_squeeze %dma_wait3A_326 : memref<1x16384xf32, #tpu.memory_space<hbm>> -> memref<16384xf32, #tpu.memory_space<hbm>>
        %dma_wait3A_328 = arith.constant 0 : i32
        %dma_wait3A_329 = tpu.memref_slice %arg7[%dma_wait3A_318, %dma_wait3A_328] : memref<3x16384xf32, #tpu.memory_space<vmem>> -> memref<1x16384xf32, #tpu.memory_space<vmem>>
        %dma_wait3A_330 = tpu.memref_squeeze %dma_wait3A_329 : memref<1x16384xf32, #tpu.memory_space<vmem>> -> memref<16384xf32, #tpu.memory_space<vmem>>
        tpu.wait_dma2 semaphore(%arg11 : memref<!tpu.dma_semaphore, #tpu.memory_space<semaphore_mem>>) src(%dma_wait3A_330 : memref<16384xf32, #tpu.memory_space<vmem>>) dst(%dma_wait3A_327 : memref<16384xf32, #tpu.memory_space<hbm>>)
      } else {
      }
      %parallel_loop3A_195 = arith.constant 0 : i32
      %parallel_loop3A_196 = arith.constant 128 : i32
      %parallel_loop3A_197 = arith.constant 1 : i32
      scf.for %parallel_loop3A_316 = %parallel_loop3A_195 to %parallel_loop3A_196 step %parallel_loop3A_197  : i32 {
        %parallel_loop3A_317 = arith.constant 16 : i32
        %parallel_loop3A_318 = arith.muli %parallel_loop3A_316, %parallel_loop3A_317 : i32
        %parallel_loop3A_319 = tpu.assume_multiple %parallel_loop3A_318, 16 : i32
        %parallel_loop3A_320 = arith.index_cast %parallel_loop3A_319 : i32 to index
        %parallel_loop3A_321 = tpu.vector_load %arg5[%parallel_loop3A_320] {strides = array<i32>} : memref<2048xi32, #tpu.memory_space<vmem>>, vector<16xi32>,
        %parallel_loop3A_322 = arith.constant 8 : i32
        %parallel_loop3A_323 = arith.divsi %parallel_loop3A_316, %parallel_loop3A_322 : i32
        %parallel_loop3A_324 = arith.constant 0 : i32
        %parallel_loop3A_325 = arith.cmpi sgt, %parallel_loop3A_316, %parallel_loop3A_324 : i32
        %parallel_loop3A_326 = arith.extui %parallel_loop3A_325 : i1 to i32
        %parallel_loop3A_327 = arith.constant 0 : i32
        %parallel_loop3A_328 = arith.cmpi slt, %parallel_loop3A_316, %parallel_loop3A_327 : i32
        %parallel_loop3A_329 = arith.extui %parallel_loop3A_328 : i1 to i32
        %parallel_loop3A_330 = arith.subi %parallel_loop3A_326, %parallel_loop3A_329 : i32
        %parallel_loop3A_331 = arith.constant 0 : i32
        %parallel_loop3A_332 = arith.cmpi sgt, %parallel_loop3A_322, %parallel_loop3A_331 : i32
        %parallel_loop3A_333 = arith.extui %parallel_loop3A_332 : i1 to i32
        %parallel_loop3A_334 = arith.constant 0 : i32
        %parallel_loop3A_335 = arith.cmpi slt, %parallel_loop3A_322, %parallel_loop3A_334 : i32
        %parallel_loop3A_336 = arith.extui %parallel_loop3A_335 : i1 to i32
        %parallel_loop3A_337 = arith.subi %parallel_loop3A_333, %parallel_loop3A_336 : i32
        %parallel_loop3A_338 = arith.cmpi ne, %parallel_loop3A_330, %parallel_loop3A_337 : i32
        %parallel_loop3A_339 = arith.remsi %parallel_loop3A_316, %parallel_loop3A_322 : i32
        %parallel_loop3A_340 = arith.constant 0 : i32
        %parallel_loop3A_341 = arith.cmpi ne, %parallel_loop3A_339, %parallel_loop3A_340 : i32
        %parallel_loop3A_342 = arith.andi %parallel_loop3A_338, %parallel_loop3A_341 : i1
        %parallel_loop3A_343 = arith.constant 1 : i32
        %parallel_loop3A_344 = arith.subi %parallel_loop3A_323, %parallel_loop3A_343 : i32
        %parallel_loop3A_345 = arith.select %parallel_loop3A_342, %parallel_loop3A_344, %parallel_loop3A_323 : i32
        %parallel_loop3A_346 = arith.constant 1024 : i32
        %parallel_loop3A_347 = arith.muli %parallel_loop3A_345, %parallel_loop3A_346 : i32
        %parallel_loop3A_348 = arith.constant 8 : i32
        %parallel_loop3A_349 = arith.constant 0 : i32
        %parallel_loop3A_350 = arith.cmpi eq, %parallel_loop3A_348, %parallel_loop3A_349 : i32
        %parallel_loop3A_351 = arith.constant 1 : i32
        %parallel_loop3A_352 = arith.select %parallel_loop3A_350, %parallel_loop3A_351, %parallel_loop3A_348 : i32
        %parallel_loop3A_353 = arith.remsi %parallel_loop3A_316, %parallel_loop3A_352 : i32
        %parallel_loop3A_354 = arith.constant 0 : i32
        %parallel_loop3A_355 = arith.cmpi ne, %parallel_loop3A_353, %parallel_loop3A_354 : i32
        %parallel_loop3A_356 = arith.constant 0 : i32
        %parallel_loop3A_357 = arith.cmpi slt, %parallel_loop3A_353, %parallel_loop3A_356 : i32
        %parallel_loop3A_358 = arith.constant 0 : i32
        %parallel_loop3A_359 = arith.cmpi slt, %parallel_loop3A_352, %parallel_loop3A_358 : i32
        %parallel_loop3A_360 = arith.xori %parallel_loop3A_357, %parallel_loop3A_359 : i1
        %parallel_loop3A_361 = arith.andi %parallel_loop3A_360, %parallel_loop3A_355 : i1
        %parallel_loop3A_362 = arith.addi %parallel_loop3A_353, %parallel_loop3A_352 : i32
        %parallel_loop3A_363 = arith.select %parallel_loop3A_361, %parallel_loop3A_362, %parallel_loop3A_353 : i32
        %parallel_loop3A_364 = arith.constant 16 : i32
        %parallel_loop3A_365 = arith.muli %parallel_loop3A_363, %parallel_loop3A_364 : i32
        %parallel_loop3A_366 = arith.addi %parallel_loop3A_347, %parallel_loop3A_365 : i32
        %parallel_loop3A_367 = arith.constant 0 : i32
        %parallel_loop3A_368 = vector.broadcast %parallel_loop3A_367 : i32 to vector<16xi32>
        %parallel_loop3A_369 = arith.addi %parallel_loop3A_321, %parallel_loop3A_368 : vector<16xi32>
        %parallel_loop3A_370 = arith.constant 0 : i32
        %parallel_loop3A_371 = arith.constant 0 : i32
        %parallel_loop3A_372 = tpu.memref_slice %arg6[%parallel_loop3A_370, %parallel_loop3A_371] : memref<3x16384xf32, #tpu.memory_space<vmem>> -> memref<1x16384xf32, #tpu.memory_space<vmem>>
        %parallel_loop3A_373 = tpu.memref_squeeze %parallel_loop3A_372 : memref<1x16384xf32, #tpu.memory_space<vmem>> -> memref<16384xf32, #tpu.memory_space<vmem>>
        %parallel_loop3A_374 = tpu.vector_load_idx %parallel_loop3A_373[%parallel_loop3A_369] : memref<16384xf32, #tpu.memory_space<vmem>>[vector<16xi32>], vector<16xf32>,
        %parallel_loop3A_375 = arith.constant 0 : i32
        %parallel_loop3A_376 = arith.addi %parallel_loop3A_366, %parallel_loop3A_375 : i32
        %parallel_loop3A_377 = tpu.assume_multiple %parallel_loop3A_376, 16 : i32
        %parallel_loop3A_378 = arith.constant 0 : i32
        %parallel_loop3A_379 = arith.index_cast %parallel_loop3A_378 : i32 to index
        %parallel_loop3A_380 = arith.index_cast %parallel_loop3A_377 : i32 to index
        %parallel_loop3A_381 = tpu.vector_load %arg7[%parallel_loop3A_379, %parallel_loop3A_380] {strides = array<i32>} : memref<3x16384xf32, #tpu.memory_space<vmem>>, vector<16xf32>,
        tpu.vector_store %arg7[%parallel_loop3A_379, %parallel_loop3A_380], %parallel_loop3A_374 {strides = array<i32>} : memref<3x16384xf32, #tpu.memory_space<vmem>>, vector<16xf32>,
        %parallel_loop3A_382 = arith.constant 128 : i32
        %parallel_loop3A_383 = vector.broadcast %parallel_loop3A_382 : i32 to vector<16xi32>
        %parallel_loop3A_384 = arith.addi %parallel_loop3A_321, %parallel_loop3A_383 : vector<16xi32>
        %parallel_loop3A_385 = arith.constant 0 : i32
        %parallel_loop3A_386 = arith.constant 0 : i32
        %parallel_loop3A_387 = tpu.memref_slice %arg6[%parallel_loop3A_385, %parallel_loop3A_386] : memref<3x16384xf32, #tpu.memory_space<vmem>> -> memref<1x16384xf32, #tpu.memory_space<vmem>>
        %parallel_loop3A_388 = tpu.memref_squeeze %parallel_loop3A_387 : memref<1x16384xf32, #tpu.memory_space<vmem>> -> memref<16384xf32, #tpu.memory_space<vmem>>
        %parallel_loop3A_389 = tpu.vector_load_idx %parallel_loop3A_388[%parallel_loop3A_384] : memref<16384xf32, #tpu.memory_space<vmem>>[vector<16xi32>], vector<16xf32>,
        %parallel_loop3A_390 = arith.constant 128 : i32
        %parallel_loop3A_391 = arith.addi %parallel_loop3A_366, %parallel_loop3A_390 : i32
        %parallel_loop3A_392 = tpu.assume_multiple %parallel_loop3A_391, 16 : i32
        %parallel_loop3A_393 = arith.constant 0 : i32
        %parallel_loop3A_394 = arith.index_cast %parallel_loop3A_393 : i32 to index
        %parallel_loop3A_395 = arith.index_cast %parallel_loop3A_392 : i32 to index
        %parallel_loop3A_396 = tpu.vector_load %arg7[%parallel_loop3A_394, %parallel_loop3A_395] {strides = array<i32>} : memref<3x16384xf32, #tpu.memory_space<vmem>>, vector<16xf32>,
        tpu.vector_store %arg7[%parallel_loop3A_394, %parallel_loop3A_395], %parallel_loop3A_389 {strides = array<i32>} : memref<3x16384xf32, #tpu.memory_space<vmem>>, vector<16xf32>,
        %parallel_loop3A_397 = arith.constant 256 : i32
        %parallel_loop3A_398 = vector.broadcast %parallel_loop3A_397 : i32 to vector<16xi32>
        %parallel_loop3A_399 = arith.addi %parallel_loop3A_321, %parallel_loop3A_398 : vector<16xi32>
        %parallel_loop3A_400 = arith.constant 0 : i32
        %parallel_loop3A_401 = arith.constant 0 : i32
        %parallel_loop3A_402 = tpu.memref_slice %arg6[%parallel_loop3A_400, %parallel_loop3A_401] : memref<3x16384xf32, #tpu.memory_space<vmem>> -> memref<1x16384xf32, #tpu.memory_space<vmem>>
        %parallel_loop3A_403 = tpu.memref_squeeze %parallel_loop3A_402 : memref<1x16384xf32, #tpu.memory_space<vmem>> -> memref<16384xf32, #tpu.memory_space<vmem>>
        %parallel_loop3A_404 = tpu.vector_load_idx %parallel_loop3A_403[%parallel_loop3A_399] : memref<16384xf32, #tpu.memory_space<vmem>>[vector<16xi32>], vector<16xf32>,
        %parallel_loop3A_405 = arith.constant 256 : i32
        %parallel_loop3A_406 = arith.addi %parallel_loop3A_366, %parallel_loop3A_405 : i32
        %parallel_loop3A_407 = tpu.assume_multiple %parallel_loop3A_406, 16 : i32
        %parallel_loop3A_408 = arith.constant 0 : i32
        %parallel_loop3A_409 = arith.index_cast %parallel_loop3A_408 : i32 to index
        %parallel_loop3A_410 = arith.index_cast %parallel_loop3A_407 : i32 to index
        %parallel_loop3A_411 = tpu.vector_load %arg7[%parallel_loop3A_409, %parallel_loop3A_410] {strides = array<i32>} : memref<3x16384xf32, #tpu.memory_space<vmem>>, vector<16xf32>,
        tpu.vector_store %arg7[%parallel_loop3A_409, %parallel_loop3A_410], %parallel_loop3A_404 {strides = array<i32>} : memref<3x16384xf32, #tpu.memory_space<vmem>>, vector<16xf32>,
        %parallel_loop3A_412 = arith.constant 384 : i32
        %parallel_loop3A_413 = vector.broadcast %parallel_loop3A_412 : i32 to vector<16xi32>
        %parallel_loop3A_414 = arith.addi %parallel_loop3A_321, %parallel_loop3A_413 : vector<16xi32>
        %parallel_loop3A_415 = arith.constant 0 : i32
        %parallel_loop3A_416 = arith.constant 0 : i32
        %parallel_loop3A_417 = tpu.memref_slice %arg6[%parallel_loop3A_415, %parallel_loop3A_416] : memref<3x16384xf32, #tpu.memory_space<vmem>> -> memref<1x16384xf32, #tpu.memory_space<vmem>>
        %parallel_loop3A_418 = tpu.memref_squeeze %parallel_loop3A_417 : memref<1x16384xf32, #tpu.memory_space<vmem>> -> memref<16384xf32, #tpu.memory_space<vmem>>
        %parallel_loop3A_419 = tpu.vector_load_idx %parallel_loop3A_418[%parallel_loop3A_414] : memref<16384xf32, #tpu.memory_space<vmem>>[vector<16xi32>], vector<16xf32>,
        %parallel_loop3A_420 = arith.constant 384 : i32
        %parallel_loop3A_421 = arith.addi %parallel_loop3A_366, %parallel_loop3A_420 : i32
        %parallel_loop3A_422 = tpu.assume_multiple %parallel_loop3A_421, 16 : i32
        %parallel_loop3A_423 = arith.constant 0 : i32
        %parallel_loop3A_424 = arith.index_cast %parallel_loop3A_423 : i32 to index
        %parallel_loop3A_425 = arith.index_cast %parallel_loop3A_422 : i32 to index
        %parallel_loop3A_426 = tpu.vector_load %arg7[%parallel_loop3A_424, %parallel_loop3A_425] {strides = array<i32>} : memref<3x16384xf32, #tpu.memory_space<vmem>>, vector<16xf32>,
        tpu.vector_store %arg7[%parallel_loop3A_424, %parallel_loop3A_425], %parallel_loop3A_419 {strides = array<i32>} : memref<3x16384xf32, #tpu.memory_space<vmem>>, vector<16xf32>,
        %parallel_loop3A_427 = arith.constant 512 : i32
        %parallel_loop3A_428 = vector.broadcast %parallel_loop3A_427 : i32 to vector<16xi32>
        %parallel_loop3A_429 = arith.addi %parallel_loop3A_321, %parallel_loop3A_428 : vector<16xi32>
        %parallel_loop3A_430 = arith.constant 0 : i32
        %parallel_loop3A_431 = arith.constant 0 : i32
        %parallel_loop3A_432 = tpu.memref_slice %arg6[%parallel_loop3A_430, %parallel_loop3A_431] : memref<3x16384xf32, #tpu.memory_space<vmem>> -> memref<1x16384xf32, #tpu.memory_space<vmem>>
        %parallel_loop3A_433 = tpu.memref_squeeze %parallel_loop3A_432 : memref<1x16384xf32, #tpu.memory_space<vmem>> -> memref<16384xf32, #tpu.memory_space<vmem>>
        %parallel_loop3A_434 = tpu.vector_load_idx %parallel_loop3A_433[%parallel_loop3A_429] : memref<16384xf32, #tpu.memory_space<vmem>>[vector<16xi32>], vector<16xf32>,
        %parallel_loop3A_435 = arith.constant 512 : i32
        %parallel_loop3A_436 = arith.addi %parallel_loop3A_366, %parallel_loop3A_435 : i32
        %parallel_loop3A_437 = tpu.assume_multiple %parallel_loop3A_436, 16 : i32
        %parallel_loop3A_438 = arith.constant 0 : i32
        %parallel_loop3A_439 = arith.index_cast %parallel_loop3A_438 : i32 to index
        %parallel_loop3A_440 = arith.index_cast %parallel_loop3A_437 : i32 to index
        %parallel_loop3A_441 = tpu.vector_load %arg7[%parallel_loop3A_439, %parallel_loop3A_440] {strides = array<i32>} : memref<3x16384xf32, #tpu.memory_space<vmem>>, vector<16xf32>,
        tpu.vector_store %arg7[%parallel_loop3A_439, %parallel_loop3A_440], %parallel_loop3A_434 {strides = array<i32>} : memref<3x16384xf32, #tpu.memory_space<vmem>>, vector<16xf32>,
        %parallel_loop3A_442 = arith.constant 640 : i32
        %parallel_loop3A_443 = vector.broadcast %parallel_loop3A_442 : i32 to vector<16xi32>
        %parallel_loop3A_444 = arith.addi %parallel_loop3A_321, %parallel_loop3A_443 : vector<16xi32>
        %parallel_loop3A_445 = arith.constant 0 : i32
        %parallel_loop3A_446 = arith.constant 0 : i32
        %parallel_loop3A_447 = tpu.memref_slice %arg6[%parallel_loop3A_445, %parallel_loop3A_446] : memref<3x16384xf32, #tpu.memory_space<vmem>> -> memref<1x16384xf32, #tpu.memory_space<vmem>>
        %parallel_loop3A_448 = tpu.memref_squeeze %parallel_loop3A_447 : memref<1x16384xf32, #tpu.memory_space<vmem>> -> memref<16384xf32, #tpu.memory_space<vmem>>
        %parallel_loop3A_449 = tpu.vector_load_idx %parallel_loop3A_448[%parallel_loop3A_444] : memref<16384xf32, #tpu.memory_space<vmem>>[vector<16xi32>], vector<16xf32>,
        %parallel_loop3A_450 = arith.constant 640 : i32
        %parallel_loop3A_451 = arith.addi %parallel_loop3A_366, %parallel_loop3A_450 : i32
        %parallel_loop3A_452 = tpu.assume_multiple %parallel_loop3A_451, 16 : i32
        %parallel_loop3A_453 = arith.constant 0 : i32
        %parallel_loop3A_454 = arith.index_cast %parallel_loop3A_453 : i32 to index
        %parallel_loop3A_455 = arith.index_cast %parallel_loop3A_452 : i32 to index
        %parallel_loop3A_456 = tpu.vector_load %arg7[%parallel_loop3A_454, %parallel_loop3A_455] {strides = array<i32>} : memref<3x16384xf32, #tpu.memory_space<vmem>>, vector<16xf32>,
        tpu.vector_store %arg7[%parallel_loop3A_454, %parallel_loop3A_455], %parallel_loop3A_449 {strides = array<i32>} : memref<3x16384xf32, #tpu.memory_space<vmem>>, vector<16xf32>,
        %parallel_loop3A_457 = arith.constant 768 : i32
        %parallel_loop3A_458 = vector.broadcast %parallel_loop3A_457 : i32 to vector<16xi32>
        %parallel_loop3A_459 = arith.addi %parallel_loop3A_321, %parallel_loop3A_458 : vector<16xi32>
        %parallel_loop3A_460 = arith.constant 0 : i32
        %parallel_loop3A_461 = arith.constant 0 : i32
        %parallel_loop3A_462 = tpu.memref_slice %arg6[%parallel_loop3A_460, %parallel_loop3A_461] : memref<3x16384xf32, #tpu.memory_space<vmem>> -> memref<1x16384xf32, #tpu.memory_space<vmem>>
        %parallel_loop3A_463 = tpu.memref_squeeze %parallel_loop3A_462 : memref<1x16384xf32, #tpu.memory_space<vmem>> -> memref<16384xf32, #tpu.memory_space<vmem>>
        %parallel_loop3A_464 = tpu.vector_load_idx %parallel_loop3A_463[%parallel_loop3A_459] : memref<16384xf32, #tpu.memory_space<vmem>>[vector<16xi32>], vector<16xf32>,
        %parallel_loop3A_465 = arith.constant 768 : i32
        %parallel_loop3A_466 = arith.addi %parallel_loop3A_366, %parallel_loop3A_465 : i32
        %parallel_loop3A_467 = tpu.assume_multiple %parallel_loop3A_466, 16 : i32
        %parallel_loop3A_468 = arith.constant 0 : i32
        %parallel_loop3A_469 = arith.index_cast %parallel_loop3A_468 : i32 to index
        %parallel_loop3A_470 = arith.index_cast %parallel_loop3A_467 : i32 to index
        %parallel_loop3A_471 = tpu.vector_load %arg7[%parallel_loop3A_469, %parallel_loop3A_470] {strides = array<i32>} : memref<3x16384xf32, #tpu.memory_space<vmem>>, vector<16xf32>,
        tpu.vector_store %arg7[%parallel_loop3A_469, %parallel_loop3A_470], %parallel_loop3A_464 {strides = array<i32>} : memref<3x16384xf32, #tpu.memory_space<vmem>>, vector<16xf32>,
        %parallel_loop3A_472 = arith.constant 896 : i32
        %parallel_loop3A_473 = vector.broadcast %parallel_loop3A_472 : i32 to vector<16xi32>
        %parallel_loop3A_474 = arith.addi %parallel_loop3A_321, %parallel_loop3A_473 : vector<16xi32>
        %parallel_loop3A_475 = arith.constant 0 : i32
        %parallel_loop3A_476 = arith.constant 0 : i32
        %parallel_loop3A_477 = tpu.memref_slice %arg6[%parallel_loop3A_475, %parallel_loop3A_476] : memref<3x16384xf32, #tpu.memory_space<vmem>> -> memref<1x16384xf32, #tpu.memory_space<vmem>>
        %parallel_loop3A_478 = tpu.memref_squeeze %parallel_loop3A_477 : memref<1x16384xf32, #tpu.memory_space<vmem>> -> memref<16384xf32, #tpu.memory_space<vmem>>
        %parallel_loop3A_479 = tpu.vector_load_idx %parallel_loop3A_478[%parallel_loop3A_474] : memref<16384xf32, #tpu.memory_space<vmem>>[vector<16xi32>], vector<16xf32>,
        %parallel_loop3A_480 = arith.constant 896 : i32
        %parallel_loop3A_481 = arith.addi %parallel_loop3A_366, %parallel_loop3A_480 : i32
        %parallel_loop3A_482 = tpu.assume_multiple %parallel_loop3A_481, 16 : i32
        %parallel_loop3A_483 = arith.constant 0 : i32
        %parallel_loop3A_484 = arith.index_cast %parallel_loop3A_483 : i32 to index
        %parallel_loop3A_485 = arith.index_cast %parallel_loop3A_482 : i32 to index
        %parallel_loop3A_486 = tpu.vector_load %arg7[%parallel_loop3A_484, %parallel_loop3A_485] {strides = array<i32>} : memref<3x16384xf32, #tpu.memory_space<vmem>>, vector<16xf32>,
        tpu.vector_store %arg7[%parallel_loop3A_484, %parallel_loop3A_485], %parallel_loop3A_479 {strides = array<i32>} : memref<3x16384xf32, #tpu.memory_space<vmem>>, vector<16xf32>,
      } {sc.loop_unroll_factor = 4 : i64, sc.parallel_access}
      %add3A_198 = arith.addi %mul3A_2, %add3A_174 : i32
      %dma_start3A_199 = arith.constant 0 : i32
      %dma_start3A_200 = arith.constant 0 : i32
      %dma_start3A_201 = tpu.memref_slice %arg7[%dma_start3A_199, %dma_start3A_200] : memref<3x16384xf32, #tpu.memory_space<vmem>> -> memref<1x16384xf32, #tpu.memory_space<vmem>>
      %dma_start3A_202 = tpu.memref_squeeze %dma_start3A_201 : memref<1x16384xf32, #tpu.memory_space<vmem>> -> memref<16384xf32, #tpu.memory_space<vmem>>
      %dma_start3A_203 = arith.constant 0 : i32
      %dma_start3A_204 = tpu.memref_slice %arg4[%add3A_198, %dma_start3A_203] : memref<1024x16384xf32, #tpu.memory_space<hbm>> -> memref<1x16384xf32, #tpu.memory_space<hbm>>
      %dma_start3A_205 = tpu.memref_squeeze %dma_start3A_204 : memref<1x16384xf32, #tpu.memory_space<hbm>> -> memref<16384xf32, #tpu.memory_space<hbm>>
      %dma_start3A_206 = arith.constant 0 : i32
      %dma_start3A_207 = tpu.memref_slice %arg4[%add3A_198, %dma_start3A_206] : memref<1024x16384xf32, #tpu.memory_space<hbm>> -> memref<1x16384xf32, #tpu.memory_space<hbm>>
      %dma_start3A_208 = tpu.memref_squeeze %dma_start3A_207 : memref<1x16384xf32, #tpu.memory_space<hbm>> -> memref<16384xf32, #tpu.memory_space<hbm>>
      %dma_start3A_209 = arith.constant 0 : i32
      %dma_start3A_210 = tpu.memref_slice %arg7[%dma_start3A_199, %dma_start3A_209] : memref<3x16384xf32, #tpu.memory_space<vmem>> -> memref<1x16384xf32, #tpu.memory_space<vmem>>
      %dma_start3A_211 = tpu.memref_squeeze %dma_start3A_210 : memref<1x16384xf32, #tpu.memory_space<vmem>> -> memref<16384xf32, #tpu.memory_space<vmem>>
      tpu.enqueue_dma source(%dma_start3A_211 : memref<16384xf32, #tpu.memory_space<vmem>>) target(%dma_start3A_208 : memref<16384xf32, #tpu.memory_space<hbm>>) target_semaphore(%arg11 : memref<!tpu.dma_semaphore, #tpu.memory_space<semaphore_mem>>)
      %add3A_212 = arith.constant 3 : i32
      %add3A_213 = arith.addi %add3A_174, %add3A_212 : i32
      %lt3A = arith.constant 32 : i32
      %lt3A_214 = arith.cmpi slt, %add3A_213, %lt3A : i32
      %convert_element_type3A_215 = arith.extui %lt3A_214 : i1 to i32
      %cond3A_216 = arith.constant 0 : i32
      %cond3A_217 = arith.cmpi ne, %convert_element_type3A_215, %cond3A_216 : i32
      scf.if %cond3A_217 {
        %add3A_316 = arith.constant 3 : i32
        %add3A_317 = arith.addi %add3A_174, %add3A_316 : i32
        %add3A_318 = arith.addi %mul3A_2, %add3A_317 : i32
        %dma_start3A_319 = arith.constant 0 : i32
        %dma_start3A_320 = arith.constant 0 : i32
        %dma_start3A_321 = tpu.memref_slice %arg6[%dma_start3A_319, %dma_start3A_320] : memref<3x16384xf32, #tpu.memory_space<vmem>> -> memref<1x16384xf32, #tpu.memory_space<vmem>>
        %dma_start3A_322 = tpu.memref_squeeze %dma_start3A_321 : memref<1x16384xf32, #tpu.memory_space<vmem>> -> memref<16384xf32, #tpu.memory_space<vmem>>
        %dma_start3A_323 = arith.constant 0 : i32
        %dma_start3A_324 = tpu.memref_slice %arg2[%add3A_318, %dma_start3A_323] : memref<1024x16384xf32, #tpu.memory_space<hbm>> -> memref<1x16384xf32, #tpu.memory_space<hbm>>
        %dma_start3A_325 = tpu.memref_squeeze %dma_start3A_324 : memref<1x16384xf32, #tpu.memory_space<hbm>> -> memref<16384xf32, #tpu.memory_space<hbm>>
        %dma_start3A_326 = arith.constant 0 : i32
        %dma_start3A_327 = tpu.memref_slice %arg6[%dma_start3A_319, %dma_start3A_326] : memref<3x16384xf32, #tpu.memory_space<vmem>> -> memref<1x16384xf32, #tpu.memory_space<vmem>>
        %dma_start3A_328 = tpu.memref_squeeze %dma_start3A_327 : memref<1x16384xf32, #tpu.memory_space<vmem>> -> memref<16384xf32, #tpu.memory_space<vmem>>
        %dma_start3A_329 = arith.constant 0 : i32
        %dma_start3A_330 = tpu.memref_slice %arg2[%add3A_318, %dma_start3A_329] : memref<1024x16384xf32, #tpu.memory_space<hbm>> -> memref<1x16384xf32, #tpu.memory_space<hbm>>
        %dma_start3A_331 = tpu.memref_squeeze %dma_start3A_330 : memref<1x16384xf32, #tpu.memory_space<hbm>> -> memref<16384xf32, #tpu.memory_space<hbm>>
        tpu.enqueue_dma source(%dma_start3A_331 : memref<16384xf32, #tpu.memory_space<hbm>>) target(%dma_start3A_328 : memref<16384xf32, #tpu.memory_space<vmem>>) target_semaphore(%arg8 : memref<!tpu.dma_semaphore, #tpu.memory_space<semaphore_mem>>)
      } else {
      }
      %mul3A_218 = arith.constant 3 : i32
      %mul3A_219 = arith.muli %mul3A_218, %scan3A_170 : i32
      %add3A_220 = arith.constant 1 : i32
      %add3A_221 = arith.addi %mul3A_219, %add3A_220 : i32
      %eq3A_222 = arith.constant 0 : i32
      %eq3A_223 = arith.cmpi eq, %scan3A_170, %eq3A_222 : i32
      %add3A_224 = arith.addi %mul3A_2, %add3A_221 : i32
      %dma_wait3A_225 = arith.constant 1 : i32
      %dma_wait3A_226 = arith.constant 0 : i32
      %dma_wait3A_227 = tpu.memref_slice %arg6[%dma_wait3A_225, %dma_wait3A_226] : memref<3x16384xf32, #tpu.memory_space<vmem>> -> memref<1x16384xf32, #tpu.memory_space<vmem>>
      %dma_wait3A_228 = tpu.memref_squeeze %dma_wait3A_227 : memref<1x16384xf32, #tpu.memory_space<vmem>> -> memref<16384xf32, #tpu.memory_space<vmem>>
      %dma_wait3A_229 = arith.constant 0 : i32
      %dma_wait3A_230 = tpu.memref_slice %arg2[%add3A_224, %dma_wait3A_229] : memref<1024x16384xf32, #tpu.memory_space<hbm>> -> memref<1x16384xf32, #tpu.memory_space<hbm>>
      %dma_wait3A_231 = tpu.memref_squeeze %dma_wait3A_230 : memref<1x16384xf32, #tpu.memory_space<hbm>> -> memref<16384xf32, #tpu.memory_space<hbm>>
      %dma_wait3A_232 = arith.constant 0 : i32
      %dma_wait3A_233 = tpu.memref_slice %arg6[%dma_wait3A_225, %dma_wait3A_232] : memref<3x16384xf32, #tpu.memory_space<vmem>> -> memref<1x16384xf32, #tpu.memory_space<vmem>>
      %dma_wait3A_234 = tpu.memref_squeeze %dma_wait3A_233 : memref<1x16384xf32, #tpu.memory_space<vmem>> -> memref<16384xf32, #tpu.memory_space<vmem>>
      %dma_wait3A_235 = arith.constant 0 : i32
      %dma_wait3A_236 = tpu.memref_slice %arg2[%add3A_224, %dma_wait3A_235] : memref<1024x16384xf32, #tpu.memory_space<hbm>> -> memref<1x16384xf32, #tpu.memory_space<hbm>>
      %dma_wait3A_237 = tpu.memref_squeeze %dma_wait3A_236 : memref<1x16384xf32, #tpu.memory_space<hbm>> -> memref<16384xf32, #tpu.memory_space<hbm>>
      tpu.wait_dma2 semaphore(%arg9 : memref<!tpu.dma_semaphore, #tpu.memory_space<semaphore_mem>>) src(%dma_wait3A_237 : memref<16384xf32, #tpu.memory_space<hbm>>) dst(%dma_wait3A_234 : memref<16384xf32, #tpu.memory_space<vmem>>)
      %not3A_238 = arith.constant true
      %not3A_239 = arith.xori %eq3A_223, %not3A_238 : i1
      %convert_element_type3A_240 = arith.extui %not3A_239 : i1 to i32
      %cond3A_241 = arith.constant 0 : i32
      %cond3A_242 = arith.cmpi ne, %convert_element_type3A_240, %cond3A_241 : i32
      scf.if %cond3A_242 {
        %sub3A = arith.constant 3 : i32
        %sub3A_316 = arith.subi %add3A_221, %sub3A : i32
        %add3A_317 = arith.addi %mul3A_2, %sub3A_316 : i32
        %dma_wait3A_318 = arith.constant 1 : i32
        %dma_wait3A_319 = arith.constant 0 : i32
        %dma_wait3A_320 = tpu.memref_slice %arg7[%dma_wait3A_318, %dma_wait3A_319] : memref<3x16384xf32, #tpu.memory_space<vmem>> -> memref<1x16384xf32, #tpu.memory_space<vmem>>
        %dma_wait3A_321 = tpu.memref_squeeze %dma_wait3A_320 : memref<1x16384xf32, #tpu.memory_space<vmem>> -> memref<16384xf32, #tpu.memory_space<vmem>>
        %dma_wait3A_322 = arith.constant 0 : i32
        %dma_wait3A_323 = tpu.memref_slice %arg4[%add3A_317, %dma_wait3A_322] : memref<1024x16384xf32, #tpu.memory_space<hbm>> -> memref<1x16384xf32, #tpu.memory_space<hbm>>
        %dma_wait3A_324 = tpu.memref_squeeze %dma_wait3A_323 : memref<1x16384xf32, #tpu.memory_space<hbm>> -> memref<16384xf32, #tpu.memory_space<hbm>>
        %dma_wait3A_325 = arith.constant 0 : i32
        %dma_wait3A_326 = tpu.memref_slice %arg4[%add3A_317, %dma_wait3A_325] : memref<1024x16384xf32, #tpu.memory_space<hbm>> -> memref<1x16384xf32, #tpu.memory_space<hbm>>
        %dma_wait3A_327 = tpu.memref_squeeze %dma_wait3A_326 : memref<1x16384xf32, #tpu.memory_space<hbm>> -> memref<16384xf32, #tpu.memory_space<hbm>>
        %dma_wait3A_328 = arith.constant 0 : i32
        %dma_wait3A_329 = tpu.memref_slice %arg7[%dma_wait3A_318, %dma_wait3A_328] : memref<3x16384xf32, #tpu.memory_space<vmem>> -> memref<1x16384xf32, #tpu.memory_space<vmem>>
        %dma_wait3A_330 = tpu.memref_squeeze %dma_wait3A_329 : memref<1x16384xf32, #tpu.memory_space<vmem>> -> memref<16384xf32, #tpu.memory_space<vmem>>
        tpu.wait_dma2 semaphore(%arg12 : memref<!tpu.dma_semaphore, #tpu.memory_space<semaphore_mem>>) src(%dma_wait3A_330 : memref<16384xf32, #tpu.memory_space<vmem>>) dst(%dma_wait3A_327 : memref<16384xf32, #tpu.memory_space<hbm>>)
      } else {
      }
      %parallel_loop3A_243 = arith.constant 0 : i32
      %parallel_loop3A_244 = arith.constant 128 : i32
      %parallel_loop3A_245 = arith.constant 1 : i32
      scf.for %parallel_loop3A_316 = %parallel_loop3A_243 to %parallel_loop3A_244 step %parallel_loop3A_245  : i32 {
        %parallel_loop3A_317 = arith.constant 16 : i32
        %parallel_loop3A_318 = arith.muli %parallel_loop3A_316, %parallel_loop3A_317 : i32
        %parallel_loop3A_319 = tpu.assume_multiple %parallel_loop3A_318, 16 : i32
        %parallel_loop3A_320 = arith.index_cast %parallel_loop3A_319 : i32 to index
        %parallel_loop3A_321 = tpu.vector_load %arg5[%parallel_loop3A_320] {strides = array<i32>} : memref<2048xi32, #tpu.memory_space<vmem>>, vector<16xi32>,
        %parallel_loop3A_322 = arith.constant 8 : i32
        %parallel_loop3A_323 = arith.divsi %parallel_loop3A_316, %parallel_loop3A_322 : i32
        %parallel_loop3A_324 = arith.constant 0 : i32
        %parallel_loop3A_325 = arith.cmpi sgt, %parallel_loop3A_316, %parallel_loop3A_324 : i32
        %parallel_loop3A_326 = arith.extui %parallel_loop3A_325 : i1 to i32
        %parallel_loop3A_327 = arith.constant 0 : i32
        %parallel_loop3A_328 = arith.cmpi slt, %parallel_loop3A_316, %parallel_loop3A_327 : i32
        %parallel_loop3A_329 = arith.extui %parallel_loop3A_328 : i1 to i32
        %parallel_loop3A_330 = arith.subi %parallel_loop3A_326, %parallel_loop3A_329 : i32
        %parallel_loop3A_331 = arith.constant 0 : i32
        %parallel_loop3A_332 = arith.cmpi sgt, %parallel_loop3A_322, %parallel_loop3A_331 : i32
        %parallel_loop3A_333 = arith.extui %parallel_loop3A_332 : i1 to i32
        %parallel_loop3A_334 = arith.constant 0 : i32
        %parallel_loop3A_335 = arith.cmpi slt, %parallel_loop3A_322, %parallel_loop3A_334 : i32
        %parallel_loop3A_336 = arith.extui %parallel_loop3A_335 : i1 to i32
        %parallel_loop3A_337 = arith.subi %parallel_loop3A_333, %parallel_loop3A_336 : i32
        %parallel_loop3A_338 = arith.cmpi ne, %parallel_loop3A_330, %parallel_loop3A_337 : i32
        %parallel_loop3A_339 = arith.remsi %parallel_loop3A_316, %parallel_loop3A_322 : i32
        %parallel_loop3A_340 = arith.constant 0 : i32
        %parallel_loop3A_341 = arith.cmpi ne, %parallel_loop3A_339, %parallel_loop3A_340 : i32
        %parallel_loop3A_342 = arith.andi %parallel_loop3A_338, %parallel_loop3A_341 : i1
        %parallel_loop3A_343 = arith.constant 1 : i32
        %parallel_loop3A_344 = arith.subi %parallel_loop3A_323, %parallel_loop3A_343 : i32
        %parallel_loop3A_345 = arith.select %parallel_loop3A_342, %parallel_loop3A_344, %parallel_loop3A_323 : i32
        %parallel_loop3A_346 = arith.constant 1024 : i32
        %parallel_loop3A_347 = arith.muli %parallel_loop3A_345, %parallel_loop3A_346 : i32
        %parallel_loop3A_348 = arith.constant 8 : i32
        %parallel_loop3A_349 = arith.constant 0 : i32
        %parallel_loop3A_350 = arith.cmpi eq, %parallel_loop3A_348, %parallel_loop3A_349 : i32
        %parallel_loop3A_351 = arith.constant 1 : i32
        %parallel_loop3A_352 = arith.select %parallel_loop3A_350, %parallel_loop3A_351, %parallel_loop3A_348 : i32
        %parallel_loop3A_353 = arith.remsi %parallel_loop3A_316, %parallel_loop3A_352 : i32
        %parallel_loop3A_354 = arith.constant 0 : i32
        %parallel_loop3A_355 = arith.cmpi ne, %parallel_loop3A_353, %parallel_loop3A_354 : i32
        %parallel_loop3A_356 = arith.constant 0 : i32
        %parallel_loop3A_357 = arith.cmpi slt, %parallel_loop3A_353, %parallel_loop3A_356 : i32
        %parallel_loop3A_358 = arith.constant 0 : i32
        %parallel_loop3A_359 = arith.cmpi slt, %parallel_loop3A_352, %parallel_loop3A_358 : i32
        %parallel_loop3A_360 = arith.xori %parallel_loop3A_357, %parallel_loop3A_359 : i1
        %parallel_loop3A_361 = arith.andi %parallel_loop3A_360, %parallel_loop3A_355 : i1
        %parallel_loop3A_362 = arith.addi %parallel_loop3A_353, %parallel_loop3A_352 : i32
        %parallel_loop3A_363 = arith.select %parallel_loop3A_361, %parallel_loop3A_362, %parallel_loop3A_353 : i32
        %parallel_loop3A_364 = arith.constant 16 : i32
        %parallel_loop3A_365 = arith.muli %parallel_loop3A_363, %parallel_loop3A_364 : i32
        %parallel_loop3A_366 = arith.addi %parallel_loop3A_347, %parallel_loop3A_365 : i32
        %parallel_loop3A_367 = arith.constant 0 : i32
        %parallel_loop3A_368 = vector.broadcast %parallel_loop3A_367 : i32 to vector<16xi32>
        %parallel_loop3A_369 = arith.addi %parallel_loop3A_321, %parallel_loop3A_368 : vector<16xi32>
        %parallel_loop3A_370 = arith.constant 1 : i32
        %parallel_loop3A_371 = arith.constant 0 : i32
        %parallel_loop3A_372 = tpu.memref_slice %arg6[%parallel_loop3A_370, %parallel_loop3A_371] : memref<3x16384xf32, #tpu.memory_space<vmem>> -> memref<1x16384xf32, #tpu.memory_space<vmem>>
        %parallel_loop3A_373 = tpu.memref_squeeze %parallel_loop3A_372 : memref<1x16384xf32, #tpu.memory_space<vmem>> -> memref<16384xf32, #tpu.memory_space<vmem>>
        %parallel_loop3A_374 = tpu.vector_load_idx %parallel_loop3A_373[%parallel_loop3A_369] : memref<16384xf32, #tpu.memory_space<vmem>>[vector<16xi32>], vector<16xf32>,
        %parallel_loop3A_375 = arith.constant 0 : i32
        %parallel_loop3A_376 = arith.addi %parallel_loop3A_366, %parallel_loop3A_375 : i32
        %parallel_loop3A_377 = tpu.assume_multiple %parallel_loop3A_376, 16 : i32
        %parallel_loop3A_378 = arith.constant 1 : i32
        %parallel_loop3A_379 = arith.index_cast %parallel_loop3A_378 : i32 to index
        %parallel_loop3A_380 = arith.index_cast %parallel_loop3A_377 : i32 to index
        %parallel_loop3A_381 = tpu.vector_load %arg7[%parallel_loop3A_379, %parallel_loop3A_380] {strides = array<i32>} : memref<3x16384xf32, #tpu.memory_space<vmem>>, vector<16xf32>,
        tpu.vector_store %arg7[%parallel_loop3A_379, %parallel_loop3A_380], %parallel_loop3A_374 {strides = array<i32>} : memref<3x16384xf32, #tpu.memory_space<vmem>>, vector<16xf32>,
        %parallel_loop3A_382 = arith.constant 128 : i32
        %parallel_loop3A_383 = vector.broadcast %parallel_loop3A_382 : i32 to vector<16xi32>
        %parallel_loop3A_384 = arith.addi %parallel_loop3A_321, %parallel_loop3A_383 : vector<16xi32>
        %parallel_loop3A_385 = arith.constant 1 : i32
        %parallel_loop3A_386 = arith.constant 0 : i32
        %parallel_loop3A_387 = tpu.memref_slice %arg6[%parallel_loop3A_385, %parallel_loop3A_386] : memref<3x16384xf32, #tpu.memory_space<vmem>> -> memref<1x16384xf32, #tpu.memory_space<vmem>>
        %parallel_loop3A_388 = tpu.memref_squeeze %parallel_loop3A_387 : memref<1x16384xf32, #tpu.memory_space<vmem>> -> memref<16384xf32, #tpu.memory_space<vmem>>
        %parallel_loop3A_389 = tpu.vector_load_idx %parallel_loop3A_388[%parallel_loop3A_384] : memref<16384xf32, #tpu.memory_space<vmem>>[vector<16xi32>], vector<16xf32>,
        %parallel_loop3A_390 = arith.constant 128 : i32
        %parallel_loop3A_391 = arith.addi %parallel_loop3A_366, %parallel_loop3A_390 : i32
        %parallel_loop3A_392 = tpu.assume_multiple %parallel_loop3A_391, 16 : i32
        %parallel_loop3A_393 = arith.constant 1 : i32
        %parallel_loop3A_394 = arith.index_cast %parallel_loop3A_393 : i32 to index
        %parallel_loop3A_395 = arith.index_cast %parallel_loop3A_392 : i32 to index
        %parallel_loop3A_396 = tpu.vector_load %arg7[%parallel_loop3A_394, %parallel_loop3A_395] {strides = array<i32>} : memref<3x16384xf32, #tpu.memory_space<vmem>>, vector<16xf32>,
        tpu.vector_store %arg7[%parallel_loop3A_394, %parallel_loop3A_395], %parallel_loop3A_389 {strides = array<i32>} : memref<3x16384xf32, #tpu.memory_space<vmem>>, vector<16xf32>,
        %parallel_loop3A_397 = arith.constant 256 : i32
        %parallel_loop3A_398 = vector.broadcast %parallel_loop3A_397 : i32 to vector<16xi32>
        %parallel_loop3A_399 = arith.addi %parallel_loop3A_321, %parallel_loop3A_398 : vector<16xi32>
        %parallel_loop3A_400 = arith.constant 1 : i32
        %parallel_loop3A_401 = arith.constant 0 : i32
        %parallel_loop3A_402 = tpu.memref_slice %arg6[%parallel_loop3A_400, %parallel_loop3A_401] : memref<3x16384xf32, #tpu.memory_space<vmem>> -> memref<1x16384xf32, #tpu.memory_space<vmem>>
        %parallel_loop3A_403 = tpu.memref_squeeze %parallel_loop3A_402 : memref<1x16384xf32, #tpu.memory_space<vmem>> -> memref<16384xf32, #tpu.memory_space<vmem>>
        %parallel_loop3A_404 = tpu.vector_load_idx %parallel_loop3A_403[%parallel_loop3A_399] : memref<16384xf32, #tpu.memory_space<vmem>>[vector<16xi32>], vector<16xf32>,
        %parallel_loop3A_405 = arith.constant 256 : i32
        %parallel_loop3A_406 = arith.addi %parallel_loop3A_366, %parallel_loop3A_405 : i32
        %parallel_loop3A_407 = tpu.assume_multiple %parallel_loop3A_406, 16 : i32
        %parallel_loop3A_408 = arith.constant 1 : i32
        %parallel_loop3A_409 = arith.index_cast %parallel_loop3A_408 : i32 to index
        %parallel_loop3A_410 = arith.index_cast %parallel_loop3A_407 : i32 to index
        %parallel_loop3A_411 = tpu.vector_load %arg7[%parallel_loop3A_409, %parallel_loop3A_410] {strides = array<i32>} : memref<3x16384xf32, #tpu.memory_space<vmem>>, vector<16xf32>,
        tpu.vector_store %arg7[%parallel_loop3A_409, %parallel_loop3A_410], %parallel_loop3A_404 {strides = array<i32>} : memref<3x16384xf32, #tpu.memory_space<vmem>>, vector<16xf32>,
        %parallel_loop3A_412 = arith.constant 384 : i32
        %parallel_loop3A_413 = vector.broadcast %parallel_loop3A_412 : i32 to vector<16xi32>
        %parallel_loop3A_414 = arith.addi %parallel_loop3A_321, %parallel_loop3A_413 : vector<16xi32>
        %parallel_loop3A_415 = arith.constant 1 : i32
        %parallel_loop3A_416 = arith.constant 0 : i32
        %parallel_loop3A_417 = tpu.memref_slice %arg6[%parallel_loop3A_415, %parallel_loop3A_416] : memref<3x16384xf32, #tpu.memory_space<vmem>> -> memref<1x16384xf32, #tpu.memory_space<vmem>>
        %parallel_loop3A_418 = tpu.memref_squeeze %parallel_loop3A_417 : memref<1x16384xf32, #tpu.memory_space<vmem>> -> memref<16384xf32, #tpu.memory_space<vmem>>
        %parallel_loop3A_419 = tpu.vector_load_idx %parallel_loop3A_418[%parallel_loop3A_414] : memref<16384xf32, #tpu.memory_space<vmem>>[vector<16xi32>], vector<16xf32>,
        %parallel_loop3A_420 = arith.constant 384 : i32
        %parallel_loop3A_421 = arith.addi %parallel_loop3A_366, %parallel_loop3A_420 : i32
        %parallel_loop3A_422 = tpu.assume_multiple %parallel_loop3A_421, 16 : i32
        %parallel_loop3A_423 = arith.constant 1 : i32
        %parallel_loop3A_424 = arith.index_cast %parallel_loop3A_423 : i32 to index
        %parallel_loop3A_425 = arith.index_cast %parallel_loop3A_422 : i32 to index
        %parallel_loop3A_426 = tpu.vector_load %arg7[%parallel_loop3A_424, %parallel_loop3A_425] {strides = array<i32>} : memref<3x16384xf32, #tpu.memory_space<vmem>>, vector<16xf32>,
        tpu.vector_store %arg7[%parallel_loop3A_424, %parallel_loop3A_425], %parallel_loop3A_419 {strides = array<i32>} : memref<3x16384xf32, #tpu.memory_space<vmem>>, vector<16xf32>,
        %parallel_loop3A_427 = arith.constant 512 : i32
        %parallel_loop3A_428 = vector.broadcast %parallel_loop3A_427 : i32 to vector<16xi32>
        %parallel_loop3A_429 = arith.addi %parallel_loop3A_321, %parallel_loop3A_428 : vector<16xi32>
        %parallel_loop3A_430 = arith.constant 1 : i32
        %parallel_loop3A_431 = arith.constant 0 : i32
        %parallel_loop3A_432 = tpu.memref_slice %arg6[%parallel_loop3A_430, %parallel_loop3A_431] : memref<3x16384xf32, #tpu.memory_space<vmem>> -> memref<1x16384xf32, #tpu.memory_space<vmem>>
        %parallel_loop3A_433 = tpu.memref_squeeze %parallel_loop3A_432 : memref<1x16384xf32, #tpu.memory_space<vmem>> -> memref<16384xf32, #tpu.memory_space<vmem>>
        %parallel_loop3A_434 = tpu.vector_load_idx %parallel_loop3A_433[%parallel_loop3A_429] : memref<16384xf32, #tpu.memory_space<vmem>>[vector<16xi32>], vector<16xf32>,
        %parallel_loop3A_435 = arith.constant 512 : i32
        %parallel_loop3A_436 = arith.addi %parallel_loop3A_366, %parallel_loop3A_435 : i32
        %parallel_loop3A_437 = tpu.assume_multiple %parallel_loop3A_436, 16 : i32
        %parallel_loop3A_438 = arith.constant 1 : i32
        %parallel_loop3A_439 = arith.index_cast %parallel_loop3A_438 : i32 to index
        %parallel_loop3A_440 = arith.index_cast %parallel_loop3A_437 : i32 to index
        %parallel_loop3A_441 = tpu.vector_load %arg7[%parallel_loop3A_439, %parallel_loop3A_440] {strides = array<i32>} : memref<3x16384xf32, #tpu.memory_space<vmem>>, vector<16xf32>,
        tpu.vector_store %arg7[%parallel_loop3A_439, %parallel_loop3A_440], %parallel_loop3A_434 {strides = array<i32>} : memref<3x16384xf32, #tpu.memory_space<vmem>>, vector<16xf32>,
        %parallel_loop3A_442 = arith.constant 640 : i32
        %parallel_loop3A_443 = vector.broadcast %parallel_loop3A_442 : i32 to vector<16xi32>
        %parallel_loop3A_444 = arith.addi %parallel_loop3A_321, %parallel_loop3A_443 : vector<16xi32>
        %parallel_loop3A_445 = arith.constant 1 : i32
        %parallel_loop3A_446 = arith.constant 0 : i32
        %parallel_loop3A_447 = tpu.memref_slice %arg6[%parallel_loop3A_445, %parallel_loop3A_446] : memref<3x16384xf32, #tpu.memory_space<vmem>> -> memref<1x16384xf32, #tpu.memory_space<vmem>>
        %parallel_loop3A_448 = tpu.memref_squeeze %parallel_loop3A_447 : memref<1x16384xf32, #tpu.memory_space<vmem>> -> memref<16384xf32, #tpu.memory_space<vmem>>
        %parallel_loop3A_449 = tpu.vector_load_idx %parallel_loop3A_448[%parallel_loop3A_444] : memref<16384xf32, #tpu.memory_space<vmem>>[vector<16xi32>], vector<16xf32>,
        %parallel_loop3A_450 = arith.constant 640 : i32
        %parallel_loop3A_451 = arith.addi %parallel_loop3A_366, %parallel_loop3A_450 : i32
        %parallel_loop3A_452 = tpu.assume_multiple %parallel_loop3A_451, 16 : i32
        %parallel_loop3A_453 = arith.constant 1 : i32
        %parallel_loop3A_454 = arith.index_cast %parallel_loop3A_453 : i32 to index
        %parallel_loop3A_455 = arith.index_cast %parallel_loop3A_452 : i32 to index
        %parallel_loop3A_456 = tpu.vector_load %arg7[%parallel_loop3A_454, %parallel_loop3A_455] {strides = array<i32>} : memref<3x16384xf32, #tpu.memory_space<vmem>>, vector<16xf32>,
        tpu.vector_store %arg7[%parallel_loop3A_454, %parallel_loop3A_455], %parallel_loop3A_449 {strides = array<i32>} : memref<3x16384xf32, #tpu.memory_space<vmem>>, vector<16xf32>,
        %parallel_loop3A_457 = arith.constant 768 : i32
        %parallel_loop3A_458 = vector.broadcast %parallel_loop3A_457 : i32 to vector<16xi32>
        %parallel_loop3A_459 = arith.addi %parallel_loop3A_321, %parallel_loop3A_458 : vector<16xi32>
        %parallel_loop3A_460 = arith.constant 1 : i32
        %parallel_loop3A_461 = arith.constant 0 : i32
        %parallel_loop3A_462 = tpu.memref_slice %arg6[%parallel_loop3A_460, %parallel_loop3A_461] : memref<3x16384xf32, #tpu.memory_space<vmem>> -> memref<1x16384xf32, #tpu.memory_space<vmem>>
        %parallel_loop3A_463 = tpu.memref_squeeze %parallel_loop3A_462 : memref<1x16384xf32, #tpu.memory_space<vmem>> -> memref<16384xf32, #tpu.memory_space<vmem>>
        %parallel_loop3A_464 = tpu.vector_load_idx %parallel_loop3A_463[%parallel_loop3A_459] : memref<16384xf32, #tpu.memory_space<vmem>>[vector<16xi32>], vector<16xf32>,
        %parallel_loop3A_465 = arith.constant 768 : i32
        %parallel_loop3A_466 = arith.addi %parallel_loop3A_366, %parallel_loop3A_465 : i32
        %parallel_loop3A_467 = tpu.assume_multiple %parallel_loop3A_466, 16 : i32
        %parallel_loop3A_468 = arith.constant 1 : i32
        %parallel_loop3A_469 = arith.index_cast %parallel_loop3A_468 : i32 to index
        %parallel_loop3A_470 = arith.index_cast %parallel_loop3A_467 : i32 to index
        %parallel_loop3A_471 = tpu.vector_load %arg7[%parallel_loop3A_469, %parallel_loop3A_470] {strides = array<i32>} : memref<3x16384xf32, #tpu.memory_space<vmem>>, vector<16xf32>,
        tpu.vector_store %arg7[%parallel_loop3A_469, %parallel_loop3A_470], %parallel_loop3A_464 {strides = array<i32>} : memref<3x16384xf32, #tpu.memory_space<vmem>>, vector<16xf32>,
        %parallel_loop3A_472 = arith.constant 896 : i32
        %parallel_loop3A_473 = vector.broadcast %parallel_loop3A_472 : i32 to vector<16xi32>
        %parallel_loop3A_474 = arith.addi %parallel_loop3A_321, %parallel_loop3A_473 : vector<16xi32>
        %parallel_loop3A_475 = arith.constant 1 : i32
        %parallel_loop3A_476 = arith.constant 0 : i32
        %parallel_loop3A_477 = tpu.memref_slice %arg6[%parallel_loop3A_475, %parallel_loop3A_476] : memref<3x16384xf32, #tpu.memory_space<vmem>> -> memref<1x16384xf32, #tpu.memory_space<vmem>>
        %parallel_loop3A_478 = tpu.memref_squeeze %parallel_loop3A_477 : memref<1x16384xf32, #tpu.memory_space<vmem>> -> memref<16384xf32, #tpu.memory_space<vmem>>
        %parallel_loop3A_479 = tpu.vector_load_idx %parallel_loop3A_478[%parallel_loop3A_474] : memref<16384xf32, #tpu.memory_space<vmem>>[vector<16xi32>], vector<16xf32>,
        %parallel_loop3A_480 = arith.constant 896 : i32
        %parallel_loop3A_481 = arith.addi %parallel_loop3A_366, %parallel_loop3A_480 : i32
        %parallel_loop3A_482 = tpu.assume_multiple %parallel_loop3A_481, 16 : i32
        %parallel_loop3A_483 = arith.constant 1 : i32
        %parallel_loop3A_484 = arith.index_cast %parallel_loop3A_483 : i32 to index
        %parallel_loop3A_485 = arith.index_cast %parallel_loop3A_482 : i32 to index
        %parallel_loop3A_486 = tpu.vector_load %arg7[%parallel_loop3A_484, %parallel_loop3A_485] {strides = array<i32>} : memref<3x16384xf32, #tpu.memory_space<vmem>>, vector<16xf32>,
        tpu.vector_store %arg7[%parallel_loop3A_484, %parallel_loop3A_485], %parallel_loop3A_479 {strides = array<i32>} : memref<3x16384xf32, #tpu.memory_space<vmem>>, vector<16xf32>,
      } {sc.loop_unroll_factor = 4 : i64, sc.parallel_access}
      %add3A_246 = arith.addi %mul3A_2, %add3A_221 : i32
      %dma_start3A_247 = arith.constant 1 : i32
      %dma_start3A_248 = arith.constant 0 : i32
      %dma_start3A_249 = tpu.memref_slice %arg7[%dma_start3A_247, %dma_start3A_248] : memref<3x16384xf32, #tpu.memory_space<vmem>> -> memref<1x16384xf32, #tpu.memory_space<vmem>>
      %dma_start3A_250 = tpu.memref_squeeze %dma_start3A_249 : memref<1x16384xf32, #tpu.memory_space<vmem>> -> memref<16384xf32, #tpu.memory_space<vmem>>
      %dma_start3A_251 = arith.constant 0 : i32
      %dma_start3A_252 = tpu.memref_slice %arg4[%add3A_246, %dma_start3A_251] : memref<1024x16384xf32, #tpu.memory_space<hbm>> -> memref<1x16384xf32, #tpu.memory_space<hbm>>
      %dma_start3A_253 = tpu.memref_squeeze %dma_start3A_252 : memref<1x16384xf32, #tpu.memory_space<hbm>> -> memref<16384xf32, #tpu.memory_space<hbm>>
      %dma_start3A_254 = arith.constant 0 : i32
      %dma_start3A_255 = tpu.memref_slice %arg4[%add3A_246, %dma_start3A_254] : memref<1024x16384xf32, #tpu.memory_space<hbm>> -> memref<1x16384xf32, #tpu.memory_space<hbm>>
      %dma_start3A_256 = tpu.memref_squeeze %dma_start3A_255 : memref<1x16384xf32, #tpu.memory_space<hbm>> -> memref<16384xf32, #tpu.memory_space<hbm>>
      %dma_start3A_257 = arith.constant 0 : i32
      %dma_start3A_258 = tpu.memref_slice %arg7[%dma_start3A_247, %dma_start3A_257] : memref<3x16384xf32, #tpu.memory_space<vmem>> -> memref<1x16384xf32, #tpu.memory_space<vmem>>
      %dma_start3A_259 = tpu.memref_squeeze %dma_start3A_258 : memref<1x16384xf32, #tpu.memory_space<vmem>> -> memref<16384xf32, #tpu.memory_space<vmem>>
      tpu.enqueue_dma source(%dma_start3A_259 : memref<16384xf32, #tpu.memory_space<vmem>>) target(%dma_start3A_256 : memref<16384xf32, #tpu.memory_space<hbm>>) target_semaphore(%arg12 : memref<!tpu.dma_semaphore, #tpu.memory_space<semaphore_mem>>)
      %add3A_260 = arith.constant 3 : i32
      %add3A_261 = arith.addi %add3A_221, %add3A_260 : i32
      %lt3A_262 = arith.constant 32 : i32
      %lt3A_263 = arith.cmpi slt, %add3A_261, %lt3A_262 : i32
      %convert_element_type3A_264 = arith.extui %lt3A_263 : i1 to i32
      %cond3A_265 = arith.constant 0 : i32
      %cond3A_266 = arith.cmpi ne, %convert_element_type3A_264, %cond3A_265 : i32
      scf.if %cond3A_266 {
        %add3A_316 = arith.constant 3 : i32
        %add3A_317 = arith.addi %add3A_221, %add3A_316 : i32
        %add3A_318 = arith.addi %mul3A_2, %add3A_317 : i32
        %dma_start3A_319 = arith.constant 1 : i32
        %dma_start3A_320 = arith.constant 0 : i32
        %dma_start3A_321 = tpu.memref_slice %arg6[%dma_start3A_319, %dma_start3A_320] : memref<3x16384xf32, #tpu.memory_space<vmem>> -> memref<1x16384xf32, #tpu.memory_space<vmem>>
        %dma_start3A_322 = tpu.memref_squeeze %dma_start3A_321 : memref<1x16384xf32, #tpu.memory_space<vmem>> -> memref<16384xf32, #tpu.memory_space<vmem>>
        %dma_start3A_323 = arith.constant 0 : i32
        %dma_start3A_324 = tpu.memref_slice %arg2[%add3A_318, %dma_start3A_323] : memref<1024x16384xf32, #tpu.memory_space<hbm>> -> memref<1x16384xf32, #tpu.memory_space<hbm>>
        %dma_start3A_325 = tpu.memref_squeeze %dma_start3A_324 : memref<1x16384xf32, #tpu.memory_space<hbm>> -> memref<16384xf32, #tpu.memory_space<hbm>>
        %dma_start3A_326 = arith.constant 0 : i32
        %dma_start3A_327 = tpu.memref_slice %arg6[%dma_start3A_319, %dma_start3A_326] : memref<3x16384xf32, #tpu.memory_space<vmem>> -> memref<1x16384xf32, #tpu.memory_space<vmem>>
        %dma_start3A_328 = tpu.memref_squeeze %dma_start3A_327 : memref<1x16384xf32, #tpu.memory_space<vmem>> -> memref<16384xf32, #tpu.memory_space<vmem>>
        %dma_start3A_329 = arith.constant 0 : i32
        %dma_start3A_330 = tpu.memref_slice %arg2[%add3A_318, %dma_start3A_329] : memref<1024x16384xf32, #tpu.memory_space<hbm>> -> memref<1x16384xf32, #tpu.memory_space<hbm>>
        %dma_start3A_331 = tpu.memref_squeeze %dma_start3A_330 : memref<1x16384xf32, #tpu.memory_space<hbm>> -> memref<16384xf32, #tpu.memory_space<hbm>>
        tpu.enqueue_dma source(%dma_start3A_331 : memref<16384xf32, #tpu.memory_space<hbm>>) target(%dma_start3A_328 : memref<16384xf32, #tpu.memory_space<vmem>>) target_semaphore(%arg9 : memref<!tpu.dma_semaphore, #tpu.memory_space<semaphore_mem>>)
      } else {
      }
      %mul3A_267 = arith.constant 3 : i32
      %mul3A_268 = arith.muli %mul3A_267, %scan3A_170 : i32
      %add3A_269 = arith.constant 2 : i32
      %add3A_270 = arith.addi %mul3A_268, %add3A_269 : i32
      %eq3A_271 = arith.constant 0 : i32
      %eq3A_272 = arith.cmpi eq, %scan3A_170, %eq3A_271 : i32
      %add3A_273 = arith.addi %mul3A_2, %add3A_270 : i32
      %dma_wait3A_274 = arith.constant 2 : i32
      %dma_wait3A_275 = arith.constant 0 : i32
      %dma_wait3A_276 = tpu.memref_slice %arg6[%dma_wait3A_274, %dma_wait3A_275] : memref<3x16384xf32, #tpu.memory_space<vmem>> -> memref<1x16384xf32, #tpu.memory_space<vmem>>
      %dma_wait3A_277 = tpu.memref_squeeze %dma_wait3A_276 : memref<1x16384xf32, #tpu.memory_space<vmem>> -> memref<16384xf32, #tpu.memory_space<vmem>>
      %dma_wait3A_278 = arith.constant 0 : i32
      %dma_wait3A_279 = tpu.memref_slice %arg2[%add3A_273, %dma_wait3A_278] : memref<1024x16384xf32, #tpu.memory_space<hbm>> -> memref<1x16384xf32, #tpu.memory_space<hbm>>
      %dma_wait3A_280 = tpu.memref_squeeze %dma_wait3A_279 : memref<1x16384xf32, #tpu.memory_space<hbm>> -> memref<16384xf32, #tpu.memory_space<hbm>>
      %dma_wait3A_281 = arith.constant 0 : i32
      %dma_wait3A_282 = tpu.memref_slice %arg6[%dma_wait3A_274, %dma_wait3A_281] : memref<3x16384xf32, #tpu.memory_space<vmem>> -> memref<1x16384xf32, #tpu.memory_space<vmem>>
      %dma_wait3A_283 = tpu.memref_squeeze %dma_wait3A_282 : memref<1x16384xf32, #tpu.memory_space<vmem>> -> memref<16384xf32, #tpu.memory_space<vmem>>
      %dma_wait3A_284 = arith.constant 0 : i32
      %dma_wait3A_285 = tpu.memref_slice %arg2[%add3A_273, %dma_wait3A_284] : memref<1024x16384xf32, #tpu.memory_space<hbm>> -> memref<1x16384xf32, #tpu.memory_space<hbm>>
      %dma_wait3A_286 = tpu.memref_squeeze %dma_wait3A_285 : memref<1x16384xf32, #tpu.memory_space<hbm>> -> memref<16384xf32, #tpu.memory_space<hbm>>
      tpu.wait_dma2 semaphore(%arg10 : memref<!tpu.dma_semaphore, #tpu.memory_space<semaphore_mem>>) src(%dma_wait3A_286 : memref<16384xf32, #tpu.memory_space<hbm>>) dst(%dma_wait3A_283 : memref<16384xf32, #tpu.memory_space<vmem>>)
      %not3A_287 = arith.constant true
      %not3A_288 = arith.xori %eq3A_272, %not3A_287 : i1
      %convert_element_type3A_289 = arith.extui %not3A_288 : i1 to i32
      %cond3A_290 = arith.constant 0 : i32
      %cond3A_291 = arith.cmpi ne, %convert_element_type3A_289, %cond3A_290 : i32
      scf.if %cond3A_291 {
        %sub3A = arith.constant 3 : i32
        %sub3A_316 = arith.subi %add3A_270, %sub3A : i32
        %add3A_317 = arith.addi %mul3A_2, %sub3A_316 : i32
        %dma_wait3A_318 = arith.constant 2 : i32
        %dma_wait3A_319 = arith.constant 0 : i32
        %dma_wait3A_320 = tpu.memref_slice %arg7[%dma_wait3A_318, %dma_wait3A_319] : memref<3x16384xf32, #tpu.memory_space<vmem>> -> memref<1x16384xf32, #tpu.memory_space<vmem>>
        %dma_wait3A_321 = tpu.memref_squeeze %dma_wait3A_320 : memref<1x16384xf32, #tpu.memory_space<vmem>> -> memref<16384xf32, #tpu.memory_space<vmem>>
        %dma_wait3A_322 = arith.constant 0 : i32
        %dma_wait3A_323 = tpu.memref_slice %arg4[%add3A_317, %dma_wait3A_322] : memref<1024x16384xf32, #tpu.memory_space<hbm>> -> memref<1x16384xf32, #tpu.memory_space<hbm>>
        %dma_wait3A_324 = tpu.memref_squeeze %dma_wait3A_323 : memref<1x16384xf32, #tpu.memory_space<hbm>> -> memref<16384xf32, #tpu.memory_space<hbm>>
        %dma_wait3A_325 = arith.constant 0 : i32
        %dma_wait3A_326 = tpu.memref_slice %arg4[%add3A_317, %dma_wait3A_325] : memref<1024x16384xf32, #tpu.memory_space<hbm>> -> memref<1x16384xf32, #tpu.memory_space<hbm>>
        %dma_wait3A_327 = tpu.memref_squeeze %dma_wait3A_326 : memref<1x16384xf32, #tpu.memory_space<hbm>> -> memref<16384xf32, #tpu.memory_space<hbm>>
        %dma_wait3A_328 = arith.constant 0 : i32
        %dma_wait3A_329 = tpu.memref_slice %arg7[%dma_wait3A_318, %dma_wait3A_328] : memref<3x16384xf32, #tpu.memory_space<vmem>> -> memref<1x16384xf32, #tpu.memory_space<vmem>>
        %dma_wait3A_330 = tpu.memref_squeeze %dma_wait3A_329 : memref<1x16384xf32, #tpu.memory_space<vmem>> -> memref<16384xf32, #tpu.memory_space<vmem>>
        tpu.wait_dma2 semaphore(%arg13 : memref<!tpu.dma_semaphore, #tpu.memory_space<semaphore_mem>>) src(%dma_wait3A_330 : memref<16384xf32, #tpu.memory_space<vmem>>) dst(%dma_wait3A_327 : memref<16384xf32, #tpu.memory_space<hbm>>)
      } else {
      }
      %parallel_loop3A_292 = arith.constant 0 : i32
      %parallel_loop3A_293 = arith.constant 128 : i32
      %parallel_loop3A_294 = arith.constant 1 : i32
      scf.for %parallel_loop3A_316 = %parallel_loop3A_292 to %parallel_loop3A_293 step %parallel_loop3A_294  : i32 {
        %parallel_loop3A_317 = arith.constant 16 : i32
        %parallel_loop3A_318 = arith.muli %parallel_loop3A_316, %parallel_loop3A_317 : i32
        %parallel_loop3A_319 = tpu.assume_multiple %parallel_loop3A_318, 16 : i32
        %parallel_loop3A_320 = arith.index_cast %parallel_loop3A_319 : i32 to index
        %parallel_loop3A_321 = tpu.vector_load %arg5[%parallel_loop3A_320] {strides = array<i32>} : memref<2048xi32, #tpu.memory_space<vmem>>, vector<16xi32>,
        %parallel_loop3A_322 = arith.constant 8 : i32
        %parallel_loop3A_323 = arith.divsi %parallel_loop3A_316, %parallel_loop3A_322 : i32
        %parallel_loop3A_324 = arith.constant 0 : i32
        %parallel_loop3A_325 = arith.cmpi sgt, %parallel_loop3A_316, %parallel_loop3A_324 : i32
        %parallel_loop3A_326 = arith.extui %parallel_loop3A_325 : i1 to i32
        %parallel_loop3A_327 = arith.constant 0 : i32
        %parallel_loop3A_328 = arith.cmpi slt, %parallel_loop3A_316, %parallel_loop3A_327 : i32
        %parallel_loop3A_329 = arith.extui %parallel_loop3A_328 : i1 to i32
        %parallel_loop3A_330 = arith.subi %parallel_loop3A_326, %parallel_loop3A_329 : i32
        %parallel_loop3A_331 = arith.constant 0 : i32
        %parallel_loop3A_332 = arith.cmpi sgt, %parallel_loop3A_322, %parallel_loop3A_331 : i32
        %parallel_loop3A_333 = arith.extui %parallel_loop3A_332 : i1 to i32
        %parallel_loop3A_334 = arith.constant 0 : i32
        %parallel_loop3A_335 = arith.cmpi slt, %parallel_loop3A_322, %parallel_loop3A_334 : i32
        %parallel_loop3A_336 = arith.extui %parallel_loop3A_335 : i1 to i32
        %parallel_loop3A_337 = arith.subi %parallel_loop3A_333, %parallel_loop3A_336 : i32
        %parallel_loop3A_338 = arith.cmpi ne, %parallel_loop3A_330, %parallel_loop3A_337 : i32
        %parallel_loop3A_339 = arith.remsi %parallel_loop3A_316, %parallel_loop3A_322 : i32
        %parallel_loop3A_340 = arith.constant 0 : i32
        %parallel_loop3A_341 = arith.cmpi ne, %parallel_loop3A_339, %parallel_loop3A_340 : i32
        %parallel_loop3A_342 = arith.andi %parallel_loop3A_338, %parallel_loop3A_341 : i1
        %parallel_loop3A_343 = arith.constant 1 : i32
        %parallel_loop3A_344 = arith.subi %parallel_loop3A_323, %parallel_loop3A_343 : i32
        %parallel_loop3A_345 = arith.select %parallel_loop3A_342, %parallel_loop3A_344, %parallel_loop3A_323 : i32
        %parallel_loop3A_346 = arith.constant 1024 : i32
        %parallel_loop3A_347 = arith.muli %parallel_loop3A_345, %parallel_loop3A_346 : i32
        %parallel_loop3A_348 = arith.constant 8 : i32
        %parallel_loop3A_349 = arith.constant 0 : i32
        %parallel_loop3A_350 = arith.cmpi eq, %parallel_loop3A_348, %parallel_loop3A_349 : i32
        %parallel_loop3A_351 = arith.constant 1 : i32
        %parallel_loop3A_352 = arith.select %parallel_loop3A_350, %parallel_loop3A_351, %parallel_loop3A_348 : i32
        %parallel_loop3A_353 = arith.remsi %parallel_loop3A_316, %parallel_loop3A_352 : i32
        %parallel_loop3A_354 = arith.constant 0 : i32
        %parallel_loop3A_355 = arith.cmpi ne, %parallel_loop3A_353, %parallel_loop3A_354 : i32
        %parallel_loop3A_356 = arith.constant 0 : i32
        %parallel_loop3A_357 = arith.cmpi slt, %parallel_loop3A_353, %parallel_loop3A_356 : i32
        %parallel_loop3A_358 = arith.constant 0 : i32
        %parallel_loop3A_359 = arith.cmpi slt, %parallel_loop3A_352, %parallel_loop3A_358 : i32
        %parallel_loop3A_360 = arith.xori %parallel_loop3A_357, %parallel_loop3A_359 : i1
        %parallel_loop3A_361 = arith.andi %parallel_loop3A_360, %parallel_loop3A_355 : i1
        %parallel_loop3A_362 = arith.addi %parallel_loop3A_353, %parallel_loop3A_352 : i32
        %parallel_loop3A_363 = arith.select %parallel_loop3A_361, %parallel_loop3A_362, %parallel_loop3A_353 : i32
        %parallel_loop3A_364 = arith.constant 16 : i32
        %parallel_loop3A_365 = arith.muli %parallel_loop3A_363, %parallel_loop3A_364 : i32
        %parallel_loop3A_366 = arith.addi %parallel_loop3A_347, %parallel_loop3A_365 : i32
        %parallel_loop3A_367 = arith.constant 0 : i32
        %parallel_loop3A_368 = vector.broadcast %parallel_loop3A_367 : i32 to vector<16xi32>
        %parallel_loop3A_369 = arith.addi %parallel_loop3A_321, %parallel_loop3A_368 : vector<16xi32>
        %parallel_loop3A_370 = arith.constant 2 : i32
        %parallel_loop3A_371 = arith.constant 0 : i32
        %parallel_loop3A_372 = tpu.memref_slice %arg6[%parallel_loop3A_370, %parallel_loop3A_371] : memref<3x16384xf32, #tpu.memory_space<vmem>> -> memref<1x16384xf32, #tpu.memory_space<vmem>>
        %parallel_loop3A_373 = tpu.memref_squeeze %parallel_loop3A_372 : memref<1x16384xf32, #tpu.memory_space<vmem>> -> memref<16384xf32, #tpu.memory_space<vmem>>
        %parallel_loop3A_374 = tpu.vector_load_idx %parallel_loop3A_373[%parallel_loop3A_369] : memref<16384xf32, #tpu.memory_space<vmem>>[vector<16xi32>], vector<16xf32>,
        %parallel_loop3A_375 = arith.constant 0 : i32
        %parallel_loop3A_376 = arith.addi %parallel_loop3A_366, %parallel_loop3A_375 : i32
        %parallel_loop3A_377 = tpu.assume_multiple %parallel_loop3A_376, 16 : i32
        %parallel_loop3A_378 = arith.constant 2 : i32
        %parallel_loop3A_379 = arith.index_cast %parallel_loop3A_378 : i32 to index
        %parallel_loop3A_380 = arith.index_cast %parallel_loop3A_377 : i32 to index
        %parallel_loop3A_381 = tpu.vector_load %arg7[%parallel_loop3A_379, %parallel_loop3A_380] {strides = array<i32>} : memref<3x16384xf32, #tpu.memory_space<vmem>>, vector<16xf32>,
        tpu.vector_store %arg7[%parallel_loop3A_379, %parallel_loop3A_380], %parallel_loop3A_374 {strides = array<i32>} : memref<3x16384xf32, #tpu.memory_space<vmem>>, vector<16xf32>,
        %parallel_loop3A_382 = arith.constant 128 : i32
        %parallel_loop3A_383 = vector.broadcast %parallel_loop3A_382 : i32 to vector<16xi32>
        %parallel_loop3A_384 = arith.addi %parallel_loop3A_321, %parallel_loop3A_383 : vector<16xi32>
        %parallel_loop3A_385 = arith.constant 2 : i32
        %parallel_loop3A_386 = arith.constant 0 : i32
        %parallel_loop3A_387 = tpu.memref_slice %arg6[%parallel_loop3A_385, %parallel_loop3A_386] : memref<3x16384xf32, #tpu.memory_space<vmem>> -> memref<1x16384xf32, #tpu.memory_space<vmem>>
        %parallel_loop3A_388 = tpu.memref_squeeze %parallel_loop3A_387 : memref<1x16384xf32, #tpu.memory_space<vmem>> -> memref<16384xf32, #tpu.memory_space<vmem>>
        %parallel_loop3A_389 = tpu.vector_load_idx %parallel_loop3A_388[%parallel_loop3A_384] : memref<16384xf32, #tpu.memory_space<vmem>>[vector<16xi32>], vector<16xf32>,
        %parallel_loop3A_390 = arith.constant 128 : i32
        %parallel_loop3A_391 = arith.addi %parallel_loop3A_366, %parallel_loop3A_390 : i32
        %parallel_loop3A_392 = tpu.assume_multiple %parallel_loop3A_391, 16 : i32
        %parallel_loop3A_393 = arith.constant 2 : i32
        %parallel_loop3A_394 = arith.index_cast %parallel_loop3A_393 : i32 to index
        %parallel_loop3A_395 = arith.index_cast %parallel_loop3A_392 : i32 to index
        %parallel_loop3A_396 = tpu.vector_load %arg7[%parallel_loop3A_394, %parallel_loop3A_395] {strides = array<i32>} : memref<3x16384xf32, #tpu.memory_space<vmem>>, vector<16xf32>,
        tpu.vector_store %arg7[%parallel_loop3A_394, %parallel_loop3A_395], %parallel_loop3A_389 {strides = array<i32>} : memref<3x16384xf32, #tpu.memory_space<vmem>>, vector<16xf32>,
        %parallel_loop3A_397 = arith.constant 256 : i32
        %parallel_loop3A_398 = vector.broadcast %parallel_loop3A_397 : i32 to vector<16xi32>
        %parallel_loop3A_399 = arith.addi %parallel_loop3A_321, %parallel_loop3A_398 : vector<16xi32>
        %parallel_loop3A_400 = arith.constant 2 : i32
        %parallel_loop3A_401 = arith.constant 0 : i32
        %parallel_loop3A_402 = tpu.memref_slice %arg6[%parallel_loop3A_400, %parallel_loop3A_401] : memref<3x16384xf32, #tpu.memory_space<vmem>> -> memref<1x16384xf32, #tpu.memory_space<vmem>>
        %parallel_loop3A_403 = tpu.memref_squeeze %parallel_loop3A_402 : memref<1x16384xf32, #tpu.memory_space<vmem>> -> memref<16384xf32, #tpu.memory_space<vmem>>
        %parallel_loop3A_404 = tpu.vector_load_idx %parallel_loop3A_403[%parallel_loop3A_399] : memref<16384xf32, #tpu.memory_space<vmem>>[vector<16xi32>], vector<16xf32>,
        %parallel_loop3A_405 = arith.constant 256 : i32
        %parallel_loop3A_406 = arith.addi %parallel_loop3A_366, %parallel_loop3A_405 : i32
        %parallel_loop3A_407 = tpu.assume_multiple %parallel_loop3A_406, 16 : i32
        %parallel_loop3A_408 = arith.constant 2 : i32
        %parallel_loop3A_409 = arith.index_cast %parallel_loop3A_408 : i32 to index
        %parallel_loop3A_410 = arith.index_cast %parallel_loop3A_407 : i32 to index
        %parallel_loop3A_411 = tpu.vector_load %arg7[%parallel_loop3A_409, %parallel_loop3A_410] {strides = array<i32>} : memref<3x16384xf32, #tpu.memory_space<vmem>>, vector<16xf32>,
        tpu.vector_store %arg7[%parallel_loop3A_409, %parallel_loop3A_410], %parallel_loop3A_404 {strides = array<i32>} : memref<3x16384xf32, #tpu.memory_space<vmem>>, vector<16xf32>,
        %parallel_loop3A_412 = arith.constant 384 : i32
        %parallel_loop3A_413 = vector.broadcast %parallel_loop3A_412 : i32 to vector<16xi32>
        %parallel_loop3A_414 = arith.addi %parallel_loop3A_321, %parallel_loop3A_413 : vector<16xi32>
        %parallel_loop3A_415 = arith.constant 2 : i32
        %parallel_loop3A_416 = arith.constant 0 : i32
        %parallel_loop3A_417 = tpu.memref_slice %arg6[%parallel_loop3A_415, %parallel_loop3A_416] : memref<3x16384xf32, #tpu.memory_space<vmem>> -> memref<1x16384xf32, #tpu.memory_space<vmem>>
        %parallel_loop3A_418 = tpu.memref_squeeze %parallel_loop3A_417 : memref<1x16384xf32, #tpu.memory_space<vmem>> -> memref<16384xf32, #tpu.memory_space<vmem>>
        %parallel_loop3A_419 = tpu.vector_load_idx %parallel_loop3A_418[%parallel_loop3A_414] : memref<16384xf32, #tpu.memory_space<vmem>>[vector<16xi32>], vector<16xf32>,
        %parallel_loop3A_420 = arith.constant 384 : i32
        %parallel_loop3A_421 = arith.addi %parallel_loop3A_366, %parallel_loop3A_420 : i32
        %parallel_loop3A_422 = tpu.assume_multiple %parallel_loop3A_421, 16 : i32
        %parallel_loop3A_423 = arith.constant 2 : i32
        %parallel_loop3A_424 = arith.index_cast %parallel_loop3A_423 : i32 to index
        %parallel_loop3A_425 = arith.index_cast %parallel_loop3A_422 : i32 to index
        %parallel_loop3A_426 = tpu.vector_load %arg7[%parallel_loop3A_424, %parallel_loop3A_425] {strides = array<i32>} : memref<3x16384xf32, #tpu.memory_space<vmem>>, vector<16xf32>,
        tpu.vector_store %arg7[%parallel_loop3A_424, %parallel_loop3A_425], %parallel_loop3A_419 {strides = array<i32>} : memref<3x16384xf32, #tpu.memory_space<vmem>>, vector<16xf32>,
        %parallel_loop3A_427 = arith.constant 512 : i32
        %parallel_loop3A_428 = vector.broadcast %parallel_loop3A_427 : i32 to vector<16xi32>
        %parallel_loop3A_429 = arith.addi %parallel_loop3A_321, %parallel_loop3A_428 : vector<16xi32>
        %parallel_loop3A_430 = arith.constant 2 : i32
        %parallel_loop3A_431 = arith.constant 0 : i32
        %parallel_loop3A_432 = tpu.memref_slice %arg6[%parallel_loop3A_430, %parallel_loop3A_431] : memref<3x16384xf32, #tpu.memory_space<vmem>> -> memref<1x16384xf32, #tpu.memory_space<vmem>>
        %parallel_loop3A_433 = tpu.memref_squeeze %parallel_loop3A_432 : memref<1x16384xf32, #tpu.memory_space<vmem>> -> memref<16384xf32, #tpu.memory_space<vmem>>
        %parallel_loop3A_434 = tpu.vector_load_idx %parallel_loop3A_433[%parallel_loop3A_429] : memref<16384xf32, #tpu.memory_space<vmem>>[vector<16xi32>], vector<16xf32>,
        %parallel_loop3A_435 = arith.constant 512 : i32
        %parallel_loop3A_436 = arith.addi %parallel_loop3A_366, %parallel_loop3A_435 : i32
        %parallel_loop3A_437 = tpu.assume_multiple %parallel_loop3A_436, 16 : i32
        %parallel_loop3A_438 = arith.constant 2 : i32
        %parallel_loop3A_439 = arith.index_cast %parallel_loop3A_438 : i32 to index
        %parallel_loop3A_440 = arith.index_cast %parallel_loop3A_437 : i32 to index
        %parallel_loop3A_441 = tpu.vector_load %arg7[%parallel_loop3A_439, %parallel_loop3A_440] {strides = array<i32>} : memref<3x16384xf32, #tpu.memory_space<vmem>>, vector<16xf32>,
        tpu.vector_store %arg7[%parallel_loop3A_439, %parallel_loop3A_440], %parallel_loop3A_434 {strides = array<i32>} : memref<3x16384xf32, #tpu.memory_space<vmem>>, vector<16xf32>,
        %parallel_loop3A_442 = arith.constant 640 : i32
        %parallel_loop3A_443 = vector.broadcast %parallel_loop3A_442 : i32 to vector<16xi32>
        %parallel_loop3A_444 = arith.addi %parallel_loop3A_321, %parallel_loop3A_443 : vector<16xi32>
        %parallel_loop3A_445 = arith.constant 2 : i32
        %parallel_loop3A_446 = arith.constant 0 : i32
        %parallel_loop3A_447 = tpu.memref_slice %arg6[%parallel_loop3A_445, %parallel_loop3A_446] : memref<3x16384xf32, #tpu.memory_space<vmem>> -> memref<1x16384xf32, #tpu.memory_space<vmem>>
        %parallel_loop3A_448 = tpu.memref_squeeze %parallel_loop3A_447 : memref<1x16384xf32, #tpu.memory_space<vmem>> -> memref<16384xf32, #tpu.memory_space<vmem>>
        %parallel_loop3A_449 = tpu.vector_load_idx %parallel_loop3A_448[%parallel_loop3A_444] : memref<16384xf32, #tpu.memory_space<vmem>>[vector<16xi32>], vector<16xf32>,
        %parallel_loop3A_450 = arith.constant 640 : i32
        %parallel_loop3A_451 = arith.addi %parallel_loop3A_366, %parallel_loop3A_450 : i32
        %parallel_loop3A_452 = tpu.assume_multiple %parallel_loop3A_451, 16 : i32
        %parallel_loop3A_453 = arith.constant 2 : i32
        %parallel_loop3A_454 = arith.index_cast %parallel_loop3A_453 : i32 to index
        %parallel_loop3A_455 = arith.index_cast %parallel_loop3A_452 : i32 to index
        %parallel_loop3A_456 = tpu.vector_load %arg7[%parallel_loop3A_454, %parallel_loop3A_455] {strides = array<i32>} : memref<3x16384xf32, #tpu.memory_space<vmem>>, vector<16xf32>,
        tpu.vector_store %arg7[%parallel_loop3A_454, %parallel_loop3A_455], %parallel_loop3A_449 {strides = array<i32>} : memref<3x16384xf32, #tpu.memory_space<vmem>>, vector<16xf32>,
        %parallel_loop3A_457 = arith.constant 768 : i32
        %parallel_loop3A_458 = vector.broadcast %parallel_loop3A_457 : i32 to vector<16xi32>
        %parallel_loop3A_459 = arith.addi %parallel_loop3A_321, %parallel_loop3A_458 : vector<16xi32>
        %parallel_loop3A_460 = arith.constant 2 : i32
        %parallel_loop3A_461 = arith.constant 0 : i32
        %parallel_loop3A_462 = tpu.memref_slice %arg6[%parallel_loop3A_460, %parallel_loop3A_461] : memref<3x16384xf32, #tpu.memory_space<vmem>> -> memref<1x16384xf32, #tpu.memory_space<vmem>>
        %parallel_loop3A_463 = tpu.memref_squeeze %parallel_loop3A_462 : memref<1x16384xf32, #tpu.memory_space<vmem>> -> memref<16384xf32, #tpu.memory_space<vmem>>
        %parallel_loop3A_464 = tpu.vector_load_idx %parallel_loop3A_463[%parallel_loop3A_459] : memref<16384xf32, #tpu.memory_space<vmem>>[vector<16xi32>], vector<16xf32>,
        %parallel_loop3A_465 = arith.constant 768 : i32
        %parallel_loop3A_466 = arith.addi %parallel_loop3A_366, %parallel_loop3A_465 : i32
        %parallel_loop3A_467 = tpu.assume_multiple %parallel_loop3A_466, 16 : i32
        %parallel_loop3A_468 = arith.constant 2 : i32
        %parallel_loop3A_469 = arith.index_cast %parallel_loop3A_468 : i32 to index
        %parallel_loop3A_470 = arith.index_cast %parallel_loop3A_467 : i32 to index
        %parallel_loop3A_471 = tpu.vector_load %arg7[%parallel_loop3A_469, %parallel_loop3A_470] {strides = array<i32>} : memref<3x16384xf32, #tpu.memory_space<vmem>>, vector<16xf32>,
        tpu.vector_store %arg7[%parallel_loop3A_469, %parallel_loop3A_470], %parallel_loop3A_464 {strides = array<i32>} : memref<3x16384xf32, #tpu.memory_space<vmem>>, vector<16xf32>,
        %parallel_loop3A_472 = arith.constant 896 : i32
        %parallel_loop3A_473 = vector.broadcast %parallel_loop3A_472 : i32 to vector<16xi32>
        %parallel_loop3A_474 = arith.addi %parallel_loop3A_321, %parallel_loop3A_473 : vector<16xi32>
        %parallel_loop3A_475 = arith.constant 2 : i32
        %parallel_loop3A_476 = arith.constant 0 : i32
        %parallel_loop3A_477 = tpu.memref_slice %arg6[%parallel_loop3A_475, %parallel_loop3A_476] : memref<3x16384xf32, #tpu.memory_space<vmem>> -> memref<1x16384xf32, #tpu.memory_space<vmem>>
        %parallel_loop3A_478 = tpu.memref_squeeze %parallel_loop3A_477 : memref<1x16384xf32, #tpu.memory_space<vmem>> -> memref<16384xf32, #tpu.memory_space<vmem>>
        %parallel_loop3A_479 = tpu.vector_load_idx %parallel_loop3A_478[%parallel_loop3A_474] : memref<16384xf32, #tpu.memory_space<vmem>>[vector<16xi32>], vector<16xf32>,
        %parallel_loop3A_480 = arith.constant 896 : i32
        %parallel_loop3A_481 = arith.addi %parallel_loop3A_366, %parallel_loop3A_480 : i32
        %parallel_loop3A_482 = tpu.assume_multiple %parallel_loop3A_481, 16 : i32
        %parallel_loop3A_483 = arith.constant 2 : i32
        %parallel_loop3A_484 = arith.index_cast %parallel_loop3A_483 : i32 to index
        %parallel_loop3A_485 = arith.index_cast %parallel_loop3A_482 : i32 to index
        %parallel_loop3A_486 = tpu.vector_load %arg7[%parallel_loop3A_484, %parallel_loop3A_485] {strides = array<i32>} : memref<3x16384xf32, #tpu.memory_space<vmem>>, vector<16xf32>,
        tpu.vector_store %arg7[%parallel_loop3A_484, %parallel_loop3A_485], %parallel_loop3A_479 {strides = array<i32>} : memref<3x16384xf32, #tpu.memory_space<vmem>>, vector<16xf32>,
      } {sc.loop_unroll_factor = 4 : i64, sc.parallel_access}
      %add3A_295 = arith.addi %mul3A_2, %add3A_270 : i32
      %dma_start3A_296 = arith.constant 2 : i32
      %dma_start3A_297 = arith.constant 0 : i32
      %dma_start3A_298 = tpu.memref_slice %arg7[%dma_start3A_296, %dma_start3A_297] : memref<3x16384xf32, #tpu.memory_space<vmem>> -> memref<1x16384xf32, #tpu.memory_space<vmem>>
      %dma_start3A_299 = tpu.memref_squeeze %dma_start3A_298 : memref<1x16384xf32, #tpu.memory_space<vmem>> -> memref<16384xf32, #tpu.memory_space<vmem>>
      %dma_start3A_300 = arith.constant 0 : i32
      %dma_start3A_301 = tpu.memref_slice %arg4[%add3A_295, %dma_start3A_300] : memref<1024x16384xf32, #tpu.memory_space<hbm>> -> memref<1x16384xf32, #tpu.memory_space<hbm>>
      %dma_start3A_302 = tpu.memref_squeeze %dma_start3A_301 : memref<1x16384xf32, #tpu.memory_space<hbm>> -> memref<16384xf32, #tpu.memory_space<hbm>>
      %dma_start3A_303 = arith.constant 0 : i32
      %dma_start3A_304 = tpu.memref_slice %arg4[%add3A_295, %dma_start3A_303] : memref<1024x16384xf32, #tpu.memory_space<hbm>> -> memref<1x16384xf32, #tpu.memory_space<hbm>>
      %dma_start3A_305 = tpu.memref_squeeze %dma_start3A_304 : memref<1x16384xf32, #tpu.memory_space<hbm>> -> memref<16384xf32, #tpu.memory_space<hbm>>
      %dma_start3A_306 = arith.constant 0 : i32
      %dma_start3A_307 = tpu.memref_slice %arg7[%dma_start3A_296, %dma_start3A_306] : memref<3x16384xf32, #tpu.memory_space<vmem>> -> memref<1x16384xf32, #tpu.memory_space<vmem>>
      %dma_start3A_308 = tpu.memref_squeeze %dma_start3A_307 : memref<1x16384xf32, #tpu.memory_space<vmem>> -> memref<16384xf32, #tpu.memory_space<vmem>>
      tpu.enqueue_dma source(%dma_start3A_308 : memref<16384xf32, #tpu.memory_space<vmem>>) target(%dma_start3A_305 : memref<16384xf32, #tpu.memory_space<hbm>>) target_semaphore(%arg13 : memref<!tpu.dma_semaphore, #tpu.memory_space<semaphore_mem>>)
      %add3A_309 = arith.constant 3 : i32
      %add3A_310 = arith.addi %add3A_270, %add3A_309 : i32
      %lt3A_311 = arith.constant 32 : i32
      %lt3A_312 = arith.cmpi slt, %add3A_310, %lt3A_311 : i32
      %convert_element_type3A_313 = arith.extui %lt3A_312 : i1 to i32
      %cond3A_314 = arith.constant 0 : i32
      %cond3A_315 = arith.cmpi ne, %convert_element_type3A_313, %cond3A_314 : i32
      scf.if %cond3A_315 {
        %add3A_316 = arith.constant 3 : i32
        %add3A_317 = arith.addi %add3A_270, %add3A_316 : i32
        %add3A_318 = arith.addi %mul3A_2, %add3A_317 : i32
        %dma_start3A_319 = arith.constant 2 : i32
        %dma_start3A_320 = arith.constant 0 : i32
        %dma_start3A_321 = tpu.memref_slice %arg6[%dma_start3A_319, %dma_start3A_320] : memref<3x16384xf32, #tpu.memory_space<vmem>> -> memref<1x16384xf32, #tpu.memory_space<vmem>>
        %dma_start3A_322 = tpu.memref_squeeze %dma_start3A_321 : memref<1x16384xf32, #tpu.memory_space<vmem>> -> memref<16384xf32, #tpu.memory_space<vmem>>
        %dma_start3A_323 = arith.constant 0 : i32
        %dma_start3A_324 = tpu.memref_slice %arg2[%add3A_318, %dma_start3A_323] : memref<1024x16384xf32, #tpu.memory_space<hbm>> -> memref<1x16384xf32, #tpu.memory_space<hbm>>
        %dma_start3A_325 = tpu.memref_squeeze %dma_start3A_324 : memref<1x16384xf32, #tpu.memory_space<hbm>> -> memref<16384xf32, #tpu.memory_space<hbm>>
        %dma_start3A_326 = arith.constant 0 : i32
        %dma_start3A_327 = tpu.memref_slice %arg6[%dma_start3A_319, %dma_start3A_326] : memref<3x16384xf32, #tpu.memory_space<vmem>> -> memref<1x16384xf32, #tpu.memory_space<vmem>>
        %dma_start3A_328 = tpu.memref_squeeze %dma_start3A_327 : memref<1x16384xf32, #tpu.memory_space<vmem>> -> memref<16384xf32, #tpu.memory_space<vmem>>
        %dma_start3A_329 = arith.constant 0 : i32
        %dma_start3A_330 = tpu.memref_slice %arg2[%add3A_318, %dma_start3A_329] : memref<1024x16384xf32, #tpu.memory_space<hbm>> -> memref<1x16384xf32, #tpu.memory_space<hbm>>
        %dma_start3A_331 = tpu.memref_squeeze %dma_start3A_330 : memref<1x16384xf32, #tpu.memory_space<hbm>> -> memref<16384xf32, #tpu.memory_space<hbm>>
        tpu.enqueue_dma source(%dma_start3A_331 : memref<16384xf32, #tpu.memory_space<hbm>>) target(%dma_start3A_328 : memref<16384xf32, #tpu.memory_space<vmem>>) target_semaphore(%arg10 : memref<!tpu.dma_semaphore, #tpu.memory_space<semaphore_mem>>)
      } else {
      }
    }
    %scan3A_51 = arith.constant 10 : i32
    %add3A_52 = arith.constant 30 : i32
    %add3A_53 = arith.addi %mul3A_2, %add3A_52 : i32
    %dma_wait3A = arith.constant 0 : i32
    %dma_wait3A_54 = arith.constant 0 : i32
    %dma_wait3A_55 = tpu.memref_slice %arg6[%dma_wait3A, %dma_wait3A_54] : memref<3x16384xf32, #tpu.memory_space<vmem>> -> memref<1x16384xf32, #tpu.memory_space<vmem>>
    %dma_wait3A_56 = tpu.memref_squeeze %dma_wait3A_55 : memref<1x16384xf32, #tpu.memory_space<vmem>> -> memref<16384xf32, #tpu.memory_space<vmem>>
    %dma_wait3A_57 = arith.constant 0 : i32
    %dma_wait3A_58 = tpu.memref_slice %arg2[%add3A_53, %dma_wait3A_57] : memref<1024x16384xf32, #tpu.memory_space<hbm>> -> memref<1x16384xf32, #tpu.memory_space<hbm>>
    %dma_wait3A_59 = tpu.memref_squeeze %dma_wait3A_58 : memref<1x16384xf32, #tpu.memory_space<hbm>> -> memref<16384xf32, #tpu.memory_space<hbm>>
    %dma_wait3A_60 = arith.constant 0 : i32
    %dma_wait3A_61 = tpu.memref_slice %arg6[%dma_wait3A, %dma_wait3A_60] : memref<3x16384xf32, #tpu.memory_space<vmem>> -> memref<1x16384xf32, #tpu.memory_space<vmem>>
    %dma_wait3A_62 = tpu.memref_squeeze %dma_wait3A_61 : memref<1x16384xf32, #tpu.memory_space<vmem>> -> memref<16384xf32, #tpu.memory_space<vmem>>
    %dma_wait3A_63 = arith.constant 0 : i32
    %dma_wait3A_64 = tpu.memref_slice %arg2[%add3A_53, %dma_wait3A_63] : memref<1024x16384xf32, #tpu.memory_space<hbm>> -> memref<1x16384xf32, #tpu.memory_space<hbm>>
    %dma_wait3A_65 = tpu.memref_squeeze %dma_wait3A_64 : memref<1x16384xf32, #tpu.memory_space<hbm>> -> memref<16384xf32, #tpu.memory_space<hbm>>
    tpu.wait_dma2 semaphore(%arg8 : memref<!tpu.dma_semaphore, #tpu.memory_space<semaphore_mem>>) src(%dma_wait3A_65 : memref<16384xf32, #tpu.memory_space<hbm>>) dst(%dma_wait3A_62 : memref<16384xf32, #tpu.memory_space<vmem>>)
    %not3A = arith.constant false
    %not3A_66 = arith.constant true
    %not3A_67 = arith.xori %not3A, %not3A_66 : i1
    %convert_element_type3A = arith.extui %not3A_67 : i1 to i32
    %cond3A = arith.constant 0 : i32
    %cond3A_68 = arith.cmpi ne, %convert_element_type3A, %cond3A : i32
    scf.if %cond3A_68 {
      %add3A_170 = arith.constant 27 : i32
      %add3A_171 = arith.addi %mul3A_2, %add3A_170 : i32
      %dma_wait3A_172 = arith.constant 0 : i32
      %dma_wait3A_173 = arith.constant 0 : i32
      %dma_wait3A_174 = tpu.memref_slice %arg7[%dma_wait3A_172, %dma_wait3A_173] : memref<3x16384xf32, #tpu.memory_space<vmem>> -> memref<1x16384xf32, #tpu.memory_space<vmem>>
      %dma_wait3A_175 = tpu.memref_squeeze %dma_wait3A_174 : memref<1x16384xf32, #tpu.memory_space<vmem>> -> memref<16384xf32, #tpu.memory_space<vmem>>
      %dma_wait3A_176 = arith.constant 0 : i32
      %dma_wait3A_177 = tpu.memref_slice %arg4[%add3A_171, %dma_wait3A_176] : memref<1024x16384xf32, #tpu.memory_space<hbm>> -> memref<1x16384xf32, #tpu.memory_space<hbm>>
      %dma_wait3A_178 = tpu.memref_squeeze %dma_wait3A_177 : memref<1x16384xf32, #tpu.memory_space<hbm>> -> memref<16384xf32, #tpu.memory_space<hbm>>
      %dma_wait3A_179 = arith.constant 0 : i32
      %dma_wait3A_180 = tpu.memref_slice %arg4[%add3A_171, %dma_wait3A_179] : memref<1024x16384xf32, #tpu.memory_space<hbm>> -> memref<1x16384xf32, #tpu.memory_space<hbm>>
      %dma_wait3A_181 = tpu.memref_squeeze %dma_wait3A_180 : memref<1x16384xf32, #tpu.memory_space<hbm>> -> memref<16384xf32, #tpu.memory_space<hbm>>
      %dma_wait3A_182 = arith.constant 0 : i32
      %dma_wait3A_183 = tpu.memref_slice %arg7[%dma_wait3A_172, %dma_wait3A_182] : memref<3x16384xf32, #tpu.memory_space<vmem>> -> memref<1x16384xf32, #tpu.memory_space<vmem>>
      %dma_wait3A_184 = tpu.memref_squeeze %dma_wait3A_183 : memref<1x16384xf32, #tpu.memory_space<vmem>> -> memref<16384xf32, #tpu.memory_space<vmem>>
      tpu.wait_dma2 semaphore(%arg11 : memref<!tpu.dma_semaphore, #tpu.memory_space<semaphore_mem>>) src(%dma_wait3A_184 : memref<16384xf32, #tpu.memory_space<vmem>>) dst(%dma_wait3A_181 : memref<16384xf32, #tpu.memory_space<hbm>>)
    } else {
    }
    %parallel_loop3A = arith.constant 0 : i32
    %parallel_loop3A_69 = arith.constant 128 : i32
    %parallel_loop3A_70 = arith.constant 1 : i32
    scf.for %parallel_loop3A_170 = %parallel_loop3A to %parallel_loop3A_69 step %parallel_loop3A_70  : i32 {
      %parallel_loop3A_171 = arith.constant 16 : i32
      %parallel_loop3A_172 = arith.muli %parallel_loop3A_170, %parallel_loop3A_171 : i32
      %parallel_loop3A_173 = tpu.assume_multiple %parallel_loop3A_172, 16 : i32
      %parallel_loop3A_174 = arith.index_cast %parallel_loop3A_173 : i32 to index
      %parallel_loop3A_175 = tpu.vector_load %arg5[%parallel_loop3A_174] {strides = array<i32>} : memref<2048xi32, #tpu.memory_space<vmem>>, vector<16xi32>,
      %parallel_loop3A_176 = arith.constant 8 : i32
      %parallel_loop3A_177 = arith.divsi %parallel_loop3A_170, %parallel_loop3A_176 : i32
      %parallel_loop3A_178 = arith.constant 0 : i32
      %parallel_loop3A_179 = arith.cmpi sgt, %parallel_loop3A_170, %parallel_loop3A_178 : i32
      %parallel_loop3A_180 = arith.extui %parallel_loop3A_179 : i1 to i32
      %parallel_loop3A_181 = arith.constant 0 : i32
      %parallel_loop3A_182 = arith.cmpi slt, %parallel_loop3A_170, %parallel_loop3A_181 : i32
      %parallel_loop3A_183 = arith.extui %parallel_loop3A_182 : i1 to i32
      %parallel_loop3A_184 = arith.subi %parallel_loop3A_180, %parallel_loop3A_183 : i32
      %parallel_loop3A_185 = arith.constant 0 : i32
      %parallel_loop3A_186 = arith.cmpi sgt, %parallel_loop3A_176, %parallel_loop3A_185 : i32
      %parallel_loop3A_187 = arith.extui %parallel_loop3A_186 : i1 to i32
      %parallel_loop3A_188 = arith.constant 0 : i32
      %parallel_loop3A_189 = arith.cmpi slt, %parallel_loop3A_176, %parallel_loop3A_188 : i32
      %parallel_loop3A_190 = arith.extui %parallel_loop3A_189 : i1 to i32
      %parallel_loop3A_191 = arith.subi %parallel_loop3A_187, %parallel_loop3A_190 : i32
      %parallel_loop3A_192 = arith.cmpi ne, %parallel_loop3A_184, %parallel_loop3A_191 : i32
      %parallel_loop3A_193 = arith.remsi %parallel_loop3A_170, %parallel_loop3A_176 : i32
      %parallel_loop3A_194 = arith.constant 0 : i32
      %parallel_loop3A_195 = arith.cmpi ne, %parallel_loop3A_193, %parallel_loop3A_194 : i32
      %parallel_loop3A_196 = arith.andi %parallel_loop3A_192, %parallel_loop3A_195 : i1
      %parallel_loop3A_197 = arith.constant 1 : i32
      %parallel_loop3A_198 = arith.subi %parallel_loop3A_177, %parallel_loop3A_197 : i32
      %parallel_loop3A_199 = arith.select %parallel_loop3A_196, %parallel_loop3A_198, %parallel_loop3A_177 : i32
      %parallel_loop3A_200 = arith.constant 1024 : i32
      %parallel_loop3A_201 = arith.muli %parallel_loop3A_199, %parallel_loop3A_200 : i32
      %parallel_loop3A_202 = arith.constant 8 : i32
      %parallel_loop3A_203 = arith.constant 0 : i32
      %parallel_loop3A_204 = arith.cmpi eq, %parallel_loop3A_202, %parallel_loop3A_203 : i32
      %parallel_loop3A_205 = arith.constant 1 : i32
      %parallel_loop3A_206 = arith.select %parallel_loop3A_204, %parallel_loop3A_205, %parallel_loop3A_202 : i32
      %parallel_loop3A_207 = arith.remsi %parallel_loop3A_170, %parallel_loop3A_206 : i32
      %parallel_loop3A_208 = arith.constant 0 : i32
      %parallel_loop3A_209 = arith.cmpi ne, %parallel_loop3A_207, %parallel_loop3A_208 : i32
      %parallel_loop3A_210 = arith.constant 0 : i32
      %parallel_loop3A_211 = arith.cmpi slt, %parallel_loop3A_207, %parallel_loop3A_210 : i32
      %parallel_loop3A_212 = arith.constant 0 : i32
      %parallel_loop3A_213 = arith.cmpi slt, %parallel_loop3A_206, %parallel_loop3A_212 : i32
      %parallel_loop3A_214 = arith.xori %parallel_loop3A_211, %parallel_loop3A_213 : i1
      %parallel_loop3A_215 = arith.andi %parallel_loop3A_214, %parallel_loop3A_209 : i1
      %parallel_loop3A_216 = arith.addi %parallel_loop3A_207, %parallel_loop3A_206 : i32
      %parallel_loop3A_217 = arith.select %parallel_loop3A_215, %parallel_loop3A_216, %parallel_loop3A_207 : i32
      %parallel_loop3A_218 = arith.constant 16 : i32
      %parallel_loop3A_219 = arith.muli %parallel_loop3A_217, %parallel_loop3A_218 : i32
      %parallel_loop3A_220 = arith.addi %parallel_loop3A_201, %parallel_loop3A_219 : i32
      %parallel_loop3A_221 = arith.constant 0 : i32
      %parallel_loop3A_222 = vector.broadcast %parallel_loop3A_221 : i32 to vector<16xi32>
      %parallel_loop3A_223 = arith.addi %parallel_loop3A_175, %parallel_loop3A_222 : vector<16xi32>
      %parallel_loop3A_224 = arith.constant 0 : i32
      %parallel_loop3A_225 = arith.constant 0 : i32
      %parallel_loop3A_226 = tpu.memref_slice %arg6[%parallel_loop3A_224, %parallel_loop3A_225] : memref<3x16384xf32, #tpu.memory_space<vmem>> -> memref<1x16384xf32, #tpu.memory_space<vmem>>
      %parallel_loop3A_227 = tpu.memref_squeeze %parallel_loop3A_226 : memref<1x16384xf32, #tpu.memory_space<vmem>> -> memref<16384xf32, #tpu.memory_space<vmem>>
      %parallel_loop3A_228 = tpu.vector_load_idx %parallel_loop3A_227[%parallel_loop3A_223] : memref<16384xf32, #tpu.memory_space<vmem>>[vector<16xi32>], vector<16xf32>,
      %parallel_loop3A_229 = arith.constant 0 : i32
      %parallel_loop3A_230 = arith.addi %parallel_loop3A_220, %parallel_loop3A_229 : i32
      %parallel_loop3A_231 = tpu.assume_multiple %parallel_loop3A_230, 16 : i32
      %parallel_loop3A_232 = arith.constant 0 : i32
      %parallel_loop3A_233 = arith.index_cast %parallel_loop3A_232 : i32 to index
      %parallel_loop3A_234 = arith.index_cast %parallel_loop3A_231 : i32 to index
      %parallel_loop3A_235 = tpu.vector_load %arg7[%parallel_loop3A_233, %parallel_loop3A_234] {strides = array<i32>} : memref<3x16384xf32, #tpu.memory_space<vmem>>, vector<16xf32>,
      tpu.vector_store %arg7[%parallel_loop3A_233, %parallel_loop3A_234], %parallel_loop3A_228 {strides = array<i32>} : memref<3x16384xf32, #tpu.memory_space<vmem>>, vector<16xf32>,
      %parallel_loop3A_236 = arith.constant 128 : i32
      %parallel_loop3A_237 = vector.broadcast %parallel_loop3A_236 : i32 to vector<16xi32>
      %parallel_loop3A_238 = arith.addi %parallel_loop3A_175, %parallel_loop3A_237 : vector<16xi32>
      %parallel_loop3A_239 = arith.constant 0 : i32
      %parallel_loop3A_240 = arith.constant 0 : i32
      %parallel_loop3A_241 = tpu.memref_slice %arg6[%parallel_loop3A_239, %parallel_loop3A_240] : memref<3x16384xf32, #tpu.memory_space<vmem>> -> memref<1x16384xf32, #tpu.memory_space<vmem>>
      %parallel_loop3A_242 = tpu.memref_squeeze %parallel_loop3A_241 : memref<1x16384xf32, #tpu.memory_space<vmem>> -> memref<16384xf32, #tpu.memory_space<vmem>>
      %parallel_loop3A_243 = tpu.vector_load_idx %parallel_loop3A_242[%parallel_loop3A_238] : memref<16384xf32, #tpu.memory_space<vmem>>[vector<16xi32>], vector<16xf32>,
      %parallel_loop3A_244 = arith.constant 128 : i32
      %parallel_loop3A_245 = arith.addi %parallel_loop3A_220, %parallel_loop3A_244 : i32
      %parallel_loop3A_246 = tpu.assume_multiple %parallel_loop3A_245, 16 : i32
      %parallel_loop3A_247 = arith.constant 0 : i32
      %parallel_loop3A_248 = arith.index_cast %parallel_loop3A_247 : i32 to index
      %parallel_loop3A_249 = arith.index_cast %parallel_loop3A_246 : i32 to index
      %parallel_loop3A_250 = tpu.vector_load %arg7[%parallel_loop3A_248, %parallel_loop3A_249] {strides = array<i32>} : memref<3x16384xf32, #tpu.memory_space<vmem>>, vector<16xf32>,
      tpu.vector_store %arg7[%parallel_loop3A_248, %parallel_loop3A_249], %parallel_loop3A_243 {strides = array<i32>} : memref<3x16384xf32, #tpu.memory_space<vmem>>, vector<16xf32>,
      %parallel_loop3A_251 = arith.constant 256 : i32
      %parallel_loop3A_252 = vector.broadcast %parallel_loop3A_251 : i32 to vector<16xi32>
      %parallel_loop3A_253 = arith.addi %parallel_loop3A_175, %parallel_loop3A_252 : vector<16xi32>
      %parallel_loop3A_254 = arith.constant 0 : i32
      %parallel_loop3A_255 = arith.constant 0 : i32
      %parallel_loop3A_256 = tpu.memref_slice %arg6[%parallel_loop3A_254, %parallel_loop3A_255] : memref<3x16384xf32, #tpu.memory_space<vmem>> -> memref<1x16384xf32, #tpu.memory_space<vmem>>
      %parallel_loop3A_257 = tpu.memref_squeeze %parallel_loop3A_256 : memref<1x16384xf32, #tpu.memory_space<vmem>> -> memref<16384xf32, #tpu.memory_space<vmem>>
      %parallel_loop3A_258 = tpu.vector_load_idx %parallel_loop3A_257[%parallel_loop3A_253] : memref<16384xf32, #tpu.memory_space<vmem>>[vector<16xi32>], vector<16xf32>,
      %parallel_loop3A_259 = arith.constant 256 : i32
      %parallel_loop3A_260 = arith.addi %parallel_loop3A_220, %parallel_loop3A_259 : i32
      %parallel_loop3A_261 = tpu.assume_multiple %parallel_loop3A_260, 16 : i32
      %parallel_loop3A_262 = arith.constant 0 : i32
      %parallel_loop3A_263 = arith.index_cast %parallel_loop3A_262 : i32 to index
      %parallel_loop3A_264 = arith.index_cast %parallel_loop3A_261 : i32 to index
      %parallel_loop3A_265 = tpu.vector_load %arg7[%parallel_loop3A_263, %parallel_loop3A_264] {strides = array<i32>} : memref<3x16384xf32, #tpu.memory_space<vmem>>, vector<16xf32>,
      tpu.vector_store %arg7[%parallel_loop3A_263, %parallel_loop3A_264], %parallel_loop3A_258 {strides = array<i32>} : memref<3x16384xf32, #tpu.memory_space<vmem>>, vector<16xf32>,
      %parallel_loop3A_266 = arith.constant 384 : i32
      %parallel_loop3A_267 = vector.broadcast %parallel_loop3A_266 : i32 to vector<16xi32>
      %parallel_loop3A_268 = arith.addi %parallel_loop3A_175, %parallel_loop3A_267 : vector<16xi32>
      %parallel_loop3A_269 = arith.constant 0 : i32
      %parallel_loop3A_270 = arith.constant 0 : i32
      %parallel_loop3A_271 = tpu.memref_slice %arg6[%parallel_loop3A_269, %parallel_loop3A_270] : memref<3x16384xf32, #tpu.memory_space<vmem>> -> memref<1x16384xf32, #tpu.memory_space<vmem>>
      %parallel_loop3A_272 = tpu.memref_squeeze %parallel_loop3A_271 : memref<1x16384xf32, #tpu.memory_space<vmem>> -> memref<16384xf32, #tpu.memory_space<vmem>>
      %parallel_loop3A_273 = tpu.vector_load_idx %parallel_loop3A_272[%parallel_loop3A_268] : memref<16384xf32, #tpu.memory_space<vmem>>[vector<16xi32>], vector<16xf32>,
      %parallel_loop3A_274 = arith.constant 384 : i32
      %parallel_loop3A_275 = arith.addi %parallel_loop3A_220, %parallel_loop3A_274 : i32
      %parallel_loop3A_276 = tpu.assume_multiple %parallel_loop3A_275, 16 : i32
      %parallel_loop3A_277 = arith.constant 0 : i32
      %parallel_loop3A_278 = arith.index_cast %parallel_loop3A_277 : i32 to index
      %parallel_loop3A_279 = arith.index_cast %parallel_loop3A_276 : i32 to index
      %parallel_loop3A_280 = tpu.vector_load %arg7[%parallel_loop3A_278, %parallel_loop3A_279] {strides = array<i32>} : memref<3x16384xf32, #tpu.memory_space<vmem>>, vector<16xf32>,
      tpu.vector_store %arg7[%parallel_loop3A_278, %parallel_loop3A_279], %parallel_loop3A_273 {strides = array<i32>} : memref<3x16384xf32, #tpu.memory_space<vmem>>, vector<16xf32>,
      %parallel_loop3A_281 = arith.constant 512 : i32
      %parallel_loop3A_282 = vector.broadcast %parallel_loop3A_281 : i32 to vector<16xi32>
      %parallel_loop3A_283 = arith.addi %parallel_loop3A_175, %parallel_loop3A_282 : vector<16xi32>
      %parallel_loop3A_284 = arith.constant 0 : i32
      %parallel_loop3A_285 = arith.constant 0 : i32
      %parallel_loop3A_286 = tpu.memref_slice %arg6[%parallel_loop3A_284, %parallel_loop3A_285] : memref<3x16384xf32, #tpu.memory_space<vmem>> -> memref<1x16384xf32, #tpu.memory_space<vmem>>
      %parallel_loop3A_287 = tpu.memref_squeeze %parallel_loop3A_286 : memref<1x16384xf32, #tpu.memory_space<vmem>> -> memref<16384xf32, #tpu.memory_space<vmem>>
      %parallel_loop3A_288 = tpu.vector_load_idx %parallel_loop3A_287[%parallel_loop3A_283] : memref<16384xf32, #tpu.memory_space<vmem>>[vector<16xi32>], vector<16xf32>,
      %parallel_loop3A_289 = arith.constant 512 : i32
      %parallel_loop3A_290 = arith.addi %parallel_loop3A_220, %parallel_loop3A_289 : i32
      %parallel_loop3A_291 = tpu.assume_multiple %parallel_loop3A_290, 16 : i32
      %parallel_loop3A_292 = arith.constant 0 : i32
      %parallel_loop3A_293 = arith.index_cast %parallel_loop3A_292 : i32 to index
      %parallel_loop3A_294 = arith.index_cast %parallel_loop3A_291 : i32 to index
      %parallel_loop3A_295 = tpu.vector_load %arg7[%parallel_loop3A_293, %parallel_loop3A_294] {strides = array<i32>} : memref<3x16384xf32, #tpu.memory_space<vmem>>, vector<16xf32>,
      tpu.vector_store %arg7[%parallel_loop3A_293, %parallel_loop3A_294], %parallel_loop3A_288 {strides = array<i32>} : memref<3x16384xf32, #tpu.memory_space<vmem>>, vector<16xf32>,
      %parallel_loop3A_296 = arith.constant 640 : i32
      %parallel_loop3A_297 = vector.broadcast %parallel_loop3A_296 : i32 to vector<16xi32>
      %parallel_loop3A_298 = arith.addi %parallel_loop3A_175, %parallel_loop3A_297 : vector<16xi32>
      %parallel_loop3A_299 = arith.constant 0 : i32
      %parallel_loop3A_300 = arith.constant 0 : i32
      %parallel_loop3A_301 = tpu.memref_slice %arg6[%parallel_loop3A_299, %parallel_loop3A_300] : memref<3x16384xf32, #tpu.memory_space<vmem>> -> memref<1x16384xf32, #tpu.memory_space<vmem>>
      %parallel_loop3A_302 = tpu.memref_squeeze %parallel_loop3A_301 : memref<1x16384xf32, #tpu.memory_space<vmem>> -> memref<16384xf32, #tpu.memory_space<vmem>>
      %parallel_loop3A_303 = tpu.vector_load_idx %parallel_loop3A_302[%parallel_loop3A_298] : memref<16384xf32, #tpu.memory_space<vmem>>[vector<16xi32>], vector<16xf32>,
      %parallel_loop3A_304 = arith.constant 640 : i32
      %parallel_loop3A_305 = arith.addi %parallel_loop3A_220, %parallel_loop3A_304 : i32
      %parallel_loop3A_306 = tpu.assume_multiple %parallel_loop3A_305, 16 : i32
      %parallel_loop3A_307 = arith.constant 0 : i32
      %parallel_loop3A_308 = arith.index_cast %parallel_loop3A_307 : i32 to index
      %parallel_loop3A_309 = arith.index_cast %parallel_loop3A_306 : i32 to index
      %parallel_loop3A_310 = tpu.vector_load %arg7[%parallel_loop3A_308, %parallel_loop3A_309] {strides = array<i32>} : memref<3x16384xf32, #tpu.memory_space<vmem>>, vector<16xf32>,
      tpu.vector_store %arg7[%parallel_loop3A_308, %parallel_loop3A_309], %parallel_loop3A_303 {strides = array<i32>} : memref<3x16384xf32, #tpu.memory_space<vmem>>, vector<16xf32>,
      %parallel_loop3A_311 = arith.constant 768 : i32
      %parallel_loop3A_312 = vector.broadcast %parallel_loop3A_311 : i32 to vector<16xi32>
      %parallel_loop3A_313 = arith.addi %parallel_loop3A_175, %parallel_loop3A_312 : vector<16xi32>
      %parallel_loop3A_314 = arith.constant 0 : i32
      %parallel_loop3A_315 = arith.constant 0 : i32
      %parallel_loop3A_316 = tpu.memref_slice %arg6[%parallel_loop3A_314, %parallel_loop3A_315] : memref<3x16384xf32, #tpu.memory_space<vmem>> -> memref<1x16384xf32, #tpu.memory_space<vmem>>
      %parallel_loop3A_317 = tpu.memref_squeeze %parallel_loop3A_316 : memref<1x16384xf32, #tpu.memory_space<vmem>> -> memref<16384xf32, #tpu.memory_space<vmem>>
      %parallel_loop3A_318 = tpu.vector_load_idx %parallel_loop3A_317[%parallel_loop3A_313] : memref<16384xf32, #tpu.memory_space<vmem>>[vector<16xi32>], vector<16xf32>,
      %parallel_loop3A_319 = arith.constant 768 : i32
      %parallel_loop3A_320 = arith.addi %parallel_loop3A_220, %parallel_loop3A_319 : i32
      %parallel_loop3A_321 = tpu.assume_multiple %parallel_loop3A_320, 16 : i32
      %parallel_loop3A_322 = arith.constant 0 : i32
      %parallel_loop3A_323 = arith.index_cast %parallel_loop3A_322 : i32 to index
      %parallel_loop3A_324 = arith.index_cast %parallel_loop3A_321 : i32 to index
      %parallel_loop3A_325 = tpu.vector_load %arg7[%parallel_loop3A_323, %parallel_loop3A_324] {strides = array<i32>} : memref<3x16384xf32, #tpu.memory_space<vmem>>, vector<16xf32>,
      tpu.vector_store %arg7[%parallel_loop3A_323, %parallel_loop3A_324], %parallel_loop3A_318 {strides = array<i32>} : memref<3x16384xf32, #tpu.memory_space<vmem>>, vector<16xf32>,
      %parallel_loop3A_326 = arith.constant 896 : i32
      %parallel_loop3A_327 = vector.broadcast %parallel_loop3A_326 : i32 to vector<16xi32>
      %parallel_loop3A_328 = arith.addi %parallel_loop3A_175, %parallel_loop3A_327 : vector<16xi32>
      %parallel_loop3A_329 = arith.constant 0 : i32
      %parallel_loop3A_330 = arith.constant 0 : i32
      %parallel_loop3A_331 = tpu.memref_slice %arg6[%parallel_loop3A_329, %parallel_loop3A_330] : memref<3x16384xf32, #tpu.memory_space<vmem>> -> memref<1x16384xf32, #tpu.memory_space<vmem>>
      %parallel_loop3A_332 = tpu.memref_squeeze %parallel_loop3A_331 : memref<1x16384xf32, #tpu.memory_space<vmem>> -> memref<16384xf32, #tpu.memory_space<vmem>>
      %parallel_loop3A_333 = tpu.vector_load_idx %parallel_loop3A_332[%parallel_loop3A_328] : memref<16384xf32, #tpu.memory_space<vmem>>[vector<16xi32>], vector<16xf32>,
      %parallel_loop3A_334 = arith.constant 896 : i32
      %parallel_loop3A_335 = arith.addi %parallel_loop3A_220, %parallel_loop3A_334 : i32
      %parallel_loop3A_336 = tpu.assume_multiple %parallel_loop3A_335, 16 : i32
      %parallel_loop3A_337 = arith.constant 0 : i32
      %parallel_loop3A_338 = arith.index_cast %parallel_loop3A_337 : i32 to index
      %parallel_loop3A_339 = arith.index_cast %parallel_loop3A_336 : i32 to index
      %parallel_loop3A_340 = tpu.vector_load %arg7[%parallel_loop3A_338, %parallel_loop3A_339] {strides = array<i32>} : memref<3x16384xf32, #tpu.memory_space<vmem>>, vector<16xf32>,
      tpu.vector_store %arg7[%parallel_loop3A_338, %parallel_loop3A_339], %parallel_loop3A_333 {strides = array<i32>} : memref<3x16384xf32, #tpu.memory_space<vmem>>, vector<16xf32>,
    } {sc.loop_unroll_factor = 4 : i64, sc.parallel_access}
    %add3A_71 = arith.constant 30 : i32
    %add3A_72 = arith.addi %mul3A_2, %add3A_71 : i32
    %dma_start3A_73 = arith.constant 0 : i32
    %dma_start3A_74 = arith.constant 0 : i32
    %dma_start3A_75 = tpu.memref_slice %arg7[%dma_start3A_73, %dma_start3A_74] : memref<3x16384xf32, #tpu.memory_space<vmem>> -> memref<1x16384xf32, #tpu.memory_space<vmem>>
    %dma_start3A_76 = tpu.memref_squeeze %dma_start3A_75 : memref<1x16384xf32, #tpu.memory_space<vmem>> -> memref<16384xf32, #tpu.memory_space<vmem>>
    %dma_start3A_77 = arith.constant 0 : i32
    %dma_start3A_78 = tpu.memref_slice %arg4[%add3A_72, %dma_start3A_77] : memref<1024x16384xf32, #tpu.memory_space<hbm>> -> memref<1x16384xf32, #tpu.memory_space<hbm>>
    %dma_start3A_79 = tpu.memref_squeeze %dma_start3A_78 : memref<1x16384xf32, #tpu.memory_space<hbm>> -> memref<16384xf32, #tpu.memory_space<hbm>>
    %dma_start3A_80 = arith.constant 0 : i32
    %dma_start3A_81 = tpu.memref_slice %arg4[%add3A_72, %dma_start3A_80] : memref<1024x16384xf32, #tpu.memory_space<hbm>> -> memref<1x16384xf32, #tpu.memory_space<hbm>>
    %dma_start3A_82 = tpu.memref_squeeze %dma_start3A_81 : memref<1x16384xf32, #tpu.memory_space<hbm>> -> memref<16384xf32, #tpu.memory_space<hbm>>
    %dma_start3A_83 = arith.constant 0 : i32
    %dma_start3A_84 = tpu.memref_slice %arg7[%dma_start3A_73, %dma_start3A_83] : memref<3x16384xf32, #tpu.memory_space<vmem>> -> memref<1x16384xf32, #tpu.memory_space<vmem>>
    %dma_start3A_85 = tpu.memref_squeeze %dma_start3A_84 : memref<1x16384xf32, #tpu.memory_space<vmem>> -> memref<16384xf32, #tpu.memory_space<vmem>>
    tpu.enqueue_dma source(%dma_start3A_85 : memref<16384xf32, #tpu.memory_space<vmem>>) target(%dma_start3A_82 : memref<16384xf32, #tpu.memory_space<hbm>>) target_semaphore(%arg11 : memref<!tpu.dma_semaphore, #tpu.memory_space<semaphore_mem>>)
    %add3A_86 = arith.constant 31 : i32
    %add3A_87 = arith.addi %mul3A_2, %add3A_86 : i32
    %dma_wait3A_88 = arith.constant 1 : i32
    %dma_wait3A_89 = arith.constant 0 : i32
    %dma_wait3A_90 = tpu.memref_slice %arg6[%dma_wait3A_88, %dma_wait3A_89] : memref<3x16384xf32, #tpu.memory_space<vmem>> -> memref<1x16384xf32, #tpu.memory_space<vmem>>
    %dma_wait3A_91 = tpu.memref_squeeze %dma_wait3A_90 : memref<1x16384xf32, #tpu.memory_space<vmem>> -> memref<16384xf32, #tpu.memory_space<vmem>>
    %dma_wait3A_92 = arith.constant 0 : i32
    %dma_wait3A_93 = tpu.memref_slice %arg2[%add3A_87, %dma_wait3A_92] : memref<1024x16384xf32, #tpu.memory_space<hbm>> -> memref<1x16384xf32, #tpu.memory_space<hbm>>
    %dma_wait3A_94 = tpu.memref_squeeze %dma_wait3A_93 : memref<1x16384xf32, #tpu.memory_space<hbm>> -> memref<16384xf32, #tpu.memory_space<hbm>>
    %dma_wait3A_95 = arith.constant 0 : i32
    %dma_wait3A_96 = tpu.memref_slice %arg6[%dma_wait3A_88, %dma_wait3A_95] : memref<3x16384xf32, #tpu.memory_space<vmem>> -> memref<1x16384xf32, #tpu.memory_space<vmem>>
    %dma_wait3A_97 = tpu.memref_squeeze %dma_wait3A_96 : memref<1x16384xf32, #tpu.memory_space<vmem>> -> memref<16384xf32, #tpu.memory_space<vmem>>
    %dma_wait3A_98 = arith.constant 0 : i32
    %dma_wait3A_99 = tpu.memref_slice %arg2[%add3A_87, %dma_wait3A_98] : memref<1024x16384xf32, #tpu.memory_space<hbm>> -> memref<1x16384xf32, #tpu.memory_space<hbm>>
    %dma_wait3A_100 = tpu.memref_squeeze %dma_wait3A_99 : memref<1x16384xf32, #tpu.memory_space<hbm>> -> memref<16384xf32, #tpu.memory_space<hbm>>
    tpu.wait_dma2 semaphore(%arg9 : memref<!tpu.dma_semaphore, #tpu.memory_space<semaphore_mem>>) src(%dma_wait3A_100 : memref<16384xf32, #tpu.memory_space<hbm>>) dst(%dma_wait3A_97 : memref<16384xf32, #tpu.memory_space<vmem>>)
    %not3A_101 = arith.constant false
    %not3A_102 = arith.constant true
    %not3A_103 = arith.xori %not3A_101, %not3A_102 : i1
    %convert_element_type3A_104 = arith.extui %not3A_103 : i1 to i32
    %cond3A_105 = arith.constant 0 : i32
    %cond3A_106 = arith.cmpi ne, %convert_element_type3A_104, %cond3A_105 : i32
    scf.if %cond3A_106 {
      %add3A_170 = arith.constant 28 : i32
      %add3A_171 = arith.addi %mul3A_2, %add3A_170 : i32
      %dma_wait3A_172 = arith.constant 1 : i32
      %dma_wait3A_173 = arith.constant 0 : i32
      %dma_wait3A_174 = tpu.memref_slice %arg7[%dma_wait3A_172, %dma_wait3A_173] : memref<3x16384xf32, #tpu.memory_space<vmem>> -> memref<1x16384xf32, #tpu.memory_space<vmem>>
      %dma_wait3A_175 = tpu.memref_squeeze %dma_wait3A_174 : memref<1x16384xf32, #tpu.memory_space<vmem>> -> memref<16384xf32, #tpu.memory_space<vmem>>
      %dma_wait3A_176 = arith.constant 0 : i32
      %dma_wait3A_177 = tpu.memref_slice %arg4[%add3A_171, %dma_wait3A_176] : memref<1024x16384xf32, #tpu.memory_space<hbm>> -> memref<1x16384xf32, #tpu.memory_space<hbm>>
      %dma_wait3A_178 = tpu.memref_squeeze %dma_wait3A_177 : memref<1x16384xf32, #tpu.memory_space<hbm>> -> memref<16384xf32, #tpu.memory_space<hbm>>
      %dma_wait3A_179 = arith.constant 0 : i32
      %dma_wait3A_180 = tpu.memref_slice %arg4[%add3A_171, %dma_wait3A_179] : memref<1024x16384xf32, #tpu.memory_space<hbm>> -> memref<1x16384xf32, #tpu.memory_space<hbm>>
      %dma_wait3A_181 = tpu.memref_squeeze %dma_wait3A_180 : memref<1x16384xf32, #tpu.memory_space<hbm>> -> memref<16384xf32, #tpu.memory_space<hbm>>
      %dma_wait3A_182 = arith.constant 0 : i32
      %dma_wait3A_183 = tpu.memref_slice %arg7[%dma_wait3A_172, %dma_wait3A_182] : memref<3x16384xf32, #tpu.memory_space<vmem>> -> memref<1x16384xf32, #tpu.memory_space<vmem>>
      %dma_wait3A_184 = tpu.memref_squeeze %dma_wait3A_183 : memref<1x16384xf32, #tpu.memory_space<vmem>> -> memref<16384xf32, #tpu.memory_space<vmem>>
      tpu.wait_dma2 semaphore(%arg12 : memref<!tpu.dma_semaphore, #tpu.memory_space<semaphore_mem>>) src(%dma_wait3A_184 : memref<16384xf32, #tpu.memory_space<vmem>>) dst(%dma_wait3A_181 : memref<16384xf32, #tpu.memory_space<hbm>>)
    } else {
    }
    %parallel_loop3A_107 = arith.constant 0 : i32
    %parallel_loop3A_108 = arith.constant 128 : i32
    %parallel_loop3A_109 = arith.constant 1 : i32
    scf.for %parallel_loop3A_170 = %parallel_loop3A_107 to %parallel_loop3A_108 step %parallel_loop3A_109  : i32 {
      %parallel_loop3A_171 = arith.constant 16 : i32
      %parallel_loop3A_172 = arith.muli %parallel_loop3A_170, %parallel_loop3A_171 : i32
      %parallel_loop3A_173 = tpu.assume_multiple %parallel_loop3A_172, 16 : i32
      %parallel_loop3A_174 = arith.index_cast %parallel_loop3A_173 : i32 to index
      %parallel_loop3A_175 = tpu.vector_load %arg5[%parallel_loop3A_174] {strides = array<i32>} : memref<2048xi32, #tpu.memory_space<vmem>>, vector<16xi32>,
      %parallel_loop3A_176 = arith.constant 8 : i32
      %parallel_loop3A_177 = arith.divsi %parallel_loop3A_170, %parallel_loop3A_176 : i32
      %parallel_loop3A_178 = arith.constant 0 : i32
      %parallel_loop3A_179 = arith.cmpi sgt, %parallel_loop3A_170, %parallel_loop3A_178 : i32
      %parallel_loop3A_180 = arith.extui %parallel_loop3A_179 : i1 to i32
      %parallel_loop3A_181 = arith.constant 0 : i32
      %parallel_loop3A_182 = arith.cmpi slt, %parallel_loop3A_170, %parallel_loop3A_181 : i32
      %parallel_loop3A_183 = arith.extui %parallel_loop3A_182 : i1 to i32
      %parallel_loop3A_184 = arith.subi %parallel_loop3A_180, %parallel_loop3A_183 : i32
      %parallel_loop3A_185 = arith.constant 0 : i32
      %parallel_loop3A_186 = arith.cmpi sgt, %parallel_loop3A_176, %parallel_loop3A_185 : i32
      %parallel_loop3A_187 = arith.extui %parallel_loop3A_186 : i1 to i32
      %parallel_loop3A_188 = arith.constant 0 : i32
      %parallel_loop3A_189 = arith.cmpi slt, %parallel_loop3A_176, %parallel_loop3A_188 : i32
      %parallel_loop3A_190 = arith.extui %parallel_loop3A_189 : i1 to i32
      %parallel_loop3A_191 = arith.subi %parallel_loop3A_187, %parallel_loop3A_190 : i32
      %parallel_loop3A_192 = arith.cmpi ne, %parallel_loop3A_184, %parallel_loop3A_191 : i32
      %parallel_loop3A_193 = arith.remsi %parallel_loop3A_170, %parallel_loop3A_176 : i32
      %parallel_loop3A_194 = arith.constant 0 : i32
      %parallel_loop3A_195 = arith.cmpi ne, %parallel_loop3A_193, %parallel_loop3A_194 : i32
      %parallel_loop3A_196 = arith.andi %parallel_loop3A_192, %parallel_loop3A_195 : i1
      %parallel_loop3A_197 = arith.constant 1 : i32
      %parallel_loop3A_198 = arith.subi %parallel_loop3A_177, %parallel_loop3A_197 : i32
      %parallel_loop3A_199 = arith.select %parallel_loop3A_196, %parallel_loop3A_198, %parallel_loop3A_177 : i32
      %parallel_loop3A_200 = arith.constant 1024 : i32
      %parallel_loop3A_201 = arith.muli %parallel_loop3A_199, %parallel_loop3A_200 : i32
      %parallel_loop3A_202 = arith.constant 8 : i32
      %parallel_loop3A_203 = arith.constant 0 : i32
      %parallel_loop3A_204 = arith.cmpi eq, %parallel_loop3A_202, %parallel_loop3A_203 : i32
      %parallel_loop3A_205 = arith.constant 1 : i32
      %parallel_loop3A_206 = arith.select %parallel_loop3A_204, %parallel_loop3A_205, %parallel_loop3A_202 : i32
      %parallel_loop3A_207 = arith.remsi %parallel_loop3A_170, %parallel_loop3A_206 : i32
      %parallel_loop3A_208 = arith.constant 0 : i32
      %parallel_loop3A_209 = arith.cmpi ne, %parallel_loop3A_207, %parallel_loop3A_208 : i32
      %parallel_loop3A_210 = arith.constant 0 : i32
      %parallel_loop3A_211 = arith.cmpi slt, %parallel_loop3A_207, %parallel_loop3A_210 : i32
      %parallel_loop3A_212 = arith.constant 0 : i32
      %parallel_loop3A_213 = arith.cmpi slt, %parallel_loop3A_206, %parallel_loop3A_212 : i32
      %parallel_loop3A_214 = arith.xori %parallel_loop3A_211, %parallel_loop3A_213 : i1
      %parallel_loop3A_215 = arith.andi %parallel_loop3A_214, %parallel_loop3A_209 : i1
      %parallel_loop3A_216 = arith.addi %parallel_loop3A_207, %parallel_loop3A_206 : i32
      %parallel_loop3A_217 = arith.select %parallel_loop3A_215, %parallel_loop3A_216, %parallel_loop3A_207 : i32
      %parallel_loop3A_218 = arith.constant 16 : i32
      %parallel_loop3A_219 = arith.muli %parallel_loop3A_217, %parallel_loop3A_218 : i32
      %parallel_loop3A_220 = arith.addi %parallel_loop3A_201, %parallel_loop3A_219 : i32
      %parallel_loop3A_221 = arith.constant 0 : i32
      %parallel_loop3A_222 = vector.broadcast %parallel_loop3A_221 : i32 to vector<16xi32>
      %parallel_loop3A_223 = arith.addi %parallel_loop3A_175, %parallel_loop3A_222 : vector<16xi32>
      %parallel_loop3A_224 = arith.constant 1 : i32
      %parallel_loop3A_225 = arith.constant 0 : i32
      %parallel_loop3A_226 = tpu.memref_slice %arg6[%parallel_loop3A_224, %parallel_loop3A_225] : memref<3x16384xf32, #tpu.memory_space<vmem>> -> memref<1x16384xf32, #tpu.memory_space<vmem>>
      %parallel_loop3A_227 = tpu.memref_squeeze %parallel_loop3A_226 : memref<1x16384xf32, #tpu.memory_space<vmem>> -> memref<16384xf32, #tpu.memory_space<vmem>>
      %parallel_loop3A_228 = tpu.vector_load_idx %parallel_loop3A_227[%parallel_loop3A_223] : memref<16384xf32, #tpu.memory_space<vmem>>[vector<16xi32>], vector<16xf32>,
      %parallel_loop3A_229 = arith.constant 0 : i32
      %parallel_loop3A_230 = arith.addi %parallel_loop3A_220, %parallel_loop3A_229 : i32
      %parallel_loop3A_231 = tpu.assume_multiple %parallel_loop3A_230, 16 : i32
      %parallel_loop3A_232 = arith.constant 1 : i32
      %parallel_loop3A_233 = arith.index_cast %parallel_loop3A_232 : i32 to index
      %parallel_loop3A_234 = arith.index_cast %parallel_loop3A_231 : i32 to index
      %parallel_loop3A_235 = tpu.vector_load %arg7[%parallel_loop3A_233, %parallel_loop3A_234] {strides = array<i32>} : memref<3x16384xf32, #tpu.memory_space<vmem>>, vector<16xf32>,
      tpu.vector_store %arg7[%parallel_loop3A_233, %parallel_loop3A_234], %parallel_loop3A_228 {strides = array<i32>} : memref<3x16384xf32, #tpu.memory_space<vmem>>, vector<16xf32>,
      %parallel_loop3A_236 = arith.constant 128 : i32
      %parallel_loop3A_237 = vector.broadcast %parallel_loop3A_236 : i32 to vector<16xi32>
      %parallel_loop3A_238 = arith.addi %parallel_loop3A_175, %parallel_loop3A_237 : vector<16xi32>
      %parallel_loop3A_239 = arith.constant 1 : i32
      %parallel_loop3A_240 = arith.constant 0 : i32
      %parallel_loop3A_241 = tpu.memref_slice %arg6[%parallel_loop3A_239, %parallel_loop3A_240] : memref<3x16384xf32, #tpu.memory_space<vmem>> -> memref<1x16384xf32, #tpu.memory_space<vmem>>
      %parallel_loop3A_242 = tpu.memref_squeeze %parallel_loop3A_241 : memref<1x16384xf32, #tpu.memory_space<vmem>> -> memref<16384xf32, #tpu.memory_space<vmem>>
      %parallel_loop3A_243 = tpu.vector_load_idx %parallel_loop3A_242[%parallel_loop3A_238] : memref<16384xf32, #tpu.memory_space<vmem>>[vector<16xi32>], vector<16xf32>,
      %parallel_loop3A_244 = arith.constant 128 : i32
      %parallel_loop3A_245 = arith.addi %parallel_loop3A_220, %parallel_loop3A_244 : i32
      %parallel_loop3A_246 = tpu.assume_multiple %parallel_loop3A_245, 16 : i32
      %parallel_loop3A_247 = arith.constant 1 : i32
      %parallel_loop3A_248 = arith.index_cast %parallel_loop3A_247 : i32 to index
      %parallel_loop3A_249 = arith.index_cast %parallel_loop3A_246 : i32 to index
      %parallel_loop3A_250 = tpu.vector_load %arg7[%parallel_loop3A_248, %parallel_loop3A_249] {strides = array<i32>} : memref<3x16384xf32, #tpu.memory_space<vmem>>, vector<16xf32>,
      tpu.vector_store %arg7[%parallel_loop3A_248, %parallel_loop3A_249], %parallel_loop3A_243 {strides = array<i32>} : memref<3x16384xf32, #tpu.memory_space<vmem>>, vector<16xf32>,
      %parallel_loop3A_251 = arith.constant 256 : i32
      %parallel_loop3A_252 = vector.broadcast %parallel_loop3A_251 : i32 to vector<16xi32>
      %parallel_loop3A_253 = arith.addi %parallel_loop3A_175, %parallel_loop3A_252 : vector<16xi32>
      %parallel_loop3A_254 = arith.constant 1 : i32
      %parallel_loop3A_255 = arith.constant 0 : i32
      %parallel_loop3A_256 = tpu.memref_slice %arg6[%parallel_loop3A_254, %parallel_loop3A_255] : memref<3x16384xf32, #tpu.memory_space<vmem>> -> memref<1x16384xf32, #tpu.memory_space<vmem>>
      %parallel_loop3A_257 = tpu.memref_squeeze %parallel_loop3A_256 : memref<1x16384xf32, #tpu.memory_space<vmem>> -> memref<16384xf32, #tpu.memory_space<vmem>>
      %parallel_loop3A_258 = tpu.vector_load_idx %parallel_loop3A_257[%parallel_loop3A_253] : memref<16384xf32, #tpu.memory_space<vmem>>[vector<16xi32>], vector<16xf32>,
      %parallel_loop3A_259 = arith.constant 256 : i32
      %parallel_loop3A_260 = arith.addi %parallel_loop3A_220, %parallel_loop3A_259 : i32
      %parallel_loop3A_261 = tpu.assume_multiple %parallel_loop3A_260, 16 : i32
      %parallel_loop3A_262 = arith.constant 1 : i32
      %parallel_loop3A_263 = arith.index_cast %parallel_loop3A_262 : i32 to index
      %parallel_loop3A_264 = arith.index_cast %parallel_loop3A_261 : i32 to index
      %parallel_loop3A_265 = tpu.vector_load %arg7[%parallel_loop3A_263, %parallel_loop3A_264] {strides = array<i32>} : memref<3x16384xf32, #tpu.memory_space<vmem>>, vector<16xf32>,
      tpu.vector_store %arg7[%parallel_loop3A_263, %parallel_loop3A_264], %parallel_loop3A_258 {strides = array<i32>} : memref<3x16384xf32, #tpu.memory_space<vmem>>, vector<16xf32>,
      %parallel_loop3A_266 = arith.constant 384 : i32
      %parallel_loop3A_267 = vector.broadcast %parallel_loop3A_266 : i32 to vector<16xi32>
      %parallel_loop3A_268 = arith.addi %parallel_loop3A_175, %parallel_loop3A_267 : vector<16xi32>
      %parallel_loop3A_269 = arith.constant 1 : i32
      %parallel_loop3A_270 = arith.constant 0 : i32
      %parallel_loop3A_271 = tpu.memref_slice %arg6[%parallel_loop3A_269, %parallel_loop3A_270] : memref<3x16384xf32, #tpu.memory_space<vmem>> -> memref<1x16384xf32, #tpu.memory_space<vmem>>
      %parallel_loop3A_272 = tpu.memref_squeeze %parallel_loop3A_271 : memref<1x16384xf32, #tpu.memory_space<vmem>> -> memref<16384xf32, #tpu.memory_space<vmem>>
      %parallel_loop3A_273 = tpu.vector_load_idx %parallel_loop3A_272[%parallel_loop3A_268] : memref<16384xf32, #tpu.memory_space<vmem>>[vector<16xi32>], vector<16xf32>,
      %parallel_loop3A_274 = arith.constant 384 : i32
      %parallel_loop3A_275 = arith.addi %parallel_loop3A_220, %parallel_loop3A_274 : i32
      %parallel_loop3A_276 = tpu.assume_multiple %parallel_loop3A_275, 16 : i32
      %parallel_loop3A_277 = arith.constant 1 : i32
      %parallel_loop3A_278 = arith.index_cast %parallel_loop3A_277 : i32 to index
      %parallel_loop3A_279 = arith.index_cast %parallel_loop3A_276 : i32 to index
      %parallel_loop3A_280 = tpu.vector_load %arg7[%parallel_loop3A_278, %parallel_loop3A_279] {strides = array<i32>} : memref<3x16384xf32, #tpu.memory_space<vmem>>, vector<16xf32>,
      tpu.vector_store %arg7[%parallel_loop3A_278, %parallel_loop3A_279], %parallel_loop3A_273 {strides = array<i32>} : memref<3x16384xf32, #tpu.memory_space<vmem>>, vector<16xf32>,
      %parallel_loop3A_281 = arith.constant 512 : i32
      %parallel_loop3A_282 = vector.broadcast %parallel_loop3A_281 : i32 to vector<16xi32>
      %parallel_loop3A_283 = arith.addi %parallel_loop3A_175, %parallel_loop3A_282 : vector<16xi32>
      %parallel_loop3A_284 = arith.constant 1 : i32
      %parallel_loop3A_285 = arith.constant 0 : i32
      %parallel_loop3A_286 = tpu.memref_slice %arg6[%parallel_loop3A_284, %parallel_loop3A_285] : memref<3x16384xf32, #tpu.memory_space<vmem>> -> memref<1x16384xf32, #tpu.memory_space<vmem>>
      %parallel_loop3A_287 = tpu.memref_squeeze %parallel_loop3A_286 : memref<1x16384xf32, #tpu.memory_space<vmem>> -> memref<16384xf32, #tpu.memory_space<vmem>>
      %parallel_loop3A_288 = tpu.vector_load_idx %parallel_loop3A_287[%parallel_loop3A_283] : memref<16384xf32, #tpu.memory_space<vmem>>[vector<16xi32>], vector<16xf32>,
      %parallel_loop3A_289 = arith.constant 512 : i32
      %parallel_loop3A_290 = arith.addi %parallel_loop3A_220, %parallel_loop3A_289 : i32
      %parallel_loop3A_291 = tpu.assume_multiple %parallel_loop3A_290, 16 : i32
      %parallel_loop3A_292 = arith.constant 1 : i32
      %parallel_loop3A_293 = arith.index_cast %parallel_loop3A_292 : i32 to index
      %parallel_loop3A_294 = arith.index_cast %parallel_loop3A_291 : i32 to index
      %parallel_loop3A_295 = tpu.vector_load %arg7[%parallel_loop3A_293, %parallel_loop3A_294] {strides = array<i32>} : memref<3x16384xf32, #tpu.memory_space<vmem>>, vector<16xf32>,
      tpu.vector_store %arg7[%parallel_loop3A_293, %parallel_loop3A_294], %parallel_loop3A_288 {strides = array<i32>} : memref<3x16384xf32, #tpu.memory_space<vmem>>, vector<16xf32>,
      %parallel_loop3A_296 = arith.constant 640 : i32
      %parallel_loop3A_297 = vector.broadcast %parallel_loop3A_296 : i32 to vector<16xi32>
      %parallel_loop3A_298 = arith.addi %parallel_loop3A_175, %parallel_loop3A_297 : vector<16xi32>
      %parallel_loop3A_299 = arith.constant 1 : i32
      %parallel_loop3A_300 = arith.constant 0 : i32
      %parallel_loop3A_301 = tpu.memref_slice %arg6[%parallel_loop3A_299, %parallel_loop3A_300] : memref<3x16384xf32, #tpu.memory_space<vmem>> -> memref<1x16384xf32, #tpu.memory_space<vmem>>
      %parallel_loop3A_302 = tpu.memref_squeeze %parallel_loop3A_301 : memref<1x16384xf32, #tpu.memory_space<vmem>> -> memref<16384xf32, #tpu.memory_space<vmem>>
      %parallel_loop3A_303 = tpu.vector_load_idx %parallel_loop3A_302[%parallel_loop3A_298] : memref<16384xf32, #tpu.memory_space<vmem>>[vector<16xi32>], vector<16xf32>,
      %parallel_loop3A_304 = arith.constant 640 : i32
      %parallel_loop3A_305 = arith.addi %parallel_loop3A_220, %parallel_loop3A_304 : i32
      %parallel_loop3A_306 = tpu.assume_multiple %parallel_loop3A_305, 16 : i32
      %parallel_loop3A_307 = arith.constant 1 : i32
      %parallel_loop3A_308 = arith.index_cast %parallel_loop3A_307 : i32 to index
      %parallel_loop3A_309 = arith.index_cast %parallel_loop3A_306 : i32 to index
      %parallel_loop3A_310 = tpu.vector_load %arg7[%parallel_loop3A_308, %parallel_loop3A_309] {strides = array<i32>} : memref<3x16384xf32, #tpu.memory_space<vmem>>, vector<16xf32>,
      tpu.vector_store %arg7[%parallel_loop3A_308, %parallel_loop3A_309], %parallel_loop3A_303 {strides = array<i32>} : memref<3x16384xf32, #tpu.memory_space<vmem>>, vector<16xf32>,
      %parallel_loop3A_311 = arith.constant 768 : i32
      %parallel_loop3A_312 = vector.broadcast %parallel_loop3A_311 : i32 to vector<16xi32>
      %parallel_loop3A_313 = arith.addi %parallel_loop3A_175, %parallel_loop3A_312 : vector<16xi32>
      %parallel_loop3A_314 = arith.constant 1 : i32
      %parallel_loop3A_315 = arith.constant 0 : i32
      %parallel_loop3A_316 = tpu.memref_slice %arg6[%parallel_loop3A_314, %parallel_loop3A_315] : memref<3x16384xf32, #tpu.memory_space<vmem>> -> memref<1x16384xf32, #tpu.memory_space<vmem>>
      %parallel_loop3A_317 = tpu.memref_squeeze %parallel_loop3A_316 : memref<1x16384xf32, #tpu.memory_space<vmem>> -> memref<16384xf32, #tpu.memory_space<vmem>>
      %parallel_loop3A_318 = tpu.vector_load_idx %parallel_loop3A_317[%parallel_loop3A_313] : memref<16384xf32, #tpu.memory_space<vmem>>[vector<16xi32>], vector<16xf32>,
      %parallel_loop3A_319 = arith.constant 768 : i32
      %parallel_loop3A_320 = arith.addi %parallel_loop3A_220, %parallel_loop3A_319 : i32
      %parallel_loop3A_321 = tpu.assume_multiple %parallel_loop3A_320, 16 : i32
      %parallel_loop3A_322 = arith.constant 1 : i32
      %parallel_loop3A_323 = arith.index_cast %parallel_loop3A_322 : i32 to index
      %parallel_loop3A_324 = arith.index_cast %parallel_loop3A_321 : i32 to index
      %parallel_loop3A_325 = tpu.vector_load %arg7[%parallel_loop3A_323, %parallel_loop3A_324] {strides = array<i32>} : memref<3x16384xf32, #tpu.memory_space<vmem>>, vector<16xf32>,
      tpu.vector_store %arg7[%parallel_loop3A_323, %parallel_loop3A_324], %parallel_loop3A_318 {strides = array<i32>} : memref<3x16384xf32, #tpu.memory_space<vmem>>, vector<16xf32>,
      %parallel_loop3A_326 = arith.constant 896 : i32
      %parallel_loop3A_327 = vector.broadcast %parallel_loop3A_326 : i32 to vector<16xi32>
      %parallel_loop3A_328 = arith.addi %parallel_loop3A_175, %parallel_loop3A_327 : vector<16xi32>
      %parallel_loop3A_329 = arith.constant 1 : i32
      %parallel_loop3A_330 = arith.constant 0 : i32
      %parallel_loop3A_331 = tpu.memref_slice %arg6[%parallel_loop3A_329, %parallel_loop3A_330] : memref<3x16384xf32, #tpu.memory_space<vmem>> -> memref<1x16384xf32, #tpu.memory_space<vmem>>
      %parallel_loop3A_332 = tpu.memref_squeeze %parallel_loop3A_331 : memref<1x16384xf32, #tpu.memory_space<vmem>> -> memref<16384xf32, #tpu.memory_space<vmem>>
      %parallel_loop3A_333 = tpu.vector_load_idx %parallel_loop3A_332[%parallel_loop3A_328] : memref<16384xf32, #tpu.memory_space<vmem>>[vector<16xi32>], vector<16xf32>,
      %parallel_loop3A_334 = arith.constant 896 : i32
      %parallel_loop3A_335 = arith.addi %parallel_loop3A_220, %parallel_loop3A_334 : i32
      %parallel_loop3A_336 = tpu.assume_multiple %parallel_loop3A_335, 16 : i32
      %parallel_loop3A_337 = arith.constant 1 : i32
      %parallel_loop3A_338 = arith.index_cast %parallel_loop3A_337 : i32 to index
      %parallel_loop3A_339 = arith.index_cast %parallel_loop3A_336 : i32 to index
      %parallel_loop3A_340 = tpu.vector_load %arg7[%parallel_loop3A_338, %parallel_loop3A_339] {strides = array<i32>} : memref<3x16384xf32, #tpu.memory_space<vmem>>, vector<16xf32>,
      tpu.vector_store %arg7[%parallel_loop3A_338, %parallel_loop3A_339], %parallel_loop3A_333 {strides = array<i32>} : memref<3x16384xf32, #tpu.memory_space<vmem>>, vector<16xf32>,
    } {sc.loop_unroll_factor = 4 : i64, sc.parallel_access}
    %add3A_110 = arith.constant 31 : i32
    %add3A_111 = arith.addi %mul3A_2, %add3A_110 : i32
    %dma_start3A_112 = arith.constant 1 : i32
    %dma_start3A_113 = arith.constant 0 : i32
    %dma_start3A_114 = tpu.memref_slice %arg7[%dma_start3A_112, %dma_start3A_113] : memref<3x16384xf32, #tpu.memory_space<vmem>> -> memref<1x16384xf32, #tpu.memory_space<vmem>>
    %dma_start3A_115 = tpu.memref_squeeze %dma_start3A_114 : memref<1x16384xf32, #tpu.memory_space<vmem>> -> memref<16384xf32, #tpu.memory_space<vmem>>
    %dma_start3A_116 = arith.constant 0 : i32
    %dma_start3A_117 = tpu.memref_slice %arg4[%add3A_111, %dma_start3A_116] : memref<1024x16384xf32, #tpu.memory_space<hbm>> -> memref<1x16384xf32, #tpu.memory_space<hbm>>
    %dma_start3A_118 = tpu.memref_squeeze %dma_start3A_117 : memref<1x16384xf32, #tpu.memory_space<hbm>> -> memref<16384xf32, #tpu.memory_space<hbm>>
    %dma_start3A_119 = arith.constant 0 : i32
    %dma_start3A_120 = tpu.memref_slice %arg4[%add3A_111, %dma_start3A_119] : memref<1024x16384xf32, #tpu.memory_space<hbm>> -> memref<1x16384xf32, #tpu.memory_space<hbm>>
    %dma_start3A_121 = tpu.memref_squeeze %dma_start3A_120 : memref<1x16384xf32, #tpu.memory_space<hbm>> -> memref<16384xf32, #tpu.memory_space<hbm>>
    %dma_start3A_122 = arith.constant 0 : i32
    %dma_start3A_123 = tpu.memref_slice %arg7[%dma_start3A_112, %dma_start3A_122] : memref<3x16384xf32, #tpu.memory_space<vmem>> -> memref<1x16384xf32, #tpu.memory_space<vmem>>
    %dma_start3A_124 = tpu.memref_squeeze %dma_start3A_123 : memref<1x16384xf32, #tpu.memory_space<vmem>> -> memref<16384xf32, #tpu.memory_space<vmem>>
    tpu.enqueue_dma source(%dma_start3A_124 : memref<16384xf32, #tpu.memory_space<vmem>>) target(%dma_start3A_121 : memref<16384xf32, #tpu.memory_space<hbm>>) target_semaphore(%arg12 : memref<!tpu.dma_semaphore, #tpu.memory_space<semaphore_mem>>)
    %add3A_125 = arith.constant 29 : i32
    %add3A_126 = arith.addi %mul3A_2, %add3A_125 : i32
    %dma_wait3A_127 = arith.constant 2 : i32
    %dma_wait3A_128 = arith.constant 0 : i32
    %dma_wait3A_129 = tpu.memref_slice %arg7[%dma_wait3A_127, %dma_wait3A_128] : memref<3x16384xf32, #tpu.memory_space<vmem>> -> memref<1x16384xf32, #tpu.memory_space<vmem>>
    %dma_wait3A_130 = tpu.memref_squeeze %dma_wait3A_129 : memref<1x16384xf32, #tpu.memory_space<vmem>> -> memref<16384xf32, #tpu.memory_space<vmem>>
    %dma_wait3A_131 = arith.constant 0 : i32
    %dma_wait3A_132 = tpu.memref_slice %arg4[%add3A_126, %dma_wait3A_131] : memref<1024x16384xf32, #tpu.memory_space<hbm>> -> memref<1x16384xf32, #tpu.memory_space<hbm>>
    %dma_wait3A_133 = tpu.memref_squeeze %dma_wait3A_132 : memref<1x16384xf32, #tpu.memory_space<hbm>> -> memref<16384xf32, #tpu.memory_space<hbm>>
    %dma_wait3A_134 = arith.constant 0 : i32
    %dma_wait3A_135 = tpu.memref_slice %arg4[%add3A_126, %dma_wait3A_134] : memref<1024x16384xf32, #tpu.memory_space<hbm>> -> memref<1x16384xf32, #tpu.memory_space<hbm>>
    %dma_wait3A_136 = tpu.memref_squeeze %dma_wait3A_135 : memref<1x16384xf32, #tpu.memory_space<hbm>> -> memref<16384xf32, #tpu.memory_space<hbm>>
    %dma_wait3A_137 = arith.constant 0 : i32
    %dma_wait3A_138 = tpu.memref_slice %arg7[%dma_wait3A_127, %dma_wait3A_137] : memref<3x16384xf32, #tpu.memory_space<vmem>> -> memref<1x16384xf32, #tpu.memory_space<vmem>>
    %dma_wait3A_139 = tpu.memref_squeeze %dma_wait3A_138 : memref<1x16384xf32, #tpu.memory_space<vmem>> -> memref<16384xf32, #tpu.memory_space<vmem>>
    tpu.wait_dma2 semaphore(%arg13 : memref<!tpu.dma_semaphore, #tpu.memory_space<semaphore_mem>>) src(%dma_wait3A_139 : memref<16384xf32, #tpu.memory_space<vmem>>) dst(%dma_wait3A_136 : memref<16384xf32, #tpu.memory_space<hbm>>)
    %add3A_140 = arith.constant 30 : i32
    %add3A_141 = arith.addi %mul3A_2, %add3A_140 : i32
    %dma_wait3A_142 = arith.constant 0 : i32
    %dma_wait3A_143 = arith.constant 0 : i32
    %dma_wait3A_144 = tpu.memref_slice %arg7[%dma_wait3A_142, %dma_wait3A_143] : memref<3x16384xf32, #tpu.memory_space<vmem>> -> memref<1x16384xf32, #tpu.memory_space<vmem>>
    %dma_wait3A_145 = tpu.memref_squeeze %dma_wait3A_144 : memref<1x16384xf32, #tpu.memory_space<vmem>> -> memref<16384xf32, #tpu.memory_space<vmem>>
    %dma_wait3A_146 = arith.constant 0 : i32
    %dma_wait3A_147 = tpu.memref_slice %arg4[%add3A_141, %dma_wait3A_146] : memref<1024x16384xf32, #tpu.memory_space<hbm>> -> memref<1x16384xf32, #tpu.memory_space<hbm>>
    %dma_wait3A_148 = tpu.memref_squeeze %dma_wait3A_147 : memref<1x16384xf32, #tpu.memory_space<hbm>> -> memref<16384xf32, #tpu.memory_space<hbm>>
    %dma_wait3A_149 = arith.constant 0 : i32
    %dma_wait3A_150 = tpu.memref_slice %arg4[%add3A_141, %dma_wait3A_149] : memref<1024x16384xf32, #tpu.memory_space<hbm>> -> memref<1x16384xf32, #tpu.memory_space<hbm>>
    %dma_wait3A_151 = tpu.memref_squeeze %dma_wait3A_150 : memref<1x16384xf32, #tpu.memory_space<hbm>> -> memref<16384xf32, #tpu.memory_space<hbm>>
    %dma_wait3A_152 = arith.constant 0 : i32
    %dma_wait3A_153 = tpu.memref_slice %arg7[%dma_wait3A_142, %dma_wait3A_152] : memref<3x16384xf32, #tpu.memory_space<vmem>> -> memref<1x16384xf32, #tpu.memory_space<vmem>>
    %dma_wait3A_154 = tpu.memref_squeeze %dma_wait3A_153 : memref<1x16384xf32, #tpu.memory_space<vmem>> -> memref<16384xf32, #tpu.memory_space<vmem>>
    tpu.wait_dma2 semaphore(%arg11 : memref<!tpu.dma_semaphore, #tpu.memory_space<semaphore_mem>>) src(%dma_wait3A_154 : memref<16384xf32, #tpu.memory_space<vmem>>) dst(%dma_wait3A_151 : memref<16384xf32, #tpu.memory_space<hbm>>)
    %add3A_155 = arith.constant 31 : i32
    %add3A_156 = arith.addi %mul3A_2, %add3A_155 : i32
    %dma_wait3A_157 = arith.constant 1 : i32
    %dma_wait3A_158 = arith.constant 0 : i32
    %dma_wait3A_159 = tpu.memref_slice %arg7[%dma_wait3A_157, %dma_wait3A_158] : memref<3x16384xf32, #tpu.memory_space<vmem>> -> memref<1x16384xf32, #tpu.memory_space<vmem>>
    %dma_wait3A_160 = tpu.memref_squeeze %dma_wait3A_159 : memref<1x16384xf32, #tpu.memory_space<vmem>> -> memref<16384xf32, #tpu.memory_space<vmem>>
    %dma_wait3A_161 = arith.constant 0 : i32
    %dma_wait3A_162 = tpu.memref_slice %arg4[%add3A_156, %dma_wait3A_161] : memref<1024x16384xf32, #tpu.memory_space<hbm>> -> memref<1x16384xf32, #tpu.memory_space<hbm>>
    %dma_wait3A_163 = tpu.memref_squeeze %dma_wait3A_162 : memref<1x16384xf32, #tpu.memory_space<hbm>> -> memref<16384xf32, #tpu.memory_space<hbm>>
    %dma_wait3A_164 = arith.constant 0 : i32
    %dma_wait3A_165 = tpu.memref_slice %arg4[%add3A_156, %dma_wait3A_164] : memref<1024x16384xf32, #tpu.memory_space<hbm>> -> memref<1x16384xf32, #tpu.memory_space<hbm>>
    %dma_wait3A_166 = tpu.memref_squeeze %dma_wait3A_165 : memref<1x16384xf32, #tpu.memory_space<hbm>> -> memref<16384xf32, #tpu.memory_space<hbm>>
    %dma_wait3A_167 = arith.constant 0 : i32
    %dma_wait3A_168 = tpu.memref_slice %arg7[%dma_wait3A_157, %dma_wait3A_167] : memref<3x16384xf32, #tpu.memory_space<vmem>> -> memref<1x16384xf32, #tpu.memory_space<vmem>>
    %dma_wait3A_169 = tpu.memref_squeeze %dma_wait3A_168 : memref<1x16384xf32, #tpu.memory_space<vmem>> -> memref<16384xf32, #tpu.memory_space<vmem>>
    tpu.wait_dma2 semaphore(%arg12 : memref<!tpu.dma_semaphore, #tpu.memory_space<semaphore_mem>>) src(%dma_wait3A_169 : memref<16384xf32, #tpu.memory_space<vmem>>) dst(%dma_wait3A_166 : memref<16384xf32, #tpu.memory_space<hbm>>)
    return
  }
}

</mosaic_0001>

<sc_bundles>
// kernel: _sc_permute.3.cloned.1.call-start
scs
__scs_entry_jumppad:
0x0: {  	(pc) =	sbr.rel $0x88, $3  }
0x1: {  	(tag) =	ssettag $0x0;
	lr =	simm.s32 $0x1  }
0x2: {  	[smem:$0x3FA0] =	sst lr;
	_ =	strace $0xD0000000  }
0x3: {  	_ = 	snop  }
0x4: {  	_ = 	snop  }
0x5: {  	_ = 	snop  }
0x6: {  	_ = 	snop  }
0x7: {  	_ = 	snop  }
__scs_overlays_trampoline_lowered:
0x8: {  	[smem:$0x3FAF] =	sst s0  }
0x9: {  	[smem:$0x3FB0] =	sst s1  }
0xa: {  	[smem:$0x3FB1] =	sst s2  }
0xb: {  	[smem:$0x3FB2] =	sst s3  }
0xc: {  	[smem:$0x3FB3] =	sst s4  }
0xd: {  	[smem:$0x3FB4] =	sst s5  }
0xe: {  	[smem:$0x3FB5] =	sst s6  }
0xf: {  	[smem:$0x3FB6] =	sst s7  }
0x10: {  	[smem:$0x3FB7] =	sst s8  }
0x11: {  	[smem:$0x3FB8] =	sst s9;
	s0 =	simm.s32 @!p0 $0x0  }
0x12: {  	s1 =	sld [smem:$0x3F9E];
	s0 =	simm.s32 @p0 $0x1  }
0x13: {  	[smem:$0x3FB9] =	sst s0;
	s0 =	simm.s32 @!p1 $0x0  }
0x14: {  	s2 =	sld [smem:$0x3F9D];
	s0 =	simm.s32 @p1 $0x1  }
0x15: {  	[smem:$0x3FBA] =	sst s0;
	s0 =	simm.s32 @!p2 $0x0  }
0x16: {  	s3 =	sld [smem:$0x3FDB];
	s0 =	simm.s32 @p2 $0x1  }
0x17: {  	s4 =	simm.s32 $0x1BF5;
	[smem:$0x3FBC] =	sst s0  }
0x18: {  	s0 =	sld [smem:$0x3F9F];
	_ =	swait.ge [sflag:s4], $0x0  }
0x19: {  	s7 =	sld [smem:$0x3FA0]  }
0x1a: {  	s8 =	sadd.s32 $0xFFFFE003, lr  }
0x1b: {  	s9 =	sadd.s32 $0xFFFFFEF7, lr;
	s5 =	simm.s32 $0xFFFFFFFF;
	p2 =	slt.u32 s8, $0xFFFFF086  }
0x1c: {  	p1 =	slt.u32 s9, $0xF7A;
	s5 =	simm.s32 @!p2 $0x0  }
0x1d: {  	s5 =	simm.s32 @p1 $0x1;
	p0 =	seq.s32 s7, s2  }
0x1e: {  	s7 =	smul.u32 @!p0 $0xF7A, s2;
	p2 =	seq.s32 @!p0 s5, $0x0  }
0x1f: {  	s9 =	smul.u32 $0xF7A, s1;
	s8 =	simm.s32 @!p0 $0x1BF5;
	p2 =	por !p2, p0  }
0x20: {  	[sflag:s8] =	ssyncset.s32 @!p0 $0xFFFFF086;
	s6 =	sadd.s32 @!p0 s3, s7;
	s7 =	simm.s32 @!p0 $0x108  }
0x21: {  	s3 =	sadd.s32 s3, s9;
	s6 =	sadd.s32 @!p0 $0x88, s6;
	s7 =	simm.s32 @p2 $0x1082  }
0x22: {  	[simem:s7], [sflag:s8] =	dma.local @!p0 [hbm:s6], $0xF7A  }
0x23: {  	s9 =	sor.u32 $0xD0000000, s2;
	s6 =	simm.s32 $0x108;
	_ =	swait.ge @!p0 [sflag:s8], $0x0  }
0x24: {  	s3 =	sadd.s32 $0x88, s3;
	s6 =	simm.s32 @!p1 $0x1082;
	[sflag:s4] =	ssyncset.s32 $0xFFFFF086  }
0x25: {  	[simem:s6], [sflag:s4] =	dma.local [hbm:s3], $0xF7A  }
0x26: {  	[smem:$0x3FA0] =	sst s1;
	(tag) =	ssettag s2;
	_ =	strace s9  }
0x27: {  	s1 =	sld [smem:$0x3FB0]  }
0x28: {  	s2 =	sld [smem:$0x3FB1]  }
0x29: {  	s4 =	sld [smem:$0x3FB3]  }
0x2a: {  	p0 =	seq.s32 s5, $0x0;
	s5 =	sld [smem:$0x3FB4]  }
0x2b: {  	s6 =	sld [smem:$0x3FB5]  }
0x2c: {  	s7 =	sld [smem:$0x3FB6]  }
0x2d: {  	s3 =	simm.s32 $0x108;
	s8 =	sld [smem:$0x3FB7]  }
0x2e: {  	s3 =	simm.s32 @!p0 $0x1082;
	s9 =	sld [smem:$0x3FB8]  }
0x2f: {  	lr =	sadd.s32 s0, s3;
	s0 =	sld [smem:$0x3FAF]  }
0x30: {  	s3 =	sld [smem:$0x3FB2]  }
0x31: {  	[smem:$0x3FBB] =	sst s10  }
0x32: {  	s10 =	sld [smem:$0x3FB9];
	_ =	sdelay $0x3  }
0x33: {  	p0 =	seq.s32 s10, $0x1;
	s10 =	sld [smem:$0x3FBB];
	_ =	sdelay $0x3  }
0x34: {  	[smem:$0x3FBB] =	sst s10  }
0x35: {  	s10 =	sld [smem:$0x3FBA];
	_ =	sdelay $0x3  }
0x36: {  	p1 =	seq.s32 s10, $0x1;
	s10 =	sld [smem:$0x3FBB];
	_ =	sdelay $0x3  }
0x37: {  	[smem:$0x3FBB] =	sst s10  }
0x38: {  	s10 =	sld [smem:$0x3FBC]  }
0x39: {  	_ = 	snop;
	(pc) =	sbr.ind lr, $3  }
0x3a: {  	_ = 	snop  }
0x3b: {  	_ = 	snop  }
0x3c: {  	p2 =	seq.s32 s10, $0x1;
	s10 =	sld [smem:$0x3FBB]  }
0x3d: {  	_ =	shalt  }
0x3e: {  	_ =	shalt  }
0x3f: {  	_ =	shalt  }
0x40: {  	_ =	shalt  }
0x41: {  	_ =	shalt  }
0x42: {  	_ =	shalt  }
0x43: {  	_ =	shalt  }
0x44: {  	_ =	shalt  }
0x45: {  	_ =	shalt  }
0x46: {  	_ =	shalt  }
0x47: {  	_ =	shalt  }
0x48: {  	_ =	shalt  }
0x49: {  	_ =	shalt  }
0x4a: {  	_ =	shalt  }
0x4b: {  	_ =	shalt  }
0x4c: {  	_ =	shalt  }
0x4d: {  	_ =	shalt  }
0x4e: {  	_ =	shalt  }
0x4f: {  	_ =	shalt  }
0x50: {  	_ =	shalt  }
0x51: {  	_ =	shalt  }
0x52: {  	_ =	shalt  }
0x53: {  	_ =	shalt  }
0x54: {  	_ =	shalt  }
0x55: {  	_ =	shalt  }
0x56: {  	_ =	shalt  }
0x57: {  	_ =	shalt  }
0x58: {  	_ =	shalt  }
0x59: {  	_ =	shalt  }
0x5a: {  	_ =	shalt  }
0x5b: {  	_ =	shalt  }
0x5c: {  	_ =	shalt  }
0x5d: {  	_ =	shalt  }
0x5e: {  	_ =	shalt  }
0x5f: {  	_ =	shalt  }
0x60: {  	_ =	shalt  }
0x61: {  	_ =	shalt  }
0x62: {  	_ =	shalt  }
0x63: {  	_ =	shalt  }
0x64: {  	_ =	shalt  }
0x65: {  	_ =	shalt  }
0x66: {  	_ =	shalt  }
0x67: {  	_ =	shalt  }
0x68: {  	_ =	shalt  }
0x69: {  	_ =	shalt  }
0x6a: {  	_ =	shalt  }
0x6b: {  	_ =	shalt  }
0x6c: {  	_ =	shalt  }
0x6d: {  	_ =	shalt  }
0x6e: {  	_ =	shalt  }
0x6f: {  	_ =	shalt  }
0x70: {  	_ =	shalt  }
0x71: {  	_ =	shalt  }
0x72: {  	_ =	shalt  }
0x73: {  	_ =	shalt  }
0x74: {  	_ =	shalt  }
0x75: {  	_ =	shalt  }
0x76: {  	_ =	shalt  }
0x77: {  	_ =	shalt  }
0x78: {  	_ =	shalt  }
0x79: {  	_ =	shalt  }
0x7a: {  	_ =	shalt  }
0x7b: {  	_ =	shalt  }
0x7c: {  	_ =	shalt  }
0x7d: {  	_ =	shalt  }
0x7e: {  	_ =	shalt  }
0x7f: {  	_ =	shalt  }
0x80: {  	_ =	shalt  }
0x81: {  	_ =	shalt  }
0x82: {  	_ =	shalt  }
0x83: {  	_ =	shalt  }
0x84: {  	_ =	shalt  }
0x85: {  	_ =	shalt  }
0x86: {  	_ =	shalt  }
0x87: {  	_ =	shalt  }
.Lfunc_end0:
.L_simem_size_0:
called_computation_lowered:
.L_overlay_start_0:
0x88: {  	s2 =	sld [smem:$0x3FD9]  }
0x89: {  	s3 =	sld [smem:$0x3FFE];
	_ =	sdelay $0x1  }
0x8a: {  	s1 =	srdreg.scid  }
0x8b: {  	s0 =	sand.u32 $0x1, s1  }
0x8c: {  	s17 =	sshll.u32 s0, $0xA;
	s2 =	sadd.s32 s3, s2  }
0x8d: {  	s2 =	sadd.s32 s2, s17  }
0x8e: {  	[smem:$0x3FC7] =	sst s2  }
0x8f: {  	_ = 	snop  }
0x90: {  	s2 =	sld [smem:$0x3FC9]  }
0x91: {  	s18 =	sld [smem:$0x3FD0];
	(tm) =	ssettm $0x1  }
0x92: {  	s4 =	sld [smem:$0x3FFB];
	_ =	sdelay $0x3  }
0x93: {  	_ =	strace s4  }
0x94: {  	s4 =	sld [smem:$0x3FFC];
	_ =	sdelay $0x3  }
0x95: {  	_ =	strace s4  }
0x96: {  	s4 =	sld [smem:$0x3FFD];
	_ =	sdelay $0x3  }
0x97: {  	_ =	strace s4  }
0x98: {  	_ =	strace $0x8FFFFFFF  }
0x99: {  	s19 =	sld [smem:$0x3FDB];
	_ =	sdelay $0x1  }
0x9a: {  	s5 =	simm.s32 $_scs_section_size  }
0x9b: {  	s6 =	simm.s32 $_size__tile_overlayer_lowered;
	s7 =	simm.s32 $_tile_overlayer_lowered  }
0x9c: {  	s22 =	simm.s32 $0x1BFF;
	s21 =	sshll.u32 s7, $0x1;
	s4 =	sadd.s32 s5, s19  }
0x9d: {  	s8 =	simm.s32 $0x0;
	s20 =	sshll.u32 s6, $0x1;
	s6 =	sadd.s32 s21, s4  }
0x9e: {  	[timem:s8], [sflag:s22] =	dma.local [hbm:s6], s20  }
0x9f: {  	_ =	swait.ge [sflag:s22], s20  }
0xa0: {  	s5 =	ssub.s32 $0x0, s20;
	[sflag:s22] =	ssyncset.done $0x0  }
0xa1: {  	[sflag:s22] =	ssyncadd.s32 s5;
	_ =	sdelay $0x1  }
0xa2: {  	s23 =	simm.s32 $0x1B8B  }
0xa3: {  	_ =	swait.ge [sflag:s23], $0x1  }
0xa4: {  	[sflag:s23] =	ssyncset.done $0x0  }
0xa5: {  	s25 =	simm.s32 $0x1B8E;
	s24 =	sld [smem:$0x3FFE];
	[sflag:s23] =	ssyncadd.s32 $0xFFFFFFFF  }
0xa6: {  	s26 =	simm.s32 $execute0_lowered;
	[smem:$0x3FD2] =	sst s25  }
0xa7: {  	s6 =	sshll.u32 s26, $0x1;
	_ =	strace $0x80000046;
	[dreg:$0x1] =	wrdreg $0xFFFFFFFF  }
0xa8: {  	s28 =	simm.s32 $_size_execute0_lowered;
	s4 =	sadd.s32 s4, s6;
	[dreg:$0x0] =	wrdreg $0x0  }
0xa9: {  	s6 =	sshll.u32 s28, $0x1;
	[dreg:$0x2] =	wrdreg s4  }
0xaa: {  	[dreg:$0x3] =	wrdreg s6  }
0xab: {  	[dreg:$0x4] =	wrdreg $0xC0  }
0xac: {  	_ =	task [dreg:s8], $0x5FFFF  }
0xad: {  	[dreg:$0x1] =	wrdreg $0xFFFFFFFF  }
0xae: {  	[dreg:$0x0] =	wrdreg $0x60  }
0xaf: {  	[dreg:$0x2] =	wrdreg s2  }
0xb0: {  	[dreg:$0x3] =	wrdreg s24  }
0xb1: {  	[dreg:$0x4] =	wrdreg s18  }
0xb2: {  	[dreg:$0x5] =	wrdreg $0x9  }
0xb3: {  	_ =	task.clear_ibuf [dreg:s8], $0x6FFFF;
	_ =	strace $0x90000046  }
0xb4: {  	s29 =	simm.s32 $0x9;
	_ =	strace $0x80000048  }
0xb5: {  	_ =	swait.ge [sflag:s29], $0x1  }
0xb6: {  	[sflag:s29] =	ssyncadd.s32 $0xFFFFFFFF  }
0xb7: {  	_ =	strace $0x90000048  }
0xb8: {  	_ =	sfence  }
0xb9: {  	s30 =	sld [smem:$0x0];
	_ =	sdelay $0x2  }
0xba: {  	s31 =	sshll.u32 s1, $0xD;
	s1 =	sshrl.u32 s1, $0x2  }
0xbb: {  	s3 =	sand.u32 $0x4000, s31;
	s1 =	sadd.s32 s1, s30  }
0xbc: {  	s0 =	sor.u32 s3, s0;
	s1 =	sshll.u32 s1, $0x11  }
0xbd: {  	s0 =	sor.u32 s1, s0  }
0xbe: {  	s0 =	sadd.s32 $0x8F2B, s0  }
0xbf: {  	[sflag:s0] =	ssyncadd.remote.s32 $0x1  }
0xc0: {  	_ =	sfence.sel $0xFFFF  }
0xc1: {  	[dreg:$0x0] =	wrdreg $0xFFFFFFFF;
	(pc) =	sbr.abs _section_cstart, $3  }
0xc2: {  	[dreg:$0x1] =	wrdreg $0xFFFFFFFF  }
0xc3: {  	_ =	task.clear_ibuf [dreg:s8], $0x2FFFF;
	_ =	strace $0x9FFFFFFF  }
0xc4: {  	(tm) =	ssettm $0x7FFFFFFF  }
0xc5: {  	_ =	shalt  }
tec
execute0_lowered:
.L_overlay_start_1:
0x0: {  	(tag) =	ssettag $0x1  }
0x1: {  	s1 =	rddreg [dreg:$0x0]  }
0x2: {  	s0 =	srdreg.scid;
	s2 =	rddreg [dreg:$0x1]  }
0x3: {  	s4 =	stileid.u32;
	s3 =	rddreg [dreg:$0x2]  }
0x4: {  	s19 =	simm.s32 $0x800;
	s20 =	simm.s32 $0x4800;
	s0 =	sand.u32 $0x1, s0  }
0x5: {  	s5 =	sshll.u32 s4, $0x6;
	s4 =	simm.s32 $0x0;
	s6 =	sshll.u32 s0, $0x5  }
0x6: {  	s2 =	sadd.s32 $0x400, s2;
	[smem:$0x7FF] =	sst s4;
	s5 =	sor.u32 s6, s5  }
0x7: {  	_ =	strace $0x80000047;
	[dreg:$0x5] =	wrdreg s2;
	s25 =	sor.u32 $0x3, s5  }
0x8: {  	s0 =	ssub.s32 $0x2, s0;
	s26 =	sor.u32 $0x1, s5;
	[dreg:$0x8] =	wrdreg s25  }
0x9: {  	s7 =	sshrl.u32 s0, $0x1;
	s28 =	sor.u32 $0x4, s5;
	[dreg:$0x9] =	wrdreg s26  }
0xa: {  	s6 =	sshll.u32 s5, $0xB;
	s30 =	sor.u32 $0x5, s5;
	[dreg:$0xa] =	wrdreg s28  }
0xb: {  	s0 =	ssub.s32 s0, s7;
	s8 =	sadd.s32 s1, s6;
	[dreg:$0xb] =	wrdreg s30  }
0xc: {  	s21 =	simm.s32 $0x8800;
	s0 =	smax.u32 s0, $0x1;
	[dreg:$0x4] =	wrdreg s8  }
0xd: {  	s22 =	simm.s32 $0x1;
	s23 =	sadd.s32 $0x800, s8;
	[dreg:$0xe] =	wrdreg s0  }
0xe: {  	s29 =	sadd.s32 s6, s3;
	s24 =	sadd.s32 $0x1000, s8;
	[dreg:$0x6] =	wrdreg s23  }
0xf: {  	s13 =	sor.u32 $0x2, s5;
	s31 =	sadd.s32 $0xF000, s29;
	[dreg:$0x7] =	wrdreg s24  }
0x10: {  	s26 =	simm.s32 $0x3;
	s2 =	sadd.s32 $0xF800, s29;
	[dreg:$0xc] =	wrdreg s31  }
0x11: {  	[dreg:$0xd] =	wrdreg s2;
	s24 =	simm.s32 $0x2;
	s2 =	simm.s32 $0x0  }
.LBB2_1:
0x12: {  	[dreg:$0xf] =	wrdreg s2  }
0x13: {  	s0 =	rddreg [dreg:$0x5];
	s28 =	simm.s32 $0x7  }
0x14: {  	[tilespmem:s4], [sflag:$0x7] =	stream.linear.gather [hbm4b:s0+s4], $0x800, $0x38;
	[tilespmem:$0x18800] =	vst v63  }
0x15: {  	_ =	swait.ge [sflag:s28], $0x800  }
0x16: {  	[sflag:s28] =	ssyncset.done $0x0  }
0x17: {  	s29 =	rddreg [dreg:$0x4];
	[sflag:s28] =	ssyncadd.s32 $0xFFFFF800  }
0x18: {  	[tilespmem:s19], [sflag:$0x1] =	stream.linear.gather [hbm4b:s29+s4], $0x4000, $0x38;
	[tilespmem:$0x18800] =	vst v63  }
0x19: {  	s30 =	rddreg [dreg:$0x6]  }
0x1a: {  	[tilespmem:s20], [sflag:$0x2] =	stream.linear.gather [hbm4b:s30+s4], $0x4000, $0x38;
	[tilespmem:$0x18800] =	vst v63  }
0x1b: {  	s0 =	simm.s32 $0x0;
	s31 =	rddreg [dreg:$0x7]  }
0x1c: {  	[tilespmem:s21], [sflag:$0x3] =	stream.linear.gather [hbm4b:s31+s4], $0x4000, $0x38;
	[tilespmem:$0x18800] =	vst v63  }
.LBB2_2:
0x1d: {  	_ =	swait.ge [sflag:s22], $0x4000  }
0x1e: {  	p0 =	seq.s32 s0, $0x0;
	[sflag:s22] =	ssyncset.done $0x0  }
0x1f: {  	s2 =	simm.s32 @!p0 $0x4;
	[sflag:s22] =	ssyncadd.s32 $0xFFFFC000  }
0x20: {  	_ =	swait.ge @!p0 [sflag:s2], $0x4000  }
0x21: {  	[sflag:s2] =	ssyncset.done @!p0 $0x0  }
0x22: {  	s8 =	simm.s32 $0x20;
	[sflag:s2] =	ssyncadd.s32 @!p0 $0xFFFFC000  }
0x23: {  	v7 =	vld [tilespmem:s8+$0x10]  }
0x24: {  	v6 =	vld [tilespmem:s8+$0xFFFFFFE0]  }
0x25: {  	v0 =	vld [tilespmem:s8+$0xFFFFFFF0];
	_ =	sdelay $0x1  }
0x26: {  	v1 =	vld [tilespmem:s8+$0x0];
	_ =	sdelay $0x3  }
0x27: {  	v2 =	vld.idx.msk [tilespmem:v7+s19+$0x0], $0xffff  }
0x28: {  	s9 =	simm.s32 $0x0;
	v3 =	vadd.s32 $0x80, v7;
	v8 =	vld.idx.msk [tilespmem:v6+s19+$0x0], $0xffff  }
0x29: {  	s6 =	simm.s32 $0x30;
	s2 =	sand.u32 $0x3C00, s9;
	v9 =	vadd.s32 $0x80, v6;
	v4 =	vld.idx.msk [tilespmem:v0+s19+$0x0], $0xffff  }
0x2a: {  	s11 =	simm.s32 $0x0;
	s10 =	sand.u32 $0x70, s6;
	s8 =	sadd.s32 $0xC800, s2;
	v5 =	vadd.s32 $0x80, v0  }
0x2b: {  	s7 =	simm.s32 $0x10;
	s15 =	sand.u32 $0x40, s11;
	s6 =	sor.u32 s10, s8;
	v10 =	vld.idx.msk [tilespmem:v1+s19+$0x0], $0xffff  }
0x2c: {  	s7 =	sand.u32 $0x50, s7;
	s14 =	sor.u32 s15, s8;
	v11 =	vadd.s32 $0x80, v1;
	[tilespmem:s6+$0x0] =	vst v2  }
0x2d: {  	s9 =	simm.s32 $0x20;
	s12 =	sor.u32 s7, s8;
	[tilespmem:s14+$0x0] =	vst v8;
	v2 =	vld.idx.msk [tilespmem:v3+s19+$0x0], $0xffff  }
0x2e: {  	s9 =	sand.u32 $0x60, s9;
	[tilespmem:s12+$0x0] =	vst v4;
	v3 =	vadd.s32 $0x100, v7;
	v8 =	vld.idx.msk [tilespmem:v9+s19+$0x0], $0xffff  }
0x2f: {  	s8 =	sor.u32 s9, s8;
	v4 =	vld.idx.msk [tilespmem:v5+s19+$0x0], $0xffff;
	v9 =	vadd.s32 $0x100, v6  }
0x30: {  	[tilespmem:s8+$0x0] =	vst v10;
	v5 =	vadd.s32 $0x100, v0  }
0x31: {  	v10 =	vld.idx.msk [tilespmem:v11+s19+$0x0], $0xffff  }
0x32: {  	v11 =	vadd.s32 $0x100, v1;
	[tilespmem:s6+$0x80] =	vst v2  }
0x33: {  	[tilespmem:s14+$0x80] =	vst v8;
	v2 =	vld.idx.msk [tilespmem:v3+s19+$0x0], $0xffff  }
0x34: {  	[tilespmem:s12+$0x80] =	vst v4;
	v3 =	vadd.s32 $0x180, v7;
	v8 =	vld.idx.msk [tilespmem:v9+s19+$0x0], $0xffff  }
0x35: {  	v4 =	vld.idx.msk [tilespmem:v5+s19+$0x0], $0xffff;
	v9 =	vadd.s32 $0x180, v6  }
0x36: {  	[tilespmem:s8+$0x80] =	vst v10  }
0x37: {  	v5 =	vadd.s32 $0x180, v0;
	v10 =	vld.idx.msk [tilespmem:v11+s19+$0x0], $0xffff  }
0x38: {  	v11 =	vadd.s32 $0x180, v1;
	[tilespmem:s6+$0x100] =	vst v2  }
0x39: {  	[tilespmem:s14+$0x100] =	vst v8;
	v2 =	vld.idx.msk [tilespmem:v3+s19+$0x0], $0xffff  }
0x3a: {  	s11 =	simm.s32 $0xA0;
	[tilespmem:s12+$0x100] =	vst v4;
	v4 =	vld.idx.msk [tilespmem:v9+s19+$0x0], $0xffff  }
0x3b: {  	v21 =	vld [tilespmem:s11+$0xFFFFFFF0];
	v3 =	vadd.s32 $0x200, v7  }
0x3c: {  	[tilespmem:s8+$0x100] =	vst v10;
	v8 =	vld.idx.msk [tilespmem:v5+s19+$0x0], $0xffff  }
0x3d: {  	s18 =	simm.s32 $0x60;
	v10 =	vadd.s32 $0x200, v6;
	v9 =	vld.idx.msk [tilespmem:v11+s19+$0x0], $0xffff  }
0x3e: {  	v5 =	vld [tilespmem:s18+$0x10];
	v11 =	vadd.s32 $0x200, v0;
	[tilespmem:s6+$0x180] =	vst v2  }
0x3f: {  	[tilespmem:s14+$0x180] =	vst v4;
	v4 =	vld [tilespmem:s18+$0xFFFFFFE0]  }
0x40: {  	v13 =	vadd.s32 $0x200, v1;
	v12 =	vld.idx.msk [tilespmem:v3+s19+$0x0], $0xffff  }
0x41: {  	v14 =	vadd.s32 $0x280, v7;
	v3 =	vld [tilespmem:s18+$0xFFFFFFF0]  }
0x42: {  	[tilespmem:s12+$0x180] =	vst v8;
	v8 =	vld.idx.msk [tilespmem:v10+s19+$0x0], $0xffff  }
0x43: {  	[tilespmem:s8+$0x180] =	vst v9;
	v9 =	vld.idx.msk [tilespmem:v11+s19+$0x0], $0xffff;
	v11 =	vadd.s32 $0x280, v6  }
0x44: {  	v2 =	vld [tilespmem:s18+$0x0]  }
0x45: {  	v10 =	vld.idx.msk [tilespmem:v13+s19+$0x0], $0xffff;
	[tilespmem:s6+$0x200] =	vst v12  }
0x46: {  	v13 =	vadd.s32 $0x280, v0;
	v12 =	vld.idx.msk [tilespmem:v14+s19+$0x0], $0xffff  }
0x47: {  	[tilespmem:s14+$0x200] =	vst v8;
	v14 =	vld.idx.msk [tilespmem:v5+s19+$0x0], $0xffff  }
0x48: {  	v16 =	vadd.s32 $0x300, v7;
	[tilespmem:s12+$0x200] =	vst v9;
	v9 =	vld.idx.msk [tilespmem:v11+s19+$0x0], $0xffff  }
0x49: {  	s23 =	simm.s32 $0x200;
	v18 =	vadd.s32 $0x80, v5;
	v8 =	vld.idx.msk [tilespmem:v4+s19+$0x0], $0xffff  }
0x4a: {  	s25 =	simm.s32 $0x70;
	s16 =	simm.s32 $0x50;
	s9 =	sand.u32 $0x3C00, s23;
	v19 =	vadd.s32 $0x280, v1;
	v15 =	vld.idx.msk [tilespmem:v3+s19+$0x0], $0xffff  }
0x4b: {  	s15 =	sand.u32 $0x70, s25;
	s10 =	simm.s32 $0x40;
	s9 =	sadd.s32 $0xC800, s9;
	[tilespmem:s8+$0x200] =	vst v10;
	v11 =	vadd.s32 $0x80, v4;
	v13 =	vld.idx.msk [tilespmem:v13+s19+$0x0], $0xffff  }
0x4c: {  	s16 =	sand.u32 $0x50, s16;
	s23 =	sor.u32 s15, s9;
	s18 =	sand.u32 $0x40, s10;
	v20 =	vadd.s32 $0x80, v3;
	v17 =	vld.idx.msk [tilespmem:v2+s19+$0x0], $0xffff;
	[tilespmem:s6+$0x280] =	vst v12  }
0x4d: {  	s15 =	sor.u32 s16, s9;
	s16 =	sor.u32 s18, s9;
	v12 =	vadd.s32 $0x80, v2;
	[tilespmem:s23+$0x0] =	vst v14;
	v14 =	vld.idx.msk [tilespmem:v16+s19+$0x0], $0xffff  }
0x4e: {  	s17 =	simm.s32 $0x60;
	v16 =	vadd.s32 $0x300, v6;
	v10 =	vld.idx.msk [tilespmem:v18+s19+$0x0], $0xffff;
	[tilespmem:s16+$0x0] =	vst v8  }
0x4f: {  	s17 =	sand.u32 $0x60, s17;
	v7 =	vadd.s32 $0x380, v7;
	[tilespmem:s15+$0x0] =	vst v15;
	v15 =	vld.idx.msk [tilespmem:v19+s19+$0x0], $0xffff  }
0x50: {  	s9 =	sor.u32 s17, s9;
	[tilespmem:s14+$0x280] =	vst v9;
	v18 =	vadd.s32 $0x100, v5;
	v11 =	vld.idx.msk [tilespmem:v11+s19+$0x0], $0xffff  }
0x51: {  	[tilespmem:s9+$0x0] =	vst v17;
	v19 =	vadd.s32 $0x300, v0;
	v8 =	vld.idx.msk [tilespmem:v20+s19+$0x0], $0xffff  }
0x52: {  	v9 =	vadd.s32 $0x100, v4;
	[tilespmem:s12+$0x280] =	vst v13;
	v12 =	vld.idx.msk [tilespmem:v12+s19+$0x0], $0xffff  }
0x53: {  	v17 =	vadd.s32 $0x100, v3;
	v16 =	vld.idx.msk [tilespmem:v16+s19+$0x0], $0xffff;
	[tilespmem:s6+$0x300] =	vst v14  }
0x54: {  	v14 =	vadd.s32 $0x100, v2;
	[tilespmem:s23+$0x80] =	vst v10;
	v7 =	vld.idx.msk [tilespmem:v7+s19+$0x0], $0xffff  }
0x55: {  	v10 =	vadd.s32 $0x300, v1;
	v18 =	vld.idx.msk [tilespmem:v18+s19+$0x0], $0xffff;
	[tilespmem:s16+$0x80] =	vst v11  }
0x56: {  	v13 =	vadd.s32 $0x180, v5;
	[tilespmem:s15+$0x80] =	vst v8;
	v8 =	vld.idx.msk [tilespmem:v19+s19+$0x0], $0xffff  }
0x57: {  	v0 =	vadd.s32 $0x380, v0;
	v9 =	vld.idx.msk [tilespmem:v9+s19+$0x0], $0xffff  }
0x58: {  	v11 =	vld.idx.msk [tilespmem:v17+s19+$0x0], $0xffff;
	[tilespmem:s9+$0x80] =	vst v12  }
0x59: {  	[tilespmem:s8+$0x280] =	vst v15;
	v17 =	vadd.s32 $0x180, v3;
	v14 =	vld.idx.msk [tilespmem:v14+s19+$0x0], $0xffff  }
0x5a: {  	v12 =	vadd.s32 $0x180, v4;
	v10 =	vld.idx.msk [tilespmem:v10+s19+$0x0], $0xffff;
	[tilespmem:s23+$0x100] =	vst v18  }
0x5b: {  	v15 =	vadd.s32 $0x180, v2;
	v13 =	vld.idx.msk [tilespmem:v13+s19+$0x0], $0xffff;
	[tilespmem:s12+$0x300] =	vst v8  }
0x5c: {  	v6 =	vadd.s32 $0x380, v6;
	v8 =	vld.idx.msk [tilespmem:v0+s19+$0x0], $0xffff  }
0x5d: {  	[tilespmem:s15+$0x100] =	vst v11;
	v0 =	vld [tilespmem:s11+$0x10]  }
0x5e: {  	[tilespmem:s16+$0x100] =	vst v9;
	v9 =	vld.idx.msk [tilespmem:v17+s19+$0x0], $0xffff  }
0x5f: {  	v11 =	vadd.s32 $0x200, v5;
	v12 =	vld.idx.msk [tilespmem:v12+s19+$0x0], $0xffff;
	[tilespmem:s9+$0x100] =	vst v14  }
0x60: {  	[tilespmem:s14+$0x300] =	vst v16;
	v14 =	vld.idx.msk [tilespmem:v15+s19+$0x0], $0xffff;
	v15 =	vadd.s32 $0x200, v4  }
0x61: {  	v6 =	vld.idx.msk [tilespmem:v6+s19+$0x0], $0xffff;
	[tilespmem:s6+$0x380] =	vst v7  }
0x62: {  	v22 =	vld [tilespmem:s11+$0x0];
	[tilespmem:s23+$0x180] =	vst v13;
	v13 =	vadd.s32 $0x200, v3  }
0x63: {  	v19 =	vld [tilespmem:s11+$0xFFFFFFE0];
	v16 =	vadd.s32 $0x200, v2;
	[tilespmem:s8+$0x300] =	vst v10  }
0x64: {  	v11 =	vld.idx.msk [tilespmem:v11+s19+$0x0], $0xffff;
	[tilespmem:s16+$0x180] =	vst v12  }
0x65: {  	v17 =	vadd.s32 $0x280, v5;
	[tilespmem:s15+$0x180] =	vst v9;
	v9 =	vld.idx.msk [tilespmem:v15+s19+$0x0], $0xffff  }
0x66: {  	[tilespmem:s14+$0x380] =	vst v6;
	v10 =	vld.idx.msk [tilespmem:v0+s19+$0x0], $0xffff  }
0x67: {  	[tilespmem:s9+$0x180] =	vst v14;
	v12 =	vld.idx.msk [tilespmem:v13+s19+$0x0], $0xffff  }
0x68: {  	s6 =	simm.s32 $0x400;
	[tilespmem:s12+$0x380] =	vst v8;
	v13 =	vld.idx.msk [tilespmem:v16+s19+$0x0], $0xffff;
	v16 =	vadd.s32 $0x80, v0  }
0x69: {  	s18 =	simm.s32 $0xB0;
	v6 =	vld.idx.msk [tilespmem:v21+s19+$0x0], $0xffff;
	s12 =	sand.u32 $0x3C00, s6;
	[tilespmem:s23+$0x200] =	vst v11;
	v11 =	vadd.s32 $0x280, v4  }
0x6a: {  	s17 =	sand.u32 $0x70, s18;
	s14 =	sadd.s32 $0xC800, s12;
	v14 =	vadd.s32 $0x280, v3;
	v7 =	vld.idx.msk [tilespmem:v17+s19+$0x0], $0xffff  }
0x6b: {  	v8 =	vld.idx.msk [tilespmem:v22+s19+$0x0], $0xffff;
	s17 =	sor.u32 s17, s14;
	v15 =	vadd.s32 $0x300, v5;
	[tilespmem:s16+$0x200] =	vst v9  }
0x6c: {  	v17 =	vadd.s32 $0x280, v2;
	v9 =	vld.idx.msk [tilespmem:v19+s19+$0x0], $0xffff;
	[tilespmem:s17+$0x0] =	vst v10  }
0x6d: {  	v18 =	vadd.s32 $0x80, v21;
	[tilespmem:s9+$0x200] =	vst v13;
	v13 =	vld.idx.msk [tilespmem:v16+s19+$0x0], $0xffff  }
0x6e: {  	s28 =	simm.s32 $0x90;
	[tilespmem:s15+$0x200] =	vst v12;
	v12 =	vadd.s32 $0x80, v19;
	v11 =	vld.idx.msk [tilespmem:v11+s19+$0x0], $0xffff  }
0x6f: {  	s28 =	sand.u32 $0x50, s28;
	s25 =	simm.s32 $0x80;
	v14 =	vld.idx.msk [tilespmem:v14+s19+$0x0], $0xffff;
	[tilespmem:s23+$0x280] =	vst v7;
	v7 =	vadd.s32 $0x80, v22  }
0x70: {  	s30 =	simm.s32 $0xA0;
	s2 =	sand.u32 $0x40, s25;
	s29 =	sor.u32 s28, s14;
	v16 =	vadd.s32 $0x100, v0;
	v10 =	vld.idx.msk [tilespmem:v15+s19+$0x0], $0xffff  }
0x71: {  	s28 =	sand.u32 $0x60, s30;
	s2 =	sor.u32 s2, s14;
	[tilespmem:s29+$0x0] =	vst v6;
	v5 =	vadd.s32 $0x380, v5;
	v6 =	vld.idx.msk [tilespmem:v17+s19+$0x0], $0xffff  }
0x72: {  	v1 =	vadd.s32 $0x380, v1;
	s30 =	sor.u32 s28, s14;
	[tilespmem:s2+$0x0] =	vst v9;
	v9 =	vld.idx.msk [tilespmem:v18+s19+$0x0], $0xffff  }
0x73: {  	[tilespmem:s30+$0x0] =	vst v8;
	v17 =	vadd.s32 $0x300, v3;
	v12 =	vld.idx.msk [tilespmem:v12+s19+$0x0], $0xffff  }
0x74: {  	v15 =	vadd.s32 $0x300, v4;
	[tilespmem:s17+$0x80] =	vst v13;
	v7 =	vld.idx.msk [tilespmem:v7+s19+$0x0], $0xffff  }
0x75: {  	v16 =	vld.idx.msk [tilespmem:v16+s19+$0x0], $0xffff;
	[tilespmem:s23+$0x300] =	vst v10;
	v10 =	vadd.s32 $0x100, v22  }
0x76: {  	v8 =	vadd.s32 $0x100, v21;
	[tilespmem:s16+$0x280] =	vst v11;
	v5 =	vld.idx.msk [tilespmem:v5+s19+$0x0], $0xffff  }
0x77: {  	v11 =	vadd.s32 $0x100, v19;
	[tilespmem:s15+$0x280] =	vst v14;
	v14 =	vld.idx.msk [tilespmem:v1+s19+$0x0], $0xffff  }
0x78: {  	v13 =	vadd.s32 $0x300, v2;
	v23 =	vld.idx.msk [tilespmem:v17+s19+$0x0], $0xffff;
	[tilespmem:s29+$0x80] =	vst v9  }
0x79: {  	v15 =	vld.idx.msk [tilespmem:v15+s19+$0x0], $0xffff;
	v9 =	vadd.s32 $0x180, v0;
	[tilespmem:s30+$0x80] =	vst v7  }
0x7a: {  	v4 =	vadd.s32 $0x380, v4;
	[tilespmem:s2+$0x80] =	vst v12;
	v24 =	vld.idx.msk [tilespmem:v10+s19+$0x0], $0xffff  }
0x7b: {  	v8 =	vld.idx.msk [tilespmem:v8+s19+$0x0], $0xffff;
	[tilespmem:s23+$0x380] =	vst v5;
	v5 =	vadd.s32 $0x180, v22  }
0x7c: {  	v20 =	vadd.s32 $0x180, v21;
	[tilespmem:s9+$0x280] =	vst v6;
	v18 =	vld.idx.msk [tilespmem:v11+s19+$0x0], $0xffff  }
0x7d: {  	v1 =	vadd.s32 $0x380, v2;
	v2 =	vadd.s32 $0x380, v19;
	v6 =	vadd.s32 $0x180, v19;
	v25 =	vld.idx.msk [tilespmem:v13+s19+$0x0], $0xffff;
	[tilespmem:s17+$0x100] =	vst v16  }
0x7e: {  	v12 =	vadd.s32 $0x200, v19;
	v13 =	vadd.s32 $0x200, v21;
	v16 =	vadd.s32 $0x380, v3;
	[tilespmem:s16+$0x300] =	vst v15;
	v17 =	vld.idx.msk [tilespmem:v9+s19+$0x0], $0xffff  }
0x7f: {  	v7 =	vadd.s32 $0x280, v19;
	v15 =	vld.idx.msk [tilespmem:v4+s19+$0x0], $0xffff;
	v4 =	vadd.s32 $0x300, v19;
	v9 =	vadd.s32 $0x280, v21;
	[tilespmem:s30+$0x100] =	vst v24  }
0x80: {  	[tilespmem:s29+$0x100] =	vst v8;
	v8 =	vadd.s32 $0x300, v21;
	v19 =	vld.idx.msk [tilespmem:v5+s19+$0x0], $0xffff;
	v5 =	vadd.s32 $0x380, v21;
	v21 =	vadd.s32 $0x200, v0  }
0x81: {  	s7 =	smul.u32 $0x3, s0;
	[tilespmem:s2+$0x100] =	vst v18;
	v18 =	vld.idx.msk [tilespmem:v20+s19+$0x0], $0xffff  }
0x82: {  	v11 =	vadd.s32 $0x200, v22;
	[tilespmem:s15+$0x300] =	vst v23;
	v20 =	vld.idx.msk [tilespmem:v6+s19+$0x0], $0xffff  }
0x83: {  	s31 =	sadd.s32 s5, s7;
	s28 =	simm.s32 $0x8;
	v3 =	vadd.s32 $0x380, v22;
	v10 =	vadd.s32 $0x280, v22;
	s23 =	simm.s32 $0xE0;
	[tilespmem:s9+$0x300] =	vst v25;
	v16 =	vld.idx.msk [tilespmem:v16+s19+$0x0], $0xffff;
	v6 =	vadd.s32 $0x300, v22  }
.LBB2_3:
0x84: {  	v22 =	vld [tilespmem:s23+$0x10];
	[tilespmem:s17+$0x180] =	vst v17  }
0x85: {  	s28 =	sadd.s32 $0x4, s28;
	v17 =	vld.idx.msk [tilespmem:v21+s19+$0x0], $0xffff;
	[tilespmem:s16+$0x380] =	vst v15;
	s16 =	smov.u32 s2  }
0x86: {  	p1 =	slt.u32 s28, $0x7C;
	v15 =	vld [tilespmem:s23+$0xFFFFFFF0];
	[tilespmem:s29+$0x180] =	vst v18  }
0x87: {  	v18 =	vld [tilespmem:s23+$0x0];
	[tilespmem:s16+$0x180] =	vst v20;
	v20 =	vadd.s32 $0x280, v0  }
0x88: {  	v21 =	vld [tilespmem:s23+$0xFFFFFFE0];
	[tilespmem:s30+$0x180] =	vst v19  }
0x89: {  	v19 =	vld.idx.msk [tilespmem:v12+s19+$0x0], $0xffff;
	[tilespmem:s15+$0x380] =	vst v16;
	s15 =	smov.u32 s29  }
0x8a: {  	v16 =	vld.idx.msk [tilespmem:v13+s19+$0x0], $0xffff;
	[tilespmem:s8+$0x380] =	vst v14;
	s8 =	smov.u32 s9;
	s9 =	smov.u32 s30  }
0x8b: {  	v14 =	vadd.s32 $0x80, v15;
	v23 =	vadd.s32 $0x100, v15;
	v24 =	vadd.s32 $0x180, v15;
	v25 =	vld.idx.msk [tilespmem:v11+s19+$0x0], $0xffff;
	[tilespmem:s17+$0x200] =	vst v17  }
0x8c: {  	v17 =	vadd.s32 $0x80, v18;
	v26 =	vadd.s32 $0x100, v18;
	v27 =	vadd.s32 $0x180, v18;
	v20 =	vld.idx.msk [tilespmem:v20+s19+$0x0], $0xffff  }
0x8d: {  	v28 =	vadd.s32 $0x80, v21;
	v29 =	vadd.s32 $0x100, v21;
	v30 =	vadd.s32 $0x180, v21;
	v31 =	vld.idx.msk [tilespmem:v22+s19+$0x0], $0xffff  }
0x8e: {  	v33 =	vadd.s32 $0x300, v0;
	v13 =	vadd.s32 $0x200, v15;
	v12 =	vadd.s32 $0x200, v21;
	v32 =	vld.idx.msk [tilespmem:v15+s19+$0x0], $0xffff  }
0x8f: {  	s6 =	sadd.s32 $0x200, s6;
	v36 =	vadd.s32 $0x80, v22;
	v11 =	vadd.s32 $0x200, v18;
	v34 =	vadd.s32 $0x280, v21;
	v35 =	vld.idx.msk [tilespmem:v18+s19+$0x0], $0xffff;
	[tilespmem:s16+$0x200] =	vst v19  }
0x90: {  	s18 =	sadd.s32 $0x40, s18;
	s2 =	sand.u32 $0x3C00, s6;
	v38 =	vadd.s32 $0x280, v15;
	v39 =	vadd.s32 $0x280, v18;
	v37 =	vadd.s32 $0x300, v21;
	v19 =	vld.idx.msk [tilespmem:v21+s19+$0x0], $0xffff;
	[tilespmem:s15+$0x200] =	vst v16  }
0x91: {  	s29 =	sadd.s32 $0xFFFFFFD0, s18;
	s30 =	sadd.s32 $0xC800, s2;
	s2 =	sand.u32 $0x70, s18;
	v40 =	vadd.s32 $0x300, v18;
	v16 =	vadd.s32 $0x380, v21;
	v21 =	vadd.s32 $0x300, v15;
	v41 =	vld.idx.msk [tilespmem:v7+s19+$0x0], $0xffff;
	[tilespmem:s9+$0x200] =	vst v25;
	v7 =	vmovc v34  }
0x92: {  	s25 =	sadd.s32 $0xFFFFFFE0, s18;
	s14 =	sadd.s32 $0xFFFFFFF0, s18;
	s10 =	sor.u32 s2, s30;
	v25 =	vadd.s32 $0x380, v15;
	v15 =	vadd.s32 $0x380, v18;
	v18 =	vld.idx.msk [tilespmem:v9+s19+$0x0], $0xffff;
	[tilespmem:s17+$0x280] =	vst v20;
	v9 =	vmov v38  }
0x93: {  	s25 =	sand.u32 $0x50, s25;
	s14 =	sand.u32 $0x60, s14;
	s2 =	sand.u32 $0x40, s29;
	[tilespmem:s10+$0x0] =	vst v31;
	v20 =	vld.idx.msk [tilespmem:v33+s19+$0x0], $0xffff  }
0x94: {  	s29 =	sor.u32 s25, s30;
	s2 =	sor.u32 s2, s30;
	s30 =	sor.u32 s14, s30;
	v31 =	vld.idx.msk [tilespmem:v36+s19+$0x0], $0xffff  }
0x95: {  	v33 =	vadd.s32 $0x380, v0;
	v0 =	vmov v22;
	[tilespmem:s29+$0x0] =	vst v32;
	v32 =	vld.idx.msk [tilespmem:v10+s19+$0x0], $0xffff;
	v10 =	vmov v39  }
0x96: {  	[tilespmem:s2+$0x0] =	vst v19;
	v14 =	vld.idx.msk [tilespmem:v14+s19+$0x0], $0xffff;
	v19 =	vadd.s32 $0x100, v0  }
0x97: {  	v22 =	vld.idx.msk [tilespmem:v28+s19+$0x0], $0xffff;
	[tilespmem:s30+$0x0] =	vst v35  }
0x98: {  	v17 =	vld.idx.msk [tilespmem:v17+s19+$0x0], $0xffff;
	[tilespmem:s16+$0x280] =	vst v41  }
0x99: {  	v28 =	vld.idx.msk [tilespmem:v4+s19+$0x0], $0xffff;
	[tilespmem:s17+$0x300] =	vst v20;
	v4 =	vmov v37  }
0x9a: {  	[tilespmem:s10+$0x80] =	vst v31;
	v20 =	vld.idx.msk [tilespmem:v33+s19+$0x0], $0xffff  }
0x9b: {  	v19 =	vld.idx.msk [tilespmem:v19+s19+$0x0], $0xffff;
	[tilespmem:s15+$0x280] =	vst v18  }
0x9c: {  	[tilespmem:s29+$0x80] =	vst v14;
	v31 =	vld.idx.msk [tilespmem:v8+s19+$0x0], $0xffff;
	v8 =	vmov v21  }
0x9d: {  	v21 =	vadd.s32 $0x180, v0;
	[tilespmem:s2+$0x80] =	vst v22;
	v18 =	vld.idx.msk [tilespmem:v23+s19+$0x0], $0xffff  }
0x9e: {  	v22 =	vld.idx.msk [tilespmem:v29+s19+$0x0], $0xffff;
	[tilespmem:s30+$0x80] =	vst v17  }
0x9f: {  	v23 =	vld.idx.msk [tilespmem:v26+s19+$0x0], $0xffff;
	[tilespmem:s9+$0x280] =	vst v32  }
0xa0: {  	v26 =	vld.idx.msk [tilespmem:v6+s19+$0x0], $0xffff;
	[tilespmem:s17+$0x380] =	vst v20;
	v6 =	vmov v40;
	s17 =	smov.u32 s10  }
0xa1: {  	[tilespmem:s17+$0x100] =	vst v19;
	v14 =	vld.idx.msk [tilespmem:v1+s19+$0x0], $0xffff;
	v1 =	vmov v3;
	v3 =	vmov v15  }
0xa2: {  	v17 =	vld.idx.msk [tilespmem:v21+s19+$0x0], $0xffff;
	[tilespmem:s16+$0x300] =	vst v28  }
.Ltmp0:
0xa3: {  	[tilespmem:s29+$0x100] =	vst v18;
	v15 =	vld.idx.msk [tilespmem:v2+s19+$0x0], $0xffff;
	v2 =	vmov v16;
	(pc) =	sbr.rel @p1 .LBB2_3-.Ltmp0, $4  }
0xa4: {  	v21 =	vadd.s32 $0x200, v0;
	[tilespmem:s2+$0x100] =	vst v22;
	v18 =	vld.idx.msk [tilespmem:v24+s19+$0x0], $0xffff  }
0xa5: {  	v20 =	vld.idx.msk [tilespmem:v30+s19+$0x0], $0xffff;
	[tilespmem:s30+$0x100] =	vst v23  }
0xa6: {  	v19 =	vld.idx.msk [tilespmem:v27+s19+$0x0], $0xffff;
	[tilespmem:s15+$0x300] =	vst v31  }
0xa7: {  	s23 =	sadd.s32 $0x40, s23;
	v16 =	vld.idx.msk [tilespmem:v5+s19+$0x0], $0xffff;
	[tilespmem:s9+$0x300] =	vst v26;
	v5 =	vmov v25  }
0xa8: {  	_ =	sdelay $0x2  }
0xa9: {  	[tilespmem:s17+$0x180] =	vst v17  }
0xaa: {  	v17 =	vld.idx.msk [tilespmem:v21+s19+$0x0], $0xffff;
	[tilespmem:s29+$0x180] =	vst v18  }
0xab: {  	v18 =	vadd.s32 $0x280, v0;
	[tilespmem:s2+$0x180] =	vst v20;
	v13 =	vld.idx.msk [tilespmem:v13+s19+$0x0], $0xffff  }
0xac: {  	v12 =	vld.idx.msk [tilespmem:v12+s19+$0x0], $0xffff;
	[tilespmem:s30+$0x180] =	vst v19  }
0xad: {  	v11 =	vld.idx.msk [tilespmem:v11+s19+$0x0], $0xffff;
	_ =	sdelay $0x1  }
0xae: {  	[tilespmem:s17+$0x200] =	vst v17  }
0xaf: {  	v17 =	vld.idx.msk [tilespmem:v18+s19+$0x0], $0xffff;
	[tilespmem:s29+$0x200] =	vst v13  }
0xb0: {  	[tilespmem:s2+$0x200] =	vst v12;
	v12 =	vadd.s32 $0x300, v0;
	v9 =	vld.idx.msk [tilespmem:v9+s19+$0x0], $0xffff  }
0xb1: {  	v7 =	vld.idx.msk [tilespmem:v7+s19+$0x0], $0xffff;
	[tilespmem:s30+$0x200] =	vst v11  }
0xb2: {  	v10 =	vld.idx.msk [tilespmem:v10+s19+$0x0], $0xffff;
	_ =	sdelay $0x1  }
0xb3: {  	[tilespmem:s17+$0x280] =	vst v17  }
0xb4: {  	v11 =	vld.idx.msk [tilespmem:v12+s19+$0x0], $0xffff;
	[tilespmem:s29+$0x280] =	vst v9  }
0xb5: {  	v0 =	vadd.s32 $0x380, v0;
	[tilespmem:s2+$0x280] =	vst v7;
	v7 =	vld.idx.msk [tilespmem:v8+s19+$0x0], $0xffff  }
0xb6: {  	v4 =	vld.idx.msk [tilespmem:v4+s19+$0x0], $0xffff;
	[tilespmem:s30+$0x280] =	vst v10  }
0xb7: {  	[tilespmem:s16+$0x380] =	vst v15;
	v6 =	vld.idx.msk [tilespmem:v6+s19+$0x0], $0xffff  }
0xb8: {  	[tilespmem:s8+$0x380] =	vst v14  }
0xb9: {  	v1 =	vld.idx.msk [tilespmem:v1+s19+$0x0], $0xffff;
	[tilespmem:s17+$0x300] =	vst v11  }
0xba: {  	v0 =	vld.idx.msk [tilespmem:v0+s19+$0x0], $0xffff;
	[tilespmem:s29+$0x300] =	vst v7  }
0xbb: {  	[tilespmem:s2+$0x300] =	vst v4;
	v4 =	vld.idx.msk [tilespmem:v5+s19+$0x0], $0xffff  }
0xbc: {  	v2 =	vld.idx.msk [tilespmem:v2+s19+$0x0], $0xffff;
	[tilespmem:s30+$0x300] =	vst v6  }
0xbd: {  	[tilespmem:s15+$0x380] =	vst v16;
	v3 =	vld.idx.msk [tilespmem:v3+s19+$0x0], $0xffff  }
0xbe: {  	[tilespmem:s9+$0x380] =	vst v1  }
0xbf: {  	[tilespmem:s17+$0x380] =	vst v0  }
0xc0: {  	[tilespmem:s29+$0x380] =	vst v4  }
0xc1: {  	s10 =	sshll.u32 s31, $0xB;
	[tilespmem:s2+$0x380] =	vst v2  }
0xc2: {  	s6 =	simm.s32 $0xC800;
	s2 =	sadd.s32 s3, s10;
	[tilespmem:s30+$0x380] =	vst v3  }
0xc3: {  	[hbm4b:s2+s4] =	stream.linear.scatter [tilespmem:s6], [sflag:$0x4], $0x4000, $0x38;
	[tilespmem:$0x18800] =	vst v63  }
0xc4: {  	s11 =	rddreg [dreg:$0x8]  }
0xc5: {  	s2 =	sadd.s32 s7, s11  }
0xc6: {  	s2 =	sshll.u32 s2, $0xB  }
0xc7: {  	s2 =	sadd.s32 s1, s2  }
0xc8: {  	[tilespmem:s19], [sflag:$0x1] =	stream.linear.gather [hbm4b:s2+s4], $0x4000, $0x38;
	[tilespmem:$0x18800] =	vst v63  }
0xc9: {  	_ =	swait.ge [sflag:s24], $0x4000  }
0xca: {  	[sflag:s24] =	ssyncset.done $0x0  }
0xcb: {  	s2 =	simm.s32 @!p0 $0x5;
	[sflag:s24] =	ssyncadd.s32 $0xFFFFC000  }
0xcc: {  	_ =	swait.ge @!p0 [sflag:s2], $0x4000  }
0xcd: {  	[sflag:s2] =	ssyncset.done @!p0 $0x0  }
0xce: {  	s12 =	simm.s32 $0x20;
	[sflag:s2] =	ssyncadd.s32 @!p0 $0xFFFFC000  }
0xcf: {  	v7 =	vld [tilespmem:s12+$0x10]  }
0xd0: {  	v6 =	vld [tilespmem:s12+$0xFFFFFFE0]  }
0xd1: {  	v0 =	vld [tilespmem:s12+$0xFFFFFFF0]  }
0xd2: {  	v1 =	vld [tilespmem:s12+$0x0];
	_ =	sdelay $0x4  }
0xd3: {  	v2 =	vld.idx.msk [tilespmem:v7+s20+$0x0], $0xffff  }
0xd4: {  	s14 =	simm.s32 $0x0;
	v3 =	vadd.s32 $0x80, v7;
	v8 =	vld.idx.msk [tilespmem:v6+s20+$0x0], $0xffff  }
0xd5: {  	s15 =	simm.s32 $0x30;
	s2 =	sand.u32 $0x3C00, s14;
	v9 =	vadd.s32 $0x80, v6;
	v4 =	vld.idx.msk [tilespmem:v0+s20+$0x0], $0xffff  }
0xd6: {  	s25 =	simm.s32 $0x0;
	s18 =	sand.u32 $0x70, s15;
	s16 =	sadd.s32 $0xC800, s2;
	v5 =	vadd.s32 $0x80, v0;
	v10 =	vld.idx.msk [tilespmem:v1+s20+$0x0], $0xffff  }
0xd7: {  	s23 =	simm.s32 $0x10;
	s14 =	sand.u32 $0x40, s25;
	s6 =	sor.u32 s18, s16;
	v11 =	vadd.s32 $0x80, v1  }
0xd8: {  	s9 =	sand.u32 $0x50, s23;
	s10 =	simm.s32 $0x20;
	s17 =	sor.u32 s14, s16;
	[tilespmem:s6+$0x4000] =	vst v2  }
0xd9: {  	s11 =	sand.u32 $0x60, s10;
	s2 =	sor.u32 s9, s16;
	[tilespmem:s17+$0x4000] =	vst v8;
	v2 =	vld.idx.msk [tilespmem:v3+s20+$0x0], $0xffff  }
0xda: {  	s8 =	sor.u32 s11, s16;
	[tilespmem:s2+$0x4000] =	vst v4;
	v3 =	vadd.s32 $0x100, v7;
	v8 =	vld.idx.msk [tilespmem:v9+s20+$0x0], $0xffff  }
0xdb: {  	[tilespmem:s8+$0x4000] =	vst v10;
	v4 =	vld.idx.msk [tilespmem:v5+s20+$0x0], $0xffff;
	v9 =	vadd.s32 $0x100, v6  }
0xdc: {  	v5 =	vadd.s32 $0x100, v0;
	v10 =	vld.idx.msk [tilespmem:v11+s20+$0x0], $0xffff  }
0xdd: {  	v11 =	vadd.s32 $0x100, v1  }
0xde: {  	[tilespmem:s6+$0x4080] =	vst v2  }
0xdf: {  	[tilespmem:s17+$0x4080] =	vst v8;
	v2 =	vld.idx.msk [tilespmem:v3+s20+$0x0], $0xffff  }
0xe0: {  	[tilespmem:s2+$0x4080] =	vst v4;
	v3 =	vadd.s32 $0x180, v7;
	v8 =	vld.idx.msk [tilespmem:v9+s20+$0x0], $0xffff  }
0xe1: {  	[tilespmem:s8+$0x4080] =	vst v10;
	v4 =	vld.idx.msk [tilespmem:v5+s20+$0x0], $0xffff;
	v9 =	vadd.s32 $0x180, v6  }
0xe2: {  	v5 =	vadd.s32 $0x180, v0;
	v10 =	vld.idx.msk [tilespmem:v11+s20+$0x0], $0xffff  }
0xe3: {  	v11 =	vadd.s32 $0x180, v1  }
0xe4: {  	[tilespmem:s6+$0x4100] =	vst v2  }
0xe5: {  	[tilespmem:s17+$0x4100] =	vst v8;
	v2 =	vld.idx.msk [tilespmem:v3+s20+$0x0], $0xffff  }
0xe6: {  	[tilespmem:s2+$0x4100] =	vst v4;
	v4 =	vld.idx.msk [tilespmem:v9+s20+$0x0], $0xffff  }
0xe7: {  	[tilespmem:s8+$0x4100] =	vst v10;
	v3 =	vadd.s32 $0x200, v7;
	v8 =	vld.idx.msk [tilespmem:v5+s20+$0x0], $0xffff  }
0xe8: {  	s12 =	simm.s32 $0x60;
	v9 =	vld.idx.msk [tilespmem:v11+s20+$0x0], $0xffff  }
0xe9: {  	v10 =	vadd.s32 $0x200, v6;
	v5 =	vld [tilespmem:s12+$0x10]  }
0xea: {  	v11 =	vadd.s32 $0x200, v0;
	[tilespmem:s6+$0x4180] =	vst v2;
	v2 =	vld [tilespmem:s12+$0x0]  }
0xeb: {  	v13 =	vadd.s32 $0x200, v1;
	[tilespmem:s17+$0x4180] =	vst v4;
	v4 =	vld [tilespmem:s12+$0xFFFFFFE0]  }
0xec: {  	v12 =	vld.idx.msk [tilespmem:v3+s20+$0x0], $0xffff  }
0xed: {  	v3 =	vld [tilespmem:s12+$0xFFFFFFF0]  }
0xee: {  	v14 =	vadd.s32 $0x280, v7;
	[tilespmem:s2+$0x4180] =	vst v8;
	v8 =	vld.idx.msk [tilespmem:v10+s20+$0x0], $0xffff  }
0xef: {  	[tilespmem:s8+$0x4180] =	vst v9;
	v9 =	vld.idx.msk [tilespmem:v11+s20+$0x0], $0xffff  }
0xf0: {  	v10 =	vld.idx.msk [tilespmem:v13+s20+$0x0], $0xffff;
	v11 =	vadd.s32 $0x280, v6;
	s12 =	simm.s32 $0xA0  }
0xf1: {  	v13 =	vadd.s32 $0x280, v0;
	v21 =	vld [tilespmem:s12+$0xFFFFFFF0]  }
0xf2: {  	v22 =	vld [tilespmem:s12+$0x0];
	[tilespmem:s6+$0x4200] =	vst v12  }
0xf3: {  	v12 =	vld.idx.msk [tilespmem:v14+s20+$0x0], $0xffff  }
0xf4: {  	[tilespmem:s17+$0x4200] =	vst v8;
	v14 =	vld.idx.msk [tilespmem:v5+s20+$0x0], $0xffff  }
0xf5: {  	v16 =	vadd.s32 $0x300, v7;
	[tilespmem:s2+$0x4200] =	vst v9;
	v9 =	vld.idx.msk [tilespmem:v11+s20+$0x0], $0xffff  }
0xf6: {  	s14 =	simm.s32 $0x200;
	v18 =	vadd.s32 $0x80, v5;
	v13 =	vld.idx.msk [tilespmem:v13+s20+$0x0], $0xffff  }
0xf7: {  	s15 =	simm.s32 $0x70;
	s9 =	sand.u32 $0x3C00, s14;
	v19 =	vadd.s32 $0x280, v1;
	v15 =	vld.idx.msk [tilespmem:v3+s20+$0x0], $0xffff  }
0xf8: {  	s10 =	sand.u32 $0x70, s15;
	s9 =	sadd.s32 $0xC800, s9;
	v20 =	vadd.s32 $0x80, v3;
	[tilespmem:s8+$0x4200] =	vst v10;
	v8 =	vld.idx.msk [tilespmem:v4+s20+$0x0], $0xffff  }
0xf9: {  	s16 =	simm.s32 $0x50;
	s23 =	sor.u32 s10, s9;
	v11 =	vadd.s32 $0x80, v4;
	v17 =	vld.idx.msk [tilespmem:v2+s20+$0x0], $0xffff;
	[tilespmem:s6+$0x4280] =	vst v12  }
0xfa: {  	s18 =	simm.s32 $0x40;
	s14 =	sand.u32 $0x50, s16;
	v12 =	vadd.s32 $0x80, v2;
	[tilespmem:s23+$0x4000] =	vst v14;
	v14 =	vld.idx.msk [tilespmem:v16+s20+$0x0], $0xffff  }
0xfb: {  	s25 =	simm.s32 $0x60;
	s10 =	sand.u32 $0x40, s18;
	s15 =	sor.u32 s14, s9;
	[tilespmem:s17+$0x4280] =	vst v9;
	v16 =	vadd.s32 $0x300, v6;
	v10 =	vld.idx.msk [tilespmem:v18+s20+$0x0], $0xffff  }
0xfc: {  	s11 =	sand.u32 $0x60, s25;
	s16 =	sor.u32 s10, s9;
	v18 =	vadd.s32 $0x100, v5;
	[tilespmem:s15+$0x4000] =	vst v15;
	v15 =	vld.idx.msk [tilespmem:v19+s20+$0x0], $0xffff  }
0xfd: {  	s9 =	sor.u32 s11, s9;
	[tilespmem:s16+$0x4000] =	vst v8;
	v19 =	vadd.s32 $0x300, v0;
	v8 =	vld.idx.msk [tilespmem:v20+s20+$0x0], $0xffff  }
0xfe: {  	v7 =	vadd.s32 $0x380, v7;
	[tilespmem:s9+$0x4000] =	vst v17;
	v11 =	vld.idx.msk [tilespmem:v11+s20+$0x0], $0xffff  }
0xff: {  	[tilespmem:s2+$0x4280] =	vst v13;
	v17 =	vadd.s32 $0x100, v3;
	v12 =	vld.idx.msk [tilespmem:v12+s20+$0x0], $0xffff  }
0x100: {  	v9 =	vadd.s32 $0x100, v4;
	v16 =	vld.idx.msk [tilespmem:v16+s20+$0x0], $0xffff;
	[tilespmem:s23+$0x4080] =	vst v10  }
0x101: {  	[tilespmem:s6+$0x4300] =	vst v14;
	v14 =	vadd.s32 $0x100, v2;
	v18 =	vld.idx.msk [tilespmem:v18+s20+$0x0], $0xffff  }
0x102: {  	v13 =	vadd.s32 $0x180, v5;
	[tilespmem:s15+$0x4080] =	vst v8;
	v8 =	vld.idx.msk [tilespmem:v19+s20+$0x0], $0xffff  }
0x103: {  	v0 =	vadd.s32 $0x380, v0;
	v7 =	vld.idx.msk [tilespmem:v7+s20+$0x0], $0xffff;
	[tilespmem:s16+$0x4080] =	vst v11  }
0x104: {  	[tilespmem:s8+$0x4280] =	vst v15;
	v11 =	vld.idx.msk [tilespmem:v17+s20+$0x0], $0xffff  }
0x105: {  	v9 =	vld.idx.msk [tilespmem:v9+s20+$0x0], $0xffff;
	v17 =	vadd.s32 $0x180, v3;
	[tilespmem:s9+$0x4080] =	vst v12  }
0x106: {  	v12 =	vadd.s32 $0x180, v4;
	v14 =	vld.idx.msk [tilespmem:v14+s20+$0x0], $0xffff;
	[tilespmem:s23+$0x4100] =	vst v18  }
0x107: {  	v15 =	vadd.s32 $0x180, v2;
	v13 =	vld.idx.msk [tilespmem:v13+s20+$0x0], $0xffff;
	[tilespmem:s2+$0x4300] =	vst v8  }
0x108: {  	v10 =	vadd.s32 $0x300, v1;
	v8 =	vld.idx.msk [tilespmem:v0+s20+$0x0], $0xffff  }
0x109: {  	[tilespmem:s15+$0x4100] =	vst v11;
	v0 =	vld [tilespmem:s12+$0x10]  }
0x10a: {  	v6 =	vadd.s32 $0x380, v6;
	[tilespmem:s16+$0x4100] =	vst v9;
	v9 =	vld.idx.msk [tilespmem:v17+s20+$0x0], $0xffff  }
0x10b: {  	v11 =	vadd.s32 $0x200, v5;
	v12 =	vld.idx.msk [tilespmem:v12+s20+$0x0], $0xffff;
	[tilespmem:s9+$0x4100] =	vst v14  }
0x10c: {  	v14 =	vld.idx.msk [tilespmem:v15+s20+$0x0], $0xffff;
	v15 =	vadd.s32 $0x200, v4  }
0x10d: {  	v10 =	vld.idx.msk [tilespmem:v10+s20+$0x0], $0xffff;
	[tilespmem:s17+$0x4300] =	vst v16  }
0x10e: {  	v19 =	vld [tilespmem:s12+$0xFFFFFFE0];
	[tilespmem:s23+$0x4180] =	vst v13;
	v13 =	vadd.s32 $0x200, v3  }
0x10f: {  	v16 =	vadd.s32 $0x200, v2;
	v6 =	vld.idx.msk [tilespmem:v6+s20+$0x0], $0xffff;
	[tilespmem:s6+$0x4380] =	vst v7  }
0x110: {  	v11 =	vld.idx.msk [tilespmem:v11+s20+$0x0], $0xffff;
	[tilespmem:s16+$0x4180] =	vst v12  }
0x111: {  	[tilespmem:s15+$0x4180] =	vst v9;
	v9 =	vld.idx.msk [tilespmem:v15+s20+$0x0], $0xffff  }
0x112: {  	v17 =	vadd.s32 $0x280, v5;
	[tilespmem:s8+$0x4300] =	vst v10;
	v10 =	vld.idx.msk [tilespmem:v0+s20+$0x0], $0xffff  }
0x113: {  	[tilespmem:s9+$0x4180] =	vst v14;
	v12 =	vld.idx.msk [tilespmem:v13+s20+$0x0], $0xffff  }
0x114: {  	s6 =	simm.s32 $0x400;
	[tilespmem:s17+$0x4380] =	vst v6;
	v13 =	vld.idx.msk [tilespmem:v16+s20+$0x0], $0xffff;
	v16 =	vadd.s32 $0x80, v0  }
0x115: {  	s18 =	simm.s32 $0xB0;
	s14 =	sand.u32 $0x3C00, s6;
	v6 =	vld.idx.msk [tilespmem:v21+s20+$0x0], $0xffff;
	[tilespmem:s23+$0x4200] =	vst v11;
	v11 =	vadd.s32 $0x280, v4  }
0x116: {  	s10 =	sadd.s32 $0xC800, s14;
	s17 =	sand.u32 $0x70, s18;
	[tilespmem:s2+$0x4380] =	vst v8;
	v8 =	vld.idx.msk [tilespmem:v22+s20+$0x0], $0xffff;
	v14 =	vadd.s32 $0x280, v3  }
0x117: {  	s17 =	sor.u32 s17, s10;
	v7 =	vld.idx.msk [tilespmem:v17+s20+$0x0], $0xffff;
	v17 =	vadd.s32 $0x280, v2;
	[tilespmem:s16+$0x4200] =	vst v9  }
0x118: {  	s25 =	simm.s32 $0x90;
	v15 =	vadd.s32 $0x300, v5;
	v9 =	vld.idx.msk [tilespmem:v19+s20+$0x0], $0xffff;
	[tilespmem:s17+$0x4000] =	vst v10  }
0x119: {  	v18 =	vadd.s32 $0x80, v21;
	s14 =	sand.u32 $0x50, s25;
	[tilespmem:s9+$0x4200] =	vst v13;
	v13 =	vld.idx.msk [tilespmem:v16+s20+$0x0], $0xffff  }
0x11a: {  	s25 =	simm.s32 $0xA0;
	s29 =	sor.u32 s14, s10;
	[tilespmem:s15+$0x4200] =	vst v12;
	v12 =	vadd.s32 $0x80, v19;
	v11 =	vld.idx.msk [tilespmem:v11+s20+$0x0], $0xffff  }
0x11b: {  	s11 =	simm.s32 $0x80;
	s12 =	sand.u32 $0x60, s25;
	[tilespmem:s29+$0x4000] =	vst v6;
	v16 =	vadd.s32 $0x100, v0;
	v14 =	vld.idx.msk [tilespmem:v14+s20+$0x0], $0xffff  }
0x11c: {  	s30 =	sor.u32 s12, s10;
	s2 =	sand.u32 $0x40, s11;
	[tilespmem:s23+$0x4280] =	vst v7;
	v7 =	vadd.s32 $0x80, v22;
	v6 =	vld.idx.msk [tilespmem:v17+s20+$0x0], $0xffff  }
0x11d: {  	v1 =	vadd.s32 $0x380, v1;
	s2 =	sor.u32 s2, s10;
	[tilespmem:s30+$0x4000] =	vst v8;
	v10 =	vld.idx.msk [tilespmem:v15+s20+$0x0], $0xffff  }
0x11e: {  	v5 =	vadd.s32 $0x380, v5;
	[tilespmem:s2+$0x4000] =	vst v9;
	v9 =	vld.idx.msk [tilespmem:v18+s20+$0x0], $0xffff  }
0x11f: {  	v15 =	vadd.s32 $0x300, v4;
	v12 =	vld.idx.msk [tilespmem:v12+s20+$0x0], $0xffff;
	[tilespmem:s17+$0x4080] =	vst v13  }
0x120: {  	v8 =	vadd.s32 $0x100, v21;
	[tilespmem:s16+$0x4280] =	vst v11;
	v16 =	vld.idx.msk [tilespmem:v16+s20+$0x0], $0xffff  }
0x121: {  	v11 =	vadd.s32 $0x100, v19;
	[tilespmem:s15+$0x4280] =	vst v14;
	v7 =	vld.idx.msk [tilespmem:v7+s20+$0x0], $0xffff  }
0x122: {  	v14 =	vld.idx.msk [tilespmem:v1+s20+$0x0], $0xffff;
	[tilespmem:s23+$0x4300] =	vst v10;
	v10 =	vadd.s32 $0x100, v22  }
0x123: {  	v17 =	vadd.s32 $0x300, v3;
	[tilespmem:s9+$0x4280] =	vst v6;
	v5 =	vld.idx.msk [tilespmem:v5+s20+$0x0], $0xffff  }
0x124: {  	v13 =	vadd.s32 $0x300, v2;
	v15 =	vld.idx.msk [tilespmem:v15+s20+$0x0], $0xffff;
	[tilespmem:s29+$0x4080] =	vst v9  }
0x125: {  	v9 =	vadd.s32 $0x180, v0;
	[tilespmem:s2+$0x4080] =	vst v12;
	v8 =	vld.idx.msk [tilespmem:v8+s20+$0x0], $0xffff  }
0x126: {  	v4 =	vadd.s32 $0x380, v4;
	v18 =	vld.idx.msk [tilespmem:v11+s20+$0x0], $0xffff;
	[tilespmem:s30+$0x4080] =	vst v7  }
0x127: {  	[tilespmem:s17+$0x4100] =	vst v16;
	v7 =	vadd.s32 $0x180, v21;
	v24 =	vld.idx.msk [tilespmem:v10+s20+$0x0], $0xffff  }
0x128: {  	v23 =	vld.idx.msk [tilespmem:v17+s20+$0x0], $0xffff;
	[tilespmem:s23+$0x4380] =	vst v5;
	v5 =	vadd.s32 $0x180, v22  }
0x129: {  	v25 =	vld.idx.msk [tilespmem:v13+s20+$0x0], $0xffff;
	[tilespmem:s16+$0x4300] =	vst v15  }
0x12a: {  	v1 =	vadd.s32 $0x380, v2;
	v2 =	vadd.s32 $0x380, v19;
	v6 =	vadd.s32 $0x180, v19;
	v17 =	vld.idx.msk [tilespmem:v9+s20+$0x0], $0xffff;
	[tilespmem:s29+$0x4100] =	vst v8  }
0x12b: {  	v12 =	vadd.s32 $0x200, v19;
	v13 =	vadd.s32 $0x200, v21;
	v16 =	vadd.s32 $0x380, v3;
	v15 =	vld.idx.msk [tilespmem:v4+s20+$0x0], $0xffff;
	[tilespmem:s2+$0x4100] =	vst v18  }
0x12c: {  	v4 =	vadd.s32 $0x300, v19;
	v9 =	vadd.s32 $0x280, v21;
	v8 =	vadd.s32 $0x280, v19;
	v18 =	vld.idx.msk [tilespmem:v7+s20+$0x0], $0xffff;
	[tilespmem:s30+$0x4100] =	vst v24  }
0x12d: {  	v7 =	vadd.s32 $0x300, v21;
	v19 =	vld.idx.msk [tilespmem:v5+s20+$0x0], $0xffff;
	v5 =	vadd.s32 $0x380, v21;
	v21 =	vadd.s32 $0x200, v0  }
0x12e: {  	[tilespmem:s15+$0x4300] =	vst v23  }
0x12f: {  	v11 =	vadd.s32 $0x200, v22;
	v20 =	vld.idx.msk [tilespmem:v6+s20+$0x0], $0xffff;
	s25 =	rddreg [dreg:$0x9]  }
0x130: {  	s28 =	simm.s32 $0x8;
	v3 =	vadd.s32 $0x380, v22;
	v10 =	vadd.s32 $0x280, v22;
	s23 =	simm.s32 $0xE0;
	v16 =	vld.idx.msk [tilespmem:v16+s20+$0x0], $0xffff;
	v6 =	vadd.s32 $0x300, v22;
	[tilespmem:s9+$0x4300] =	vst v25;
	s31 =	sadd.s32 s7, s25  }
.LBB2_5:
0x131: {  	v22 =	vld [tilespmem:s23+$0x10];
	[tilespmem:s17+$0x4180] =	vst v17  }
0x132: {  	s28 =	sadd.s32 $0x4, s28;
	v17 =	vld.idx.msk [tilespmem:v21+s20+$0x0], $0xffff;
	[tilespmem:s16+$0x4380] =	vst v15;
	s16 =	smov.u32 s2  }
0x133: {  	p1 =	slt.u32 s28, $0x7C;
	v15 =	vld [tilespmem:s23+$0xFFFFFFF0];
	[tilespmem:s29+$0x4180] =	vst v18  }
0x134: {  	v18 =	vld [tilespmem:s23+$0x0];
	[tilespmem:s16+$0x4180] =	vst v20;
	v20 =	vadd.s32 $0x280, v0  }
0x135: {  	v21 =	vld [tilespmem:s23+$0xFFFFFFE0];
	[tilespmem:s30+$0x4180] =	vst v19  }
0x136: {  	v19 =	vld.idx.msk [tilespmem:v12+s20+$0x0], $0xffff;
	[tilespmem:s15+$0x4380] =	vst v16;
	s15 =	smov.u32 s29  }
0x137: {  	v16 =	vld.idx.msk [tilespmem:v13+s20+$0x0], $0xffff;
	[tilespmem:s8+$0x4380] =	vst v14;
	s8 =	smov.u32 s9;
	s9 =	smov.u32 s30  }
0x138: {  	v14 =	vadd.s32 $0x80, v15;
	v23 =	vadd.s32 $0x100, v15;
	v24 =	vadd.s32 $0x180, v15;
	v25 =	vld.idx.msk [tilespmem:v11+s20+$0x0], $0xffff;
	[tilespmem:s17+$0x4200] =	vst v17  }
0x139: {  	v17 =	vadd.s32 $0x80, v18;
	v26 =	vadd.s32 $0x100, v18;
	v27 =	vadd.s32 $0x180, v18;
	v20 =	vld.idx.msk [tilespmem:v20+s20+$0x0], $0xffff  }
0x13a: {  	v28 =	vadd.s32 $0x80, v21;
	v29 =	vadd.s32 $0x100, v21;
	v30 =	vadd.s32 $0x180, v21;
	v31 =	vld.idx.msk [tilespmem:v22+s20+$0x0], $0xffff  }
0x13b: {  	v33 =	vadd.s32 $0x300, v0;
	v13 =	vadd.s32 $0x200, v15;
	v12 =	vadd.s32 $0x200, v21;
	v32 =	vld.idx.msk [tilespmem:v15+s20+$0x0], $0xffff  }
0x13c: {  	s6 =	sadd.s32 $0x200, s6;
	v36 =	vadd.s32 $0x80, v22;
	v11 =	vadd.s32 $0x200, v18;
	v34 =	vadd.s32 $0x280, v21;
	v35 =	vld.idx.msk [tilespmem:v18+s20+$0x0], $0xffff;
	[tilespmem:s16+$0x4200] =	vst v19  }
0x13d: {  	s18 =	sadd.s32 $0x40, s18;
	s2 =	sand.u32 $0x3C00, s6;
	v38 =	vadd.s32 $0x280, v15;
	v39 =	vadd.s32 $0x280, v18;
	v37 =	vadd.s32 $0x300, v21;
	v19 =	vld.idx.msk [tilespmem:v21+s20+$0x0], $0xffff;
	[tilespmem:s15+$0x4200] =	vst v16  }
0x13e: {  	s10 =	sadd.s32 $0xFFFFFFD0, s18;
	s14 =	sadd.s32 $0xC800, s2;
	s2 =	sand.u32 $0x70, s18;
	v40 =	vadd.s32 $0x300, v18;
	v16 =	vadd.s32 $0x380, v21;
	v21 =	vadd.s32 $0x300, v15;
	v41 =	vld.idx.msk [tilespmem:v8+s20+$0x0], $0xffff;
	[tilespmem:s9+$0x4200] =	vst v25;
	v8 =	vmovc v34  }
0x13f: {  	s25 =	sadd.s32 $0xFFFFFFE0, s18;
	s11 =	sor.u32 s2, s14;
	s29 =	sadd.s32 $0xFFFFFFF0, s18;
	v25 =	vadd.s32 $0x380, v15;
	v15 =	vadd.s32 $0x380, v18;
	v18 =	vld.idx.msk [tilespmem:v9+s20+$0x0], $0xffff;
	[tilespmem:s17+$0x4280] =	vst v20;
	v9 =	vmov v38  }
0x140: {  	s2 =	sand.u32 $0x40, s10;
	s10 =	sand.u32 $0x50, s25;
	s25 =	sand.u32 $0x60, s29;
	[tilespmem:s11+$0x4000] =	vst v31;
	v20 =	vld.idx.msk [tilespmem:v33+s20+$0x0], $0xffff  }
0x141: {  	s2 =	sor.u32 s2, s14;
	s29 =	sor.u32 s10, s14;
	s30 =	sor.u32 s25, s14;
	v31 =	vld.idx.msk [tilespmem:v36+s20+$0x0], $0xffff  }
0x142: {  	v33 =	vadd.s32 $0x380, v0;
	v0 =	vmov v22;
	[tilespmem:s29+$0x4000] =	vst v32;
	v32 =	vld.idx.msk [tilespmem:v10+s20+$0x0], $0xffff;
	v10 =	vmov v39  }
0x143: {  	[tilespmem:s2+$0x4000] =	vst v19;
	v14 =	vld.idx.msk [tilespmem:v14+s20+$0x0], $0xffff;
	v19 =	vadd.s32 $0x100, v0  }
0x144: {  	v22 =	vld.idx.msk [tilespmem:v28+s20+$0x0], $0xffff;
	[tilespmem:s30+$0x4000] =	vst v35  }
0x145: {  	v17 =	vld.idx.msk [tilespmem:v17+s20+$0x0], $0xffff;
	[tilespmem:s16+$0x4280] =	vst v41  }
0x146: {  	v28 =	vld.idx.msk [tilespmem:v4+s20+$0x0], $0xffff;
	[tilespmem:s17+$0x4300] =	vst v20;
	v4 =	vmov v37  }
0x147: {  	[tilespmem:s11+$0x4080] =	vst v31;
	v20 =	vld.idx.msk [tilespmem:v33+s20+$0x0], $0xffff  }
0x148: {  	v19 =	vld.idx.msk [tilespmem:v19+s20+$0x0], $0xffff;
	[tilespmem:s15+$0x4280] =	vst v18  }
0x149: {  	[tilespmem:s29+$0x4080] =	vst v14;
	v31 =	vld.idx.msk [tilespmem:v7+s20+$0x0], $0xffff;
	v7 =	vmov v21  }
0x14a: {  	v21 =	vadd.s32 $0x180, v0;
	[tilespmem:s2+$0x4080] =	vst v22;
	v18 =	vld.idx.msk [tilespmem:v23+s20+$0x0], $0xffff  }
0x14b: {  	v22 =	vld.idx.msk [tilespmem:v29+s20+$0x0], $0xffff;
	[tilespmem:s30+$0x4080] =	vst v17  }
0x14c: {  	v23 =	vld.idx.msk [tilespmem:v26+s20+$0x0], $0xffff;
	[tilespmem:s9+$0x4280] =	vst v32  }
0x14d: {  	v26 =	vld.idx.msk [tilespmem:v6+s20+$0x0], $0xffff;
	[tilespmem:s17+$0x4380] =	vst v20;
	v6 =	vmov v40;
	s17 =	smov.u32 s11  }
0x14e: {  	[tilespmem:s17+$0x4100] =	vst v19;
	v14 =	vld.idx.msk [tilespmem:v1+s20+$0x0], $0xffff;
	v1 =	vmov v3;
	v3 =	vmov v15  }
0x14f: {  	v17 =	vld.idx.msk [tilespmem:v21+s20+$0x0], $0xffff;
	[tilespmem:s16+$0x4300] =	vst v28  }
.Ltmp1:
0x150: {  	[tilespmem:s29+$0x4100] =	vst v18;
	v15 =	vld.idx.msk [tilespmem:v2+s20+$0x0], $0xffff;
	v2 =	vmov v16;
	(pc) =	sbr.rel @p1 .LBB2_5-.Ltmp1, $4  }
0x151: {  	v21 =	vadd.s32 $0x200, v0;
	[tilespmem:s2+$0x4100] =	vst v22;
	v18 =	vld.idx.msk [tilespmem:v24+s20+$0x0], $0xffff  }
0x152: {  	v20 =	vld.idx.msk [tilespmem:v30+s20+$0x0], $0xffff;
	[tilespmem:s30+$0x4100] =	vst v23  }
0x153: {  	v19 =	vld.idx.msk [tilespmem:v27+s20+$0x0], $0xffff;
	[tilespmem:s15+$0x4300] =	vst v31  }
0x154: {  	s23 =	sadd.s32 $0x40, s23;
	v16 =	vld.idx.msk [tilespmem:v5+s20+$0x0], $0xffff;
	[tilespmem:s9+$0x4300] =	vst v26;
	v5 =	vmov v25  }
0x155: {  	_ =	sdelay $0x2  }
0x156: {  	[tilespmem:s17+$0x4180] =	vst v17  }
0x157: {  	v17 =	vld.idx.msk [tilespmem:v21+s20+$0x0], $0xffff;
	[tilespmem:s29+$0x4180] =	vst v18  }
0x158: {  	v18 =	vadd.s32 $0x280, v0;
	[tilespmem:s2+$0x4180] =	vst v20;
	v13 =	vld.idx.msk [tilespmem:v13+s20+$0x0], $0xffff  }
0x159: {  	v12 =	vld.idx.msk [tilespmem:v12+s20+$0x0], $0xffff;
	[tilespmem:s30+$0x4180] =	vst v19  }
0x15a: {  	v11 =	vld.idx.msk [tilespmem:v11+s20+$0x0], $0xffff;
	_ =	sdelay $0x1  }
0x15b: {  	[tilespmem:s17+$0x4200] =	vst v17  }
0x15c: {  	v17 =	vld.idx.msk [tilespmem:v18+s20+$0x0], $0xffff;
	[tilespmem:s29+$0x4200] =	vst v13  }
0x15d: {  	[tilespmem:s2+$0x4200] =	vst v12;
	v12 =	vadd.s32 $0x300, v0;
	v9 =	vld.idx.msk [tilespmem:v9+s20+$0x0], $0xffff  }
0x15e: {  	v8 =	vld.idx.msk [tilespmem:v8+s20+$0x0], $0xffff;
	[tilespmem:s30+$0x4200] =	vst v11  }
0x15f: {  	v10 =	vld.idx.msk [tilespmem:v10+s20+$0x0], $0xffff;
	_ =	sdelay $0x1  }
0x160: {  	[tilespmem:s17+$0x4280] =	vst v17  }
0x161: {  	v11 =	vld.idx.msk [tilespmem:v12+s20+$0x0], $0xffff;
	[tilespmem:s29+$0x4280] =	vst v9  }
0x162: {  	v0 =	vadd.s32 $0x380, v0;
	[tilespmem:s2+$0x4280] =	vst v8;
	v7 =	vld.idx.msk [tilespmem:v7+s20+$0x0], $0xffff  }
0x163: {  	v4 =	vld.idx.msk [tilespmem:v4+s20+$0x0], $0xffff;
	[tilespmem:s30+$0x4280] =	vst v10  }
0x164: {  	[tilespmem:s16+$0x4380] =	vst v15;
	v6 =	vld.idx.msk [tilespmem:v6+s20+$0x0], $0xffff  }
0x165: {  	[tilespmem:s8+$0x4380] =	vst v14  }
0x166: {  	v1 =	vld.idx.msk [tilespmem:v1+s20+$0x0], $0xffff;
	[tilespmem:s17+$0x4300] =	vst v11  }
0x167: {  	v0 =	vld.idx.msk [tilespmem:v0+s20+$0x0], $0xffff;
	[tilespmem:s29+$0x4300] =	vst v7  }
0x168: {  	[tilespmem:s2+$0x4300] =	vst v4;
	v4 =	vld.idx.msk [tilespmem:v5+s20+$0x0], $0xffff  }
0x169: {  	v2 =	vld.idx.msk [tilespmem:v2+s20+$0x0], $0xffff;
	[tilespmem:s30+$0x4300] =	vst v6  }
0x16a: {  	[tilespmem:s15+$0x4380] =	vst v16;
	v3 =	vld.idx.msk [tilespmem:v3+s20+$0x0], $0xffff  }
0x16b: {  	[tilespmem:s9+$0x4380] =	vst v1  }
0x16c: {  	[tilespmem:s17+$0x4380] =	vst v0  }
0x16d: {  	[tilespmem:s29+$0x4380] =	vst v4  }
0x16e: {  	s10 =	sshll.u32 s31, $0xB;
	[tilespmem:s2+$0x4380] =	vst v2  }
0x16f: {  	s6 =	simm.s32 $0x10800;
	s2 =	sadd.s32 s3, s10;
	[tilespmem:s30+$0x4380] =	vst v3  }
0x170: {  	[hbm4b:s2+s4] =	stream.linear.scatter [tilespmem:s6], [sflag:$0x5], $0x4000, $0x38;
	[tilespmem:$0x18800] =	vst v63  }
0x171: {  	s11 =	rddreg [dreg:$0xa]  }
0x172: {  	s2 =	sadd.s32 s7, s11  }
0x173: {  	s2 =	sshll.u32 s2, $0xB  }
0x174: {  	s2 =	sadd.s32 s1, s2  }
0x175: {  	[tilespmem:s20], [sflag:$0x2] =	stream.linear.gather [hbm4b:s2+s4], $0x4000, $0x38;
	[tilespmem:$0x18800] =	vst v63  }
0x176: {  	_ =	swait.ge [sflag:s26], $0x4000  }
0x177: {  	[sflag:s26] =	ssyncset.done $0x0  }
0x178: {  	s2 =	simm.s32 @!p0 $0x6;
	[sflag:s26] =	ssyncadd.s32 $0xFFFFC000  }
0x179: {  	_ =	swait.ge @!p0 [sflag:s2], $0x4000  }
0x17a: {  	[sflag:s2] =	ssyncset.done @!p0 $0x0  }
0x17b: {  	s12 =	simm.s32 $0x20;
	[sflag:s2] =	ssyncadd.s32 @!p0 $0xFFFFC000  }
0x17c: {  	v7 =	vld [tilespmem:s12+$0x10]  }
0x17d: {  	v6 =	vld [tilespmem:s12+$0xFFFFFFE0]  }
0x17e: {  	v0 =	vld [tilespmem:s12+$0xFFFFFFF0]  }
0x17f: {  	v1 =	vld [tilespmem:s12+$0x0];
	_ =	sdelay $0x4  }
0x180: {  	v2 =	vld.idx.msk [tilespmem:v7+s21+$0x0], $0xffff  }
0x181: {  	s14 =	simm.s32 $0x0;
	v3 =	vadd.s32 $0x80, v7;
	v8 =	vld.idx.msk [tilespmem:v6+s21+$0x0], $0xffff  }
0x182: {  	s15 =	simm.s32 $0x30;
	s2 =	sand.u32 $0x3C00, s14;
	v9 =	vadd.s32 $0x80, v6;
	v4 =	vld.idx.msk [tilespmem:v0+s21+$0x0], $0xffff  }
0x183: {  	s25 =	simm.s32 $0x0;
	s18 =	sand.u32 $0x70, s15;
	s16 =	sadd.s32 $0xC800, s2;
	v5 =	vadd.s32 $0x80, v0;
	v10 =	vld.idx.msk [tilespmem:v1+s21+$0x0], $0xffff  }
0x184: {  	s23 =	simm.s32 $0x10;
	s11 =	sand.u32 $0x40, s25;
	s6 =	sor.u32 s18, s16;
	v11 =	vadd.s32 $0x80, v1  }
0x185: {  	s9 =	sand.u32 $0x50, s23;
	s10 =	simm.s32 $0x20;
	s17 =	sor.u32 s11, s16;
	[tilespmem:s6+$0x8000] =	vst v2  }
0x186: {  	s10 =	sand.u32 $0x60, s10;
	s2 =	sor.u32 s9, s16;
	[tilespmem:s17+$0x8000] =	vst v8;
	v2 =	vld.idx.msk [tilespmem:v3+s21+$0x0], $0xffff  }
0x187: {  	s8 =	sor.u32 s10, s16;
	[tilespmem:s2+$0x8000] =	vst v4;
	v3 =	vadd.s32 $0x100, v7;
	v8 =	vld.idx.msk [tilespmem:v9+s21+$0x0], $0xffff  }
0x188: {  	[tilespmem:s8+$0x8000] =	vst v10;
	v4 =	vld.idx.msk [tilespmem:v5+s21+$0x0], $0xffff;
	v9 =	vadd.s32 $0x100, v6  }
0x189: {  	v5 =	vadd.s32 $0x100, v0;
	v10 =	vld.idx.msk [tilespmem:v11+s21+$0x0], $0xffff  }
0x18a: {  	v11 =	vadd.s32 $0x100, v1  }
0x18b: {  	[tilespmem:s6+$0x8080] =	vst v2  }
0x18c: {  	[tilespmem:s17+$0x8080] =	vst v8;
	v2 =	vld.idx.msk [tilespmem:v3+s21+$0x0], $0xffff  }
0x18d: {  	[tilespmem:s2+$0x8080] =	vst v4;
	v3 =	vadd.s32 $0x180, v7;
	v8 =	vld.idx.msk [tilespmem:v9+s21+$0x0], $0xffff  }
0x18e: {  	[tilespmem:s8+$0x8080] =	vst v10;
	v4 =	vld.idx.msk [tilespmem:v5+s21+$0x0], $0xffff;
	v9 =	vadd.s32 $0x180, v6  }
0x18f: {  	v5 =	vadd.s32 $0x180, v0;
	v10 =	vld.idx.msk [tilespmem:v11+s21+$0x0], $0xffff  }
0x190: {  	s25 =	simm.s32 $0xA0;
	v11 =	vadd.s32 $0x180, v1  }
0x191: {  	v21 =	vld [tilespmem:s25+$0xFFFFFFF0];
	[tilespmem:s6+$0x8100] =	vst v2  }
0x192: {  	[tilespmem:s17+$0x8100] =	vst v8;
	v2 =	vld.idx.msk [tilespmem:v3+s21+$0x0], $0xffff  }
0x193: {  	[tilespmem:s2+$0x8100] =	vst v4;
	v4 =	vld.idx.msk [tilespmem:v9+s21+$0x0], $0xffff  }
0x194: {  	[tilespmem:s8+$0x8100] =	vst v10;
	v3 =	vadd.s32 $0x200, v7;
	v8 =	vld.idx.msk [tilespmem:v5+s21+$0x0], $0xffff  }
0x195: {  	s11 =	simm.s32 $0x60;
	v9 =	vld.idx.msk [tilespmem:v11+s21+$0x0], $0xffff  }
0x196: {  	v10 =	vadd.s32 $0x200, v6;
	v5 =	vld [tilespmem:s11+$0x10]  }
0x197: {  	v11 =	vadd.s32 $0x200, v0;
	[tilespmem:s6+$0x8180] =	vst v2;
	v2 =	vld [tilespmem:s11+$0x0]  }
0x198: {  	v13 =	vadd.s32 $0x200, v1;
	[tilespmem:s17+$0x8180] =	vst v4;
	v4 =	vld [tilespmem:s11+$0xFFFFFFE0]  }
0x199: {  	v12 =	vld.idx.msk [tilespmem:v3+s21+$0x0], $0xffff  }
0x19a: {  	v14 =	vadd.s32 $0x280, v7;
	v3 =	vld [tilespmem:s11+$0xFFFFFFF0]  }
0x19b: {  	[tilespmem:s2+$0x8180] =	vst v8;
	v8 =	vld.idx.msk [tilespmem:v10+s21+$0x0], $0xffff  }
0x19c: {  	[tilespmem:s8+$0x8180] =	vst v9;
	v9 =	vld.idx.msk [tilespmem:v11+s21+$0x0], $0xffff;
	v11 =	vadd.s32 $0x280, v6  }
0x19d: {  	v10 =	vld.idx.msk [tilespmem:v13+s21+$0x0], $0xffff;
	v13 =	vadd.s32 $0x280, v0  }
0x19e: {  	v22 =	vld [tilespmem:s25+$0x0];
	[tilespmem:s6+$0x8200] =	vst v12  }
0x19f: {  	v12 =	vld.idx.msk [tilespmem:v14+s21+$0x0], $0xffff  }
0x1a0: {  	[tilespmem:s17+$0x8200] =	vst v8;
	v14 =	vld.idx.msk [tilespmem:v5+s21+$0x0], $0xffff  }
0x1a1: {  	v16 =	vadd.s32 $0x300, v7;
	[tilespmem:s2+$0x8200] =	vst v9;
	v9 =	vld.idx.msk [tilespmem:v11+s21+$0x0], $0xffff  }
0x1a2: {  	s12 =	simm.s32 $0x200;
	v18 =	vadd.s32 $0x80, v5;
	v13 =	vld.idx.msk [tilespmem:v13+s21+$0x0], $0xffff  }
0x1a3: {  	s14 =	simm.s32 $0x70;
	s9 =	sand.u32 $0x3C00, s12;
	v19 =	vadd.s32 $0x280, v1;
	v15 =	vld.idx.msk [tilespmem:v3+s21+$0x0], $0xffff  }
0x1a4: {  	s10 =	sand.u32 $0x70, s14;
	s9 =	sadd.s32 $0xC800, s9;
	v20 =	vadd.s32 $0x80, v3;
	[tilespmem:s8+$0x8200] =	vst v10;
	v8 =	vld.idx.msk [tilespmem:v4+s21+$0x0], $0xffff  }
0x1a5: {  	s15 =	simm.s32 $0x50;
	s23 =	sor.u32 s10, s9;
	v11 =	vadd.s32 $0x80, v4;
	v17 =	vld.idx.msk [tilespmem:v2+s21+$0x0], $0xffff;
	[tilespmem:s6+$0x8280] =	vst v12  }
0x1a6: {  	s16 =	simm.s32 $0x40;
	s11 =	sand.u32 $0x50, s15;
	v12 =	vadd.s32 $0x80, v2;
	[tilespmem:s23+$0x8000] =	vst v14;
	v14 =	vld.idx.msk [tilespmem:v16+s21+$0x0], $0xffff  }
0x1a7: {  	s14 =	simm.s32 $0x60;
	s10 =	sand.u32 $0x40, s16;
	s15 =	sor.u32 s11, s9;
	[tilespmem:s17+$0x8280] =	vst v9;
	v16 =	vadd.s32 $0x300, v6;
	v10 =	vld.idx.msk [tilespmem:v18+s21+$0x0], $0xffff  }
0x1a8: {  	s18 =	sand.u32 $0x60, s14;
	s16 =	sor.u32 s10, s9;
	v18 =	vadd.s32 $0x100, v5;
	[tilespmem:s15+$0x8000] =	vst v15;
	v15 =	vld.idx.msk [tilespmem:v19+s21+$0x0], $0xffff  }
0x1a9: {  	s9 =	sor.u32 s18, s9;
	[tilespmem:s16+$0x8000] =	vst v8;
	v19 =	vadd.s32 $0x300, v0;
	v8 =	vld.idx.msk [tilespmem:v20+s21+$0x0], $0xffff  }
0x1aa: {  	v7 =	vadd.s32 $0x380, v7;
	[tilespmem:s9+$0x8000] =	vst v17;
	v11 =	vld.idx.msk [tilespmem:v11+s21+$0x0], $0xffff  }
0x1ab: {  	[tilespmem:s2+$0x8280] =	vst v13;
	v17 =	vadd.s32 $0x100, v3;
	v12 =	vld.idx.msk [tilespmem:v12+s21+$0x0], $0xffff  }
0x1ac: {  	v9 =	vadd.s32 $0x100, v4;
	v16 =	vld.idx.msk [tilespmem:v16+s21+$0x0], $0xffff;
	[tilespmem:s23+$0x8080] =	vst v10  }
0x1ad: {  	[tilespmem:s6+$0x8300] =	vst v14;
	v14 =	vadd.s32 $0x100, v2;
	v18 =	vld.idx.msk [tilespmem:v18+s21+$0x0], $0xffff  }
0x1ae: {  	v13 =	vadd.s32 $0x180, v5;
	[tilespmem:s15+$0x8080] =	vst v8;
	v8 =	vld.idx.msk [tilespmem:v19+s21+$0x0], $0xffff  }
0x1af: {  	v0 =	vadd.s32 $0x380, v0;
	v7 =	vld.idx.msk [tilespmem:v7+s21+$0x0], $0xffff;
	[tilespmem:s16+$0x8080] =	vst v11  }
0x1b0: {  	[tilespmem:s8+$0x8280] =	vst v15;
	v11 =	vld.idx.msk [tilespmem:v17+s21+$0x0], $0xffff  }
0x1b1: {  	v9 =	vld.idx.msk [tilespmem:v9+s21+$0x0], $0xffff;
	v17 =	vadd.s32 $0x180, v3;
	[tilespmem:s9+$0x8080] =	vst v12  }
0x1b2: {  	v12 =	vadd.s32 $0x180, v4;
	v14 =	vld.idx.msk [tilespmem:v14+s21+$0x0], $0xffff;
	[tilespmem:s23+$0x8100] =	vst v18  }
0x1b3: {  	v15 =	vadd.s32 $0x180, v2;
	v13 =	vld.idx.msk [tilespmem:v13+s21+$0x0], $0xffff;
	[tilespmem:s2+$0x8300] =	vst v8  }
0x1b4: {  	v10 =	vadd.s32 $0x300, v1;
	v8 =	vld.idx.msk [tilespmem:v0+s21+$0x0], $0xffff  }
0x1b5: {  	[tilespmem:s15+$0x8100] =	vst v11;
	v0 =	vld [tilespmem:s25+$0x10]  }
0x1b6: {  	v6 =	vadd.s32 $0x380, v6;
	[tilespmem:s16+$0x8100] =	vst v9;
	v9 =	vld.idx.msk [tilespmem:v17+s21+$0x0], $0xffff  }
0x1b7: {  	v11 =	vadd.s32 $0x200, v5;
	v12 =	vld.idx.msk [tilespmem:v12+s21+$0x0], $0xffff;
	[tilespmem:s9+$0x8100] =	vst v14  }
0x1b8: {  	v14 =	vld.idx.msk [tilespmem:v15+s21+$0x0], $0xffff;
	v15 =	vadd.s32 $0x200, v4  }
0x1b9: {  	v10 =	vld.idx.msk [tilespmem:v10+s21+$0x0], $0xffff;
	[tilespmem:s17+$0x8300] =	vst v16  }
0x1ba: {  	v19 =	vld [tilespmem:s25+$0xFFFFFFE0];
	[tilespmem:s23+$0x8180] =	vst v13;
	v13 =	vadd.s32 $0x200, v3  }
0x1bb: {  	v16 =	vadd.s32 $0x200, v2;
	v6 =	vld.idx.msk [tilespmem:v6+s21+$0x0], $0xffff;
	[tilespmem:s6+$0x8380] =	vst v7  }
0x1bc: {  	v11 =	vld.idx.msk [tilespmem:v11+s21+$0x0], $0xffff;
	[tilespmem:s16+$0x8180] =	vst v12  }
0x1bd: {  	[tilespmem:s15+$0x8180] =	vst v9;
	v9 =	vld.idx.msk [tilespmem:v15+s21+$0x0], $0xffff  }
0x1be: {  	v17 =	vadd.s32 $0x280, v5;
	[tilespmem:s8+$0x8300] =	vst v10;
	v10 =	vld.idx.msk [tilespmem:v0+s21+$0x0], $0xffff  }
0x1bf: {  	[tilespmem:s9+$0x8180] =	vst v14;
	v12 =	vld.idx.msk [tilespmem:v13+s21+$0x0], $0xffff  }
0x1c0: {  	s6 =	simm.s32 $0x400;
	[tilespmem:s17+$0x8380] =	vst v6;
	v13 =	vld.idx.msk [tilespmem:v16+s21+$0x0], $0xffff;
	v16 =	vadd.s32 $0x80, v0  }
0x1c1: {  	s18 =	simm.s32 $0xB0;
	s11 =	sand.u32 $0x3C00, s6;
	v6 =	vld.idx.msk [tilespmem:v21+s21+$0x0], $0xffff;
	[tilespmem:s23+$0x8200] =	vst v11;
	v11 =	vadd.s32 $0x280, v4  }
0x1c2: {  	s12 =	sand.u32 $0x70, s18;
	s10 =	sadd.s32 $0xC800, s11;
	[tilespmem:s2+$0x8380] =	vst v8;
	v8 =	vld.idx.msk [tilespmem:v22+s21+$0x0], $0xffff;
	v14 =	vadd.s32 $0x280, v3  }
0x1c3: {  	s17 =	sor.u32 s12, s10;
	v7 =	vld.idx.msk [tilespmem:v17+s21+$0x0], $0xffff;
	v17 =	vadd.s32 $0x280, v2;
	[tilespmem:s16+$0x8200] =	vst v9  }
0x1c4: {  	s14 =	simm.s32 $0x90;
	v15 =	vadd.s32 $0x300, v5;
	v9 =	vld.idx.msk [tilespmem:v19+s21+$0x0], $0xffff;
	[tilespmem:s17+$0x8000] =	vst v10  }
0x1c5: {  	v18 =	vadd.s32 $0x80, v21;
	s11 =	sand.u32 $0x50, s14;
	[tilespmem:s9+$0x8200] =	vst v13;
	v13 =	vld.idx.msk [tilespmem:v16+s21+$0x0], $0xffff  }
0x1c6: {  	s25 =	simm.s32 $0x80;
	s29 =	sor.u32 s11, s10;
	s12 =	simm.s32 $0xA0;
	[tilespmem:s15+$0x8200] =	vst v12;
	v12 =	vadd.s32 $0x80, v19;
	v11 =	vld.idx.msk [tilespmem:v11+s21+$0x0], $0xffff  }
0x1c7: {  	s2 =	sand.u32 $0x40, s25;
	s25 =	sand.u32 $0x60, s12;
	[tilespmem:s29+$0x8000] =	vst v6;
	v16 =	vadd.s32 $0x100, v0;
	v14 =	vld.idx.msk [tilespmem:v14+s21+$0x0], $0xffff  }
0x1c8: {  	s30 =	sor.u32 s25, s10;
	[tilespmem:s23+$0x8280] =	vst v7;
	v7 =	vadd.s32 $0x80, v22;
	v6 =	vld.idx.msk [tilespmem:v17+s21+$0x0], $0xffff  }
0x1c9: {  	v1 =	vadd.s32 $0x380, v1;
	s2 =	sor.u32 s2, s10;
	[tilespmem:s30+$0x8000] =	vst v8;
	v10 =	vld.idx.msk [tilespmem:v15+s21+$0x0], $0xffff  }
0x1ca: {  	v5 =	vadd.s32 $0x380, v5;
	[tilespmem:s2+$0x8000] =	vst v9;
	v9 =	vld.idx.msk [tilespmem:v18+s21+$0x0], $0xffff  }
0x1cb: {  	v15 =	vadd.s32 $0x300, v4;
	v12 =	vld.idx.msk [tilespmem:v12+s21+$0x0], $0xffff;
	[tilespmem:s17+$0x8080] =	vst v13  }
0x1cc: {  	v8 =	vadd.s32 $0x100, v21;
	[tilespmem:s16+$0x8280] =	vst v11;
	v16 =	vld.idx.msk [tilespmem:v16+s21+$0x0], $0xffff  }
0x1cd: {  	v11 =	vadd.s32 $0x100, v19;
	[tilespmem:s15+$0x8280] =	vst v14;
	v7 =	vld.idx.msk [tilespmem:v7+s21+$0x0], $0xffff  }
0x1ce: {  	v14 =	vld.idx.msk [tilespmem:v1+s21+$0x0], $0xffff;
	[tilespmem:s23+$0x8300] =	vst v10;
	v10 =	vadd.s32 $0x100, v22  }
0x1cf: {  	v17 =	vadd.s32 $0x300, v3;
	[tilespmem:s9+$0x8280] =	vst v6;
	v5 =	vld.idx.msk [tilespmem:v5+s21+$0x0], $0xffff  }
0x1d0: {  	v13 =	vadd.s32 $0x300, v2;
	v15 =	vld.idx.msk [tilespmem:v15+s21+$0x0], $0xffff;
	[tilespmem:s29+$0x8080] =	vst v9  }
0x1d1: {  	v9 =	vadd.s32 $0x180, v0;
	[tilespmem:s2+$0x8080] =	vst v12;
	v8 =	vld.idx.msk [tilespmem:v8+s21+$0x0], $0xffff  }
0x1d2: {  	v4 =	vadd.s32 $0x380, v4;
	v18 =	vld.idx.msk [tilespmem:v11+s21+$0x0], $0xffff;
	[tilespmem:s30+$0x8080] =	vst v7  }
0x1d3: {  	[tilespmem:s17+$0x8100] =	vst v16;
	v7 =	vadd.s32 $0x180, v21;
	v24 =	vld.idx.msk [tilespmem:v10+s21+$0x0], $0xffff  }
0x1d4: {  	v23 =	vld.idx.msk [tilespmem:v17+s21+$0x0], $0xffff;
	[tilespmem:s23+$0x8380] =	vst v5;
	v5 =	vadd.s32 $0x180, v22  }
0x1d5: {  	v25 =	vld.idx.msk [tilespmem:v13+s21+$0x0], $0xffff;
	[tilespmem:s16+$0x8300] =	vst v15  }
0x1d6: {  	v1 =	vadd.s32 $0x380, v2;
	v2 =	vadd.s32 $0x380, v19;
	v6 =	vadd.s32 $0x180, v19;
	v17 =	vld.idx.msk [tilespmem:v9+s21+$0x0], $0xffff;
	[tilespmem:s29+$0x8100] =	vst v8  }
0x1d7: {  	v12 =	vadd.s32 $0x200, v19;
	v13 =	vadd.s32 $0x200, v21;
	v16 =	vadd.s32 $0x380, v3;
	v15 =	vld.idx.msk [tilespmem:v4+s21+$0x0], $0xffff;
	[tilespmem:s2+$0x8100] =	vst v18  }
0x1d8: {  	v4 =	vadd.s32 $0x300, v19;
	v9 =	vadd.s32 $0x280, v21;
	v8 =	vadd.s32 $0x280, v19;
	v18 =	vld.idx.msk [tilespmem:v7+s21+$0x0], $0xffff;
	[tilespmem:s30+$0x8100] =	vst v24  }
0x1d9: {  	v7 =	vadd.s32 $0x300, v21;
	v19 =	vld.idx.msk [tilespmem:v5+s21+$0x0], $0xffff;
	v5 =	vadd.s32 $0x380, v21;
	v21 =	vadd.s32 $0x200, v0;
	_ =	sdelay $0x1  }
0x1da: {  	v11 =	vadd.s32 $0x200, v22;
	[tilespmem:s15+$0x8300] =	vst v23;
	v20 =	vld.idx.msk [tilespmem:v6+s21+$0x0], $0xffff  }
0x1db: {  	s31 =	sadd.s32 s7, s13;
	s28 =	simm.s32 $0x8;
	v3 =	vadd.s32 $0x380, v22;
	v10 =	vadd.s32 $0x280, v22;
	s23 =	simm.s32 $0xE0;
	[tilespmem:s9+$0x8300] =	vst v25;
	v16 =	vld.idx.msk [tilespmem:v16+s21+$0x0], $0xffff;
	v6 =	vadd.s32 $0x300, v22  }
.LBB2_7:
0x1dc: {  	v22 =	vld [tilespmem:s23+$0x10];
	[tilespmem:s17+$0x8180] =	vst v17  }
0x1dd: {  	s28 =	sadd.s32 $0x4, s28;
	v17 =	vld.idx.msk [tilespmem:v21+s21+$0x0], $0xffff;
	[tilespmem:s16+$0x8380] =	vst v15;
	s16 =	smov.u32 s2  }
0x1de: {  	p0 =	slt.u32 s28, $0x7C;
	v15 =	vld [tilespmem:s23+$0xFFFFFFF0];
	[tilespmem:s29+$0x8180] =	vst v18  }
0x1df: {  	v18 =	vld [tilespmem:s23+$0x0];
	[tilespmem:s16+$0x8180] =	vst v20;
	v20 =	vadd.s32 $0x280, v0  }
0x1e0: {  	v21 =	vld [tilespmem:s23+$0xFFFFFFE0];
	[tilespmem:s30+$0x8180] =	vst v19  }
0x1e1: {  	v19 =	vld.idx.msk [tilespmem:v12+s21+$0x0], $0xffff;
	[tilespmem:s15+$0x8380] =	vst v16;
	s15 =	smov.u32 s29  }
0x1e2: {  	v16 =	vld.idx.msk [tilespmem:v13+s21+$0x0], $0xffff;
	[tilespmem:s8+$0x8380] =	vst v14;
	s8 =	smov.u32 s9;
	s9 =	smov.u32 s30  }
0x1e3: {  	v14 =	vadd.s32 $0x80, v15;
	v23 =	vadd.s32 $0x100, v15;
	v24 =	vadd.s32 $0x180, v15;
	v25 =	vld.idx.msk [tilespmem:v11+s21+$0x0], $0xffff;
	[tilespmem:s17+$0x8200] =	vst v17  }
0x1e4: {  	v17 =	vadd.s32 $0x80, v18;
	v26 =	vadd.s32 $0x100, v18;
	v27 =	vadd.s32 $0x180, v18;
	v20 =	vld.idx.msk [tilespmem:v20+s21+$0x0], $0xffff  }
0x1e5: {  	v28 =	vadd.s32 $0x80, v21;
	v29 =	vadd.s32 $0x100, v21;
	v30 =	vadd.s32 $0x180, v21;
	v31 =	vld.idx.msk [tilespmem:v22+s21+$0x0], $0xffff  }
0x1e6: {  	v33 =	vadd.s32 $0x300, v0;
	v13 =	vadd.s32 $0x200, v15;
	v12 =	vadd.s32 $0x200, v21;
	v32 =	vld.idx.msk [tilespmem:v15+s21+$0x0], $0xffff  }
0x1e7: {  	s6 =	sadd.s32 $0x200, s6;
	v36 =	vadd.s32 $0x80, v22;
	v11 =	vadd.s32 $0x200, v18;
	v34 =	vadd.s32 $0x280, v21;
	v35 =	vld.idx.msk [tilespmem:v18+s21+$0x0], $0xffff;
	[tilespmem:s16+$0x8200] =	vst v19  }
0x1e8: {  	s18 =	sadd.s32 $0x40, s18;
	s2 =	sand.u32 $0x3C00, s6;
	v38 =	vadd.s32 $0x280, v15;
	v39 =	vadd.s32 $0x280, v18;
	v37 =	vadd.s32 $0x300, v21;
	v19 =	vld.idx.msk [tilespmem:v21+s21+$0x0], $0xffff;
	[tilespmem:s15+$0x8200] =	vst v16  }
0x1e9: {  	s10 =	sadd.s32 $0xFFFFFFD0, s18;
	s11 =	sadd.s32 $0xC800, s2;
	s2 =	sand.u32 $0x70, s18;
	v40 =	vadd.s32 $0x300, v18;
	v16 =	vadd.s32 $0x380, v21;
	v21 =	vadd.s32 $0x300, v15;
	v41 =	vld.idx.msk [tilespmem:v8+s21+$0x0], $0xffff;
	[tilespmem:s9+$0x8200] =	vst v25;
	v8 =	vmovc v34  }
0x1ea: {  	s14 =	sadd.s32 $0xFFFFFFE0, s18;
	s25 =	sadd.s32 $0xFFFFFFF0, s18;
	s12 =	sor.u32 s2, s11;
	v25 =	vadd.s32 $0x380, v15;
	v15 =	vadd.s32 $0x380, v18;
	v18 =	vld.idx.msk [tilespmem:v9+s21+$0x0], $0xffff;
	[tilespmem:s17+$0x8280] =	vst v20;
	v9 =	vmov v38  }
0x1eb: {  	s2 =	sand.u32 $0x40, s10;
	s10 =	sand.u32 $0x50, s14;
	s14 =	sand.u32 $0x60, s25;
	[tilespmem:s12+$0x8000] =	vst v31;
	v20 =	vld.idx.msk [tilespmem:v33+s21+$0x0], $0xffff  }
0x1ec: {  	s2 =	sor.u32 s2, s11;
	s29 =	sor.u32 s10, s11;
	s30 =	sor.u32 s14, s11;
	v31 =	vld.idx.msk [tilespmem:v36+s21+$0x0], $0xffff  }
0x1ed: {  	v33 =	vadd.s32 $0x380, v0;
	v0 =	vmov v22;
	[tilespmem:s29+$0x8000] =	vst v32;
	v32 =	vld.idx.msk [tilespmem:v10+s21+$0x0], $0xffff;
	v10 =	vmov v39  }
0x1ee: {  	[tilespmem:s2+$0x8000] =	vst v19;
	v14 =	vld.idx.msk [tilespmem:v14+s21+$0x0], $0xffff;
	v19 =	vadd.s32 $0x100, v0  }
0x1ef: {  	v22 =	vld.idx.msk [tilespmem:v28+s21+$0x0], $0xffff;
	[tilespmem:s30+$0x8000] =	vst v35  }
0x1f0: {  	v17 =	vld.idx.msk [tilespmem:v17+s21+$0x0], $0xffff;
	[tilespmem:s16+$0x8280] =	vst v41  }
0x1f1: {  	v28 =	vld.idx.msk [tilespmem:v4+s21+$0x0], $0xffff;
	[tilespmem:s17+$0x8300] =	vst v20;
	v4 =	vmov v37  }
0x1f2: {  	[tilespmem:s12+$0x8080] =	vst v31;
	v20 =	vld.idx.msk [tilespmem:v33+s21+$0x0], $0xffff  }
0x1f3: {  	v19 =	vld.idx.msk [tilespmem:v19+s21+$0x0], $0xffff;
	[tilespmem:s15+$0x8280] =	vst v18  }
0x1f4: {  	[tilespmem:s29+$0x8080] =	vst v14;
	v31 =	vld.idx.msk [tilespmem:v7+s21+$0x0], $0xffff;
	v7 =	vmov v21  }
0x1f5: {  	v21 =	vadd.s32 $0x180, v0;
	[tilespmem:s2+$0x8080] =	vst v22;
	v18 =	vld.idx.msk [tilespmem:v23+s21+$0x0], $0xffff  }
0x1f6: {  	v22 =	vld.idx.msk [tilespmem:v29+s21+$0x0], $0xffff;
	[tilespmem:s30+$0x8080] =	vst v17  }
0x1f7: {  	v23 =	vld.idx.msk [tilespmem:v26+s21+$0x0], $0xffff;
	[tilespmem:s9+$0x8280] =	vst v32  }
0x1f8: {  	v26 =	vld.idx.msk [tilespmem:v6+s21+$0x0], $0xffff;
	[tilespmem:s17+$0x8380] =	vst v20;
	v6 =	vmov v40;
	s17 =	smov.u32 s12  }
0x1f9: {  	[tilespmem:s17+$0x8100] =	vst v19;
	v14 =	vld.idx.msk [tilespmem:v1+s21+$0x0], $0xffff;
	v1 =	vmov v3;
	v3 =	vmov v15  }
0x1fa: {  	v17 =	vld.idx.msk [tilespmem:v21+s21+$0x0], $0xffff;
	[tilespmem:s16+$0x8300] =	vst v28  }
.Ltmp2:
0x1fb: {  	[tilespmem:s29+$0x8100] =	vst v18;
	v15 =	vld.idx.msk [tilespmem:v2+s21+$0x0], $0xffff;
	v2 =	vmov v16;
	(pc) =	sbr.rel @p0 .LBB2_7-.Ltmp2, $4  }
0x1fc: {  	v21 =	vadd.s32 $0x200, v0;
	[tilespmem:s2+$0x8100] =	vst v22;
	v18 =	vld.idx.msk [tilespmem:v24+s21+$0x0], $0xffff  }
0x1fd: {  	v20 =	vld.idx.msk [tilespmem:v30+s21+$0x0], $0xffff;
	[tilespmem:s30+$0x8100] =	vst v23  }
0x1fe: {  	v19 =	vld.idx.msk [tilespmem:v27+s21+$0x0], $0xffff;
	[tilespmem:s15+$0x8300] =	vst v31  }
0x1ff: {  	s23 =	sadd.s32 $0x40, s23;
	v16 =	vld.idx.msk [tilespmem:v5+s21+$0x0], $0xffff;
	[tilespmem:s9+$0x8300] =	vst v26;
	v5 =	vmov v25  }
0x200: {  	_ =	sdelay $0x2  }
0x201: {  	[tilespmem:s17+$0x8180] =	vst v17  }
0x202: {  	v17 =	vld.idx.msk [tilespmem:v21+s21+$0x0], $0xffff;
	[tilespmem:s29+$0x8180] =	vst v18  }
0x203: {  	v59 =	vadd.s32 $0x280, v0;
	[tilespmem:s2+$0x8180] =	vst v20;
	v13 =	vld.idx.msk [tilespmem:v13+s21+$0x0], $0xffff  }
0x204: {  	v12 =	vld.idx.msk [tilespmem:v12+s21+$0x0], $0xffff;
	[tilespmem:s30+$0x8180] =	vst v19  }
0x205: {  	v11 =	vld.idx.msk [tilespmem:v11+s21+$0x0], $0xffff;
	_ =	sdelay $0x1  }
0x206: {  	[tilespmem:s17+$0x8200] =	vst v17  }
0x207: {  	v17 =	vld.idx.msk [tilespmem:v59+s21+$0x0], $0xffff;
	[tilespmem:s29+$0x8200] =	vst v13  }
0x208: {  	v60 =	vadd.s32 $0x300, v0;
	[tilespmem:s2+$0x8200] =	vst v12;
	v9 =	vld.idx.msk [tilespmem:v9+s21+$0x0], $0xffff  }
0x209: {  	v8 =	vld.idx.msk [tilespmem:v8+s21+$0x0], $0xffff;
	[tilespmem:s30+$0x8200] =	vst v11  }
0x20a: {  	v10 =	vld.idx.msk [tilespmem:v10+s21+$0x0], $0xffff;
	_ =	sdelay $0x1  }
0x20b: {  	[tilespmem:s17+$0x8280] =	vst v17  }
0x20c: {  	v61 =	vld.idx.msk [tilespmem:v60+s21+$0x0], $0xffff;
	[tilespmem:s29+$0x8280] =	vst v9  }
0x20d: {  	v62 =	vadd.s32 $0x380, v0;
	[tilespmem:s2+$0x8280] =	vst v8;
	v7 =	vld.idx.msk [tilespmem:v7+s21+$0x0], $0xffff  }
0x20e: {  	v4 =	vld.idx.msk [tilespmem:v4+s21+$0x0], $0xffff;
	[tilespmem:s30+$0x8280] =	vst v10  }
0x20f: {  	[tilespmem:s16+$0x8380] =	vst v15;
	v6 =	vld.idx.msk [tilespmem:v6+s21+$0x0], $0xffff  }
0x210: {  	[tilespmem:s8+$0x8380] =	vst v14  }
0x211: {  	v1 =	vld.idx.msk [tilespmem:v1+s21+$0x0], $0xffff;
	[tilespmem:s17+$0x8300] =	vst v61  }
0x212: {  	v0 =	vld.idx.msk [tilespmem:v62+s21+$0x0], $0xffff;
	[tilespmem:s29+$0x8300] =	vst v7  }
0x213: {  	[tilespmem:s2+$0x8300] =	vst v4;
	v63 =	vld.idx.msk [tilespmem:v5+s21+$0x0], $0xffff  }
0x214: {  	v2 =	vld.idx.msk [tilespmem:v2+s21+$0x0], $0xffff;
	[tilespmem:s30+$0x8300] =	vst v6  }
0x215: {  	[tilespmem:s15+$0x8380] =	vst v16;
	v3 =	vld.idx.msk [tilespmem:v3+s21+$0x0], $0xffff  }
0x216: {  	p0 =	seq.s32 s0, $0x9;
	[tilespmem:s9+$0x8380] =	vst v1  }
.Ltmp3:
0x217: {  	[tilespmem:s17+$0x8380] =	vst v0;
	(pc) =	sbr.rel @p0 .LBB2_10-.Ltmp3, $4  }
0x218: {  	[tilespmem:s29+$0x8380] =	vst v63  }
0x219: {  	s31 =	sshll.u32 s31, $0xB;
	[tilespmem:s2+$0x8380] =	vst v2  }
0x21a: {  	s6 =	simm.s32 $0x14800;
	s2 =	sadd.s32 s3, s31;
	[tilespmem:s30+$0x8380] =	vst v3  }
0x21b: {  	[hbm4b:s2+s4] =	stream.linear.scatter [tilespmem:s6], [sflag:$0x6], $0x4000, $0x38;
	[tilespmem:$0x18800] =	vst v63  }
.Ltmp4:
0x21c: {  	s2 =	rddreg [dreg:$0xb];
	(pc) =	sbr.rel .LBB2_2-.Ltmp4, $4  }
0x21d: {  	s2 =	sadd.s32 s7, s2  }
0x21e: {  	s2 =	sshll.u32 s2, $0xB  }
0x21f: {  	s0 =	sadd.s32 $0x1, s0;
	s2 =	sadd.s32 s1, s2  }
0x220: {  	[tilespmem:s21], [sflag:$0x3] =	stream.linear.gather [hbm4b:s2+s4], $0x4000, $0x38;
	[tilespmem:$0x18800] =	vst v63  }
.LBB2_10:
0x221: {  	_ =	swait.ge [sflag:s22], $0x4000  }
0x222: {  	[sflag:s22] =	ssyncset.done $0x0  }
0x223: {  	s29 =	simm.s32 $0x4;
	[sflag:s22] =	ssyncadd.s32 $0xFFFFC000  }
0x224: {  	_ =	swait.ge [sflag:s29], $0x4000  }
0x225: {  	[sflag:s29] =	ssyncset.done $0x0  }
0x226: {  	s0 =	simm.s32 $0x20;
	[sflag:s29] =	ssyncadd.s32 $0xFFFFC000  }
0x227: {  	v7 =	vld [tilespmem:s0+$0x10]  }
0x228: {  	v6 =	vld [tilespmem:s0+$0xFFFFFFE0]  }
0x229: {  	v0 =	vld [tilespmem:s0+$0xFFFFFFF0];
	_ =	sdelay $0x1  }
0x22a: {  	v1 =	vld [tilespmem:s0+$0x0];
	_ =	sdelay $0x3  }
0x22b: {  	v2 =	vld.idx.msk [tilespmem:v7+s19+$0x0], $0xffff  }
0x22c: {  	s14 =	simm.s32 $0x0;
	v3 =	vadd.s32 $0x80, v7;
	v8 =	vld.idx.msk [tilespmem:v6+s19+$0x0], $0xffff  }
0x22d: {  	s2 =	simm.s32 $0x30;
	s0 =	sand.u32 $0x3C00, s14;
	v9 =	vadd.s32 $0x80, v6;
	v4 =	vld.idx.msk [tilespmem:v0+s19+$0x0], $0xffff  }
0x22e: {  	s15 =	simm.s32 $0x0;
	s2 =	sand.u32 $0x70, s2;
	s0 =	sadd.s32 $0xC800, s0;
	v5 =	vadd.s32 $0x80, v0  }
0x22f: {  	s7 =	simm.s32 $0x10;
	s9 =	sand.u32 $0x40, s15;
	s6 =	sor.u32 s2, s0;
	v10 =	vld.idx.msk [tilespmem:v1+s19+$0x0], $0xffff  }
0x230: {  	s7 =	sand.u32 $0x50, s7;
	s15 =	sor.u32 s9, s0;
	v11 =	vadd.s32 $0x80, v1;
	[tilespmem:s6+$0x0] =	vst v2  }
0x231: {  	s8 =	simm.s32 $0x20;
	s16 =	sor.u32 s7, s0;
	[tilespmem:s15+$0x0] =	vst v8;
	v2 =	vld.idx.msk [tilespmem:v3+s19+$0x0], $0xffff  }
0x232: {  	s17 =	sand.u32 $0x60, s8;
	[tilespmem:s16+$0x0] =	vst v4;
	v3 =	vadd.s32 $0x100, v7;
	v8 =	vld.idx.msk [tilespmem:v9+s19+$0x0], $0xffff  }
0x233: {  	s0 =	sor.u32 s17, s0;
	v4 =	vld.idx.msk [tilespmem:v5+s19+$0x0], $0xffff;
	v9 =	vadd.s32 $0x100, v6  }
0x234: {  	[tilespmem:s0+$0x0] =	vst v10;
	v5 =	vadd.s32 $0x100, v0  }
0x235: {  	v10 =	vld.idx.msk [tilespmem:v11+s19+$0x0], $0xffff  }
0x236: {  	v11 =	vadd.s32 $0x100, v1;
	[tilespmem:s6+$0x80] =	vst v2  }
0x237: {  	[tilespmem:s15+$0x80] =	vst v8;
	v2 =	vld.idx.msk [tilespmem:v3+s19+$0x0], $0xffff  }
0x238: {  	[tilespmem:s16+$0x80] =	vst v4;
	v3 =	vadd.s32 $0x180, v7;
	v8 =	vld.idx.msk [tilespmem:v9+s19+$0x0], $0xffff  }
0x239: {  	v4 =	vld.idx.msk [tilespmem:v5+s19+$0x0], $0xffff;
	v9 =	vadd.s32 $0x180, v6  }
0x23a: {  	s23 =	simm.s32 $0x200;
	[tilespmem:s0+$0x80] =	vst v10  }
0x23b: {  	s25 =	simm.s32 $0x70;
	s30 =	simm.s32 $0x50;
	s7 =	sand.u32 $0x3C00, s23;
	v5 =	vadd.s32 $0x180, v0;
	v10 =	vld.idx.msk [tilespmem:v11+s19+$0x0], $0xffff  }
0x23c: {  	s31 =	simm.s32 $0x40;
	s8 =	sand.u32 $0x70, s25;
	s7 =	sadd.s32 $0xC800, s7;
	v11 =	vadd.s32 $0x180, v1;
	[tilespmem:s6+$0x100] =	vst v2  }
0x23d: {  	s11 =	sand.u32 $0x40, s31;
	s9 =	sand.u32 $0x50, s30;
	s23 =	sor.u32 s8, s7;
	[tilespmem:s15+$0x100] =	vst v8;
	v2 =	vld.idx.msk [tilespmem:v3+s19+$0x0], $0xffff  }
0x23e: {  	s8 =	sor.u32 s9, s7;
	s9 =	sor.u32 s11, s7;
	s11 =	simm.s32 $0xA0;
	[tilespmem:s16+$0x100] =	vst v4;
	v4 =	vld.idx.msk [tilespmem:v9+s19+$0x0], $0xffff  }
0x23f: {  	v21 =	vld [tilespmem:s11+$0xFFFFFFF0];
	v3 =	vadd.s32 $0x200, v7  }
0x240: {  	[tilespmem:s0+$0x100] =	vst v10;
	v8 =	vld.idx.msk [tilespmem:v5+s19+$0x0], $0xffff  }
0x241: {  	s18 =	simm.s32 $0x60;
	v10 =	vadd.s32 $0x200, v6;
	v9 =	vld.idx.msk [tilespmem:v11+s19+$0x0], $0xffff  }
0x242: {  	v5 =	vld [tilespmem:s18+$0x10];
	v11 =	vadd.s32 $0x200, v0;
	[tilespmem:s6+$0x180] =	vst v2  }
0x243: {  	[tilespmem:s15+$0x180] =	vst v4;
	v4 =	vld [tilespmem:s18+$0xFFFFFFE0]  }
0x244: {  	v13 =	vadd.s32 $0x200, v1;
	v12 =	vld.idx.msk [tilespmem:v3+s19+$0x0], $0xffff  }
0x245: {  	v14 =	vadd.s32 $0x280, v7;
	v3 =	vld [tilespmem:s18+$0xFFFFFFF0]  }
0x246: {  	[tilespmem:s16+$0x180] =	vst v8;
	v8 =	vld.idx.msk [tilespmem:v10+s19+$0x0], $0xffff  }
0x247: {  	[tilespmem:s0+$0x180] =	vst v9;
	v9 =	vld.idx.msk [tilespmem:v11+s19+$0x0], $0xffff;
	v11 =	vadd.s32 $0x280, v6  }
0x248: {  	v2 =	vld [tilespmem:s18+$0x0]  }
0x249: {  	v10 =	vld.idx.msk [tilespmem:v13+s19+$0x0], $0xffff;
	[tilespmem:s6+$0x200] =	vst v12  }
0x24a: {  	v13 =	vadd.s32 $0x280, v0;
	v12 =	vld.idx.msk [tilespmem:v14+s19+$0x0], $0xffff  }
0x24b: {  	[tilespmem:s15+$0x200] =	vst v8;
	v14 =	vld.idx.msk [tilespmem:v5+s19+$0x0], $0xffff  }
0x24c: {  	v16 =	vadd.s32 $0x300, v7;
	[tilespmem:s16+$0x200] =	vst v9;
	v9 =	vld.idx.msk [tilespmem:v11+s19+$0x0], $0xffff  }
0x24d: {  	v18 =	vadd.s32 $0x80, v5;
	v8 =	vld.idx.msk [tilespmem:v4+s19+$0x0], $0xffff  }
0x24e: {  	v19 =	vadd.s32 $0x280, v1;
	v15 =	vld.idx.msk [tilespmem:v3+s19+$0x0], $0xffff  }
0x24f: {  	[tilespmem:s0+$0x200] =	vst v10;
	v11 =	vadd.s32 $0x80, v4;
	v13 =	vld.idx.msk [tilespmem:v13+s19+$0x0], $0xffff  }
0x250: {  	v20 =	vadd.s32 $0x80, v3;
	v17 =	vld.idx.msk [tilespmem:v2+s19+$0x0], $0xffff;
	[tilespmem:s6+$0x280] =	vst v12  }
0x251: {  	v12 =	vadd.s32 $0x80, v2;
	[tilespmem:s23+$0x0] =	vst v14;
	v14 =	vld.idx.msk [tilespmem:v16+s19+$0x0], $0xffff  }
0x252: {  	s10 =	simm.s32 $0x60;
	v16 =	vadd.s32 $0x300, v6;
	v10 =	vld.idx.msk [tilespmem:v18+s19+$0x0], $0xffff;
	[tilespmem:s9+$0x0] =	vst v8  }
0x253: {  	s10 =	sand.u32 $0x60, s10;
	v7 =	vadd.s32 $0x380, v7;
	[tilespmem:s8+$0x0] =	vst v15;
	v15 =	vld.idx.msk [tilespmem:v19+s19+$0x0], $0xffff  }
0x254: {  	s7 =	sor.u32 s10, s7;
	[tilespmem:s15+$0x280] =	vst v9;
	v18 =	vadd.s32 $0x100, v5;
	v11 =	vld.idx.msk [tilespmem:v11+s19+$0x0], $0xffff  }
0x255: {  	[tilespmem:s7+$0x0] =	vst v17;
	v19 =	vadd.s32 $0x300, v0;
	v8 =	vld.idx.msk [tilespmem:v20+s19+$0x0], $0xffff  }
0x256: {  	v9 =	vadd.s32 $0x100, v4;
	[tilespmem:s16+$0x280] =	vst v13;
	v12 =	vld.idx.msk [tilespmem:v12+s19+$0x0], $0xffff  }
0x257: {  	v17 =	vadd.s32 $0x100, v3;
	v16 =	vld.idx.msk [tilespmem:v16+s19+$0x0], $0xffff;
	[tilespmem:s6+$0x300] =	vst v14  }
0x258: {  	v14 =	vadd.s32 $0x100, v2;
	[tilespmem:s23+$0x80] =	vst v10;
	v7 =	vld.idx.msk [tilespmem:v7+s19+$0x0], $0xffff  }
0x259: {  	v10 =	vadd.s32 $0x300, v1;
	v18 =	vld.idx.msk [tilespmem:v18+s19+$0x0], $0xffff;
	[tilespmem:s9+$0x80] =	vst v11  }
0x25a: {  	v13 =	vadd.s32 $0x180, v5;
	[tilespmem:s8+$0x80] =	vst v8;
	v8 =	vld.idx.msk [tilespmem:v19+s19+$0x0], $0xffff  }
0x25b: {  	v0 =	vadd.s32 $0x380, v0;
	v9 =	vld.idx.msk [tilespmem:v9+s19+$0x0], $0xffff  }
0x25c: {  	v11 =	vld.idx.msk [tilespmem:v17+s19+$0x0], $0xffff;
	[tilespmem:s7+$0x80] =	vst v12  }
0x25d: {  	[tilespmem:s0+$0x280] =	vst v15;
	v17 =	vadd.s32 $0x180, v3;
	v14 =	vld.idx.msk [tilespmem:v14+s19+$0x0], $0xffff  }
0x25e: {  	v12 =	vadd.s32 $0x180, v4;
	v10 =	vld.idx.msk [tilespmem:v10+s19+$0x0], $0xffff;
	[tilespmem:s23+$0x100] =	vst v18  }
0x25f: {  	v15 =	vadd.s32 $0x180, v2;
	v13 =	vld.idx.msk [tilespmem:v13+s19+$0x0], $0xffff;
	[tilespmem:s16+$0x300] =	vst v8  }
0x260: {  	v6 =	vadd.s32 $0x380, v6;
	v8 =	vld.idx.msk [tilespmem:v0+s19+$0x0], $0xffff  }
0x261: {  	[tilespmem:s8+$0x100] =	vst v11;
	v0 =	vld [tilespmem:s11+$0x10]  }
0x262: {  	[tilespmem:s9+$0x100] =	vst v9;
	v9 =	vld.idx.msk [tilespmem:v17+s19+$0x0], $0xffff  }
0x263: {  	v11 =	vadd.s32 $0x200, v5;
	v12 =	vld.idx.msk [tilespmem:v12+s19+$0x0], $0xffff;
	[tilespmem:s7+$0x100] =	vst v14  }
0x264: {  	[tilespmem:s15+$0x300] =	vst v16;
	v14 =	vld.idx.msk [tilespmem:v15+s19+$0x0], $0xffff;
	v15 =	vadd.s32 $0x200, v4  }
0x265: {  	v6 =	vld.idx.msk [tilespmem:v6+s19+$0x0], $0xffff;
	[tilespmem:s6+$0x380] =	vst v7  }
0x266: {  	v22 =	vld [tilespmem:s11+$0x0];
	[tilespmem:s23+$0x180] =	vst v13;
	v13 =	vadd.s32 $0x200, v3  }
0x267: {  	v19 =	vld [tilespmem:s11+$0xFFFFFFE0];
	v16 =	vadd.s32 $0x200, v2;
	[tilespmem:s0+$0x300] =	vst v10  }
0x268: {  	v11 =	vld.idx.msk [tilespmem:v11+s19+$0x0], $0xffff;
	[tilespmem:s9+$0x180] =	vst v12  }
0x269: {  	[tilespmem:s8+$0x180] =	vst v9;
	v9 =	vld.idx.msk [tilespmem:v15+s19+$0x0], $0xffff  }
0x26a: {  	v17 =	vadd.s32 $0x280, v5;
	[tilespmem:s15+$0x380] =	vst v6;
	v10 =	vld.idx.msk [tilespmem:v0+s19+$0x0], $0xffff  }
0x26b: {  	[tilespmem:s7+$0x180] =	vst v14;
	v12 =	vld.idx.msk [tilespmem:v13+s19+$0x0], $0xffff  }
0x26c: {  	s6 =	simm.s32 $0x400;
	[tilespmem:s16+$0x380] =	vst v8;
	v13 =	vld.idx.msk [tilespmem:v16+s19+$0x0], $0xffff;
	v16 =	vadd.s32 $0x80, v0  }
0x26d: {  	s12 =	sand.u32 $0x3C00, s6;
	v6 =	vld.idx.msk [tilespmem:v21+s19+$0x0], $0xffff;
	s16 =	simm.s32 $0xB0;
	[tilespmem:s23+$0x200] =	vst v11;
	v11 =	vadd.s32 $0x280, v4  }
0x26e: {  	s14 =	sadd.s32 $0xC800, s12;
	v8 =	vld.idx.msk [tilespmem:v22+s19+$0x0], $0xffff;
	s18 =	sand.u32 $0x70, s16;
	v14 =	vadd.s32 $0x280, v3  }
0x26f: {  	s15 =	sor.u32 s18, s14;
	v7 =	vld.idx.msk [tilespmem:v17+s19+$0x0], $0xffff;
	v17 =	vadd.s32 $0x280, v2;
	[tilespmem:s9+$0x200] =	vst v9  }
0x270: {  	s25 =	simm.s32 $0x90;
	v15 =	vadd.s32 $0x300, v5;
	v9 =	vld.idx.msk [tilespmem:v19+s19+$0x0], $0xffff;
	[tilespmem:s15+$0x0] =	vst v10  }
0x271: {  	v18 =	vadd.s32 $0x80, v21;
	s11 =	sand.u32 $0x50, s25;
	[tilespmem:s7+$0x200] =	vst v13;
	v13 =	vld.idx.msk [tilespmem:v16+s19+$0x0], $0xffff  }
0x272: {  	s17 =	sor.u32 s11, s14;
	[tilespmem:s8+$0x200] =	vst v12;
	v12 =	vadd.s32 $0x80, v19;
	v11 =	vld.idx.msk [tilespmem:v11+s19+$0x0], $0xffff  }
0x273: {  	s30 =	simm.s32 $0x80;
	[tilespmem:s17+$0x0] =	vst v6;
	v16 =	vadd.s32 $0x100, v0;
	v14 =	vld.idx.msk [tilespmem:v14+s19+$0x0], $0xffff  }
0x274: {  	s2 =	sand.u32 $0x40, s30;
	v1 =	vadd.s32 $0x380, v1;
	[tilespmem:s23+$0x280] =	vst v7;
	v6 =	vld.idx.msk [tilespmem:v17+s19+$0x0], $0xffff  }
0x275: {  	s12 =	simm.s32 $0xA0;
	s2 =	sor.u32 s2, s14;
	v7 =	vadd.s32 $0x80, v22;
	v10 =	vld.idx.msk [tilespmem:v15+s19+$0x0], $0xffff  }
0x276: {  	s31 =	sand.u32 $0x60, s12;
	v17 =	vadd.s32 $0x300, v3;
	[tilespmem:s2+$0x0] =	vst v9;
	v9 =	vld.idx.msk [tilespmem:v18+s19+$0x0], $0xffff  }
0x277: {  	s18 =	sor.u32 s31, s14;
	v15 =	vadd.s32 $0x300, v4;
	v12 =	vld.idx.msk [tilespmem:v12+s19+$0x0], $0xffff;
	[tilespmem:s15+$0x80] =	vst v13  }
0x278: {  	v5 =	vadd.s32 $0x380, v5;
	[tilespmem:s18+$0x0] =	vst v8;
	v16 =	vld.idx.msk [tilespmem:v16+s19+$0x0], $0xffff  }
0x279: {  	v8 =	vadd.s32 $0x100, v21;
	[tilespmem:s8+$0x280] =	vst v14;
	v14 =	vld.idx.msk [tilespmem:v1+s19+$0x0], $0xffff  }
0x27a: {  	[tilespmem:s9+$0x280] =	vst v11;
	v11 =	vadd.s32 $0x100, v19;
	v7 =	vld.idx.msk [tilespmem:v7+s19+$0x0], $0xffff  }
0x27b: {  	v13 =	vadd.s32 $0x300, v2;
	v23 =	vld.idx.msk [tilespmem:v17+s19+$0x0], $0xffff;
	[tilespmem:s7+$0x280] =	vst v6  }
0x27c: {  	v15 =	vld.idx.msk [tilespmem:v15+s19+$0x0], $0xffff;
	[tilespmem:s23+$0x300] =	vst v10;
	v10 =	vadd.s32 $0x100, v22  }
0x27d: {  	v5 =	vld.idx.msk [tilespmem:v5+s19+$0x0], $0xffff;
	[tilespmem:s17+$0x80] =	vst v9;
	v9 =	vadd.s32 $0x180, v0  }
0x27e: {  	v4 =	vadd.s32 $0x380, v4;
	[tilespmem:s2+$0x80] =	vst v12;
	v8 =	vld.idx.msk [tilespmem:v8+s19+$0x0], $0xffff  }
0x27f: {  	v18 =	vld.idx.msk [tilespmem:v11+s19+$0x0], $0xffff;
	[tilespmem:s18+$0x80] =	vst v7;
	v7 =	vadd.s32 $0x180, v21  }
0x280: {  	v25 =	vld.idx.msk [tilespmem:v13+s19+$0x0], $0xffff;
	[tilespmem:s15+$0x100] =	vst v16;
	v16 =	vadd.s32 $0x380, v3  }
0x281: {  	v6 =	vadd.s32 $0x180, v19;
	[tilespmem:s8+$0x300] =	vst v23;
	v24 =	vld.idx.msk [tilespmem:v10+s19+$0x0], $0xffff  }
0x282: {  	v26 =	vadd.s32 $0x180, v22;
	[tilespmem:s9+$0x300] =	vst v15;
	v17 =	vld.idx.msk [tilespmem:v9+s19+$0x0], $0xffff  }
0x283: {  	v13 =	vadd.s32 $0x200, v21;
	v15 =	vld.idx.msk [tilespmem:v4+s19+$0x0], $0xffff;
	v9 =	vadd.s32 $0x280, v21;
	[tilespmem:s17+$0x100] =	vst v8  }
0x284: {  	v4 =	vadd.s32 $0x380, v21;
	[tilespmem:s2+$0x100] =	vst v18;
	v18 =	vld.idx.msk [tilespmem:v7+s19+$0x0], $0xffff;
	v7 =	vadd.s32 $0x300, v21;
	v21 =	vadd.s32 $0x200, v0  }
0x285: {  	v1 =	vadd.s32 $0x380, v2;
	v2 =	vadd.s32 $0x380, v22;
	v12 =	vadd.s32 $0x200, v19;
	[tilespmem:s23+$0x380] =	vst v5;
	v16 =	vld.idx.msk [tilespmem:v16+s19+$0x0], $0xffff  }
0x286: {  	v11 =	vadd.s32 $0x200, v22;
	v3 =	vadd.s32 $0x380, v19;
	v10 =	vadd.s32 $0x280, v22;
	v20 =	vld.idx.msk [tilespmem:v6+s19+$0x0], $0xffff;
	[tilespmem:s18+$0x100] =	vst v24  }
0x287: {  	s28 =	simm.s32 $0x8;
	v5 =	vadd.s32 $0x300, v19;
	s23 =	simm.s32 $0xE0;
	v8 =	vadd.s32 $0x280, v19;
	[tilespmem:s7+$0x300] =	vst v25;
	v6 =	vadd.s32 $0x300, v22;
	v19 =	vld.idx.msk [tilespmem:v26+s19+$0x0], $0xffff  }
.LBB2_11:
0x288: {  	v22 =	vld [tilespmem:s23+$0x10];
	[tilespmem:s15+$0x180] =	vst v17  }
0x289: {  	s28 =	sadd.s32 $0x4, s28;
	v17 =	vld.idx.msk [tilespmem:v21+s19+$0x0], $0xffff;
	[tilespmem:s9+$0x380] =	vst v15;
	s9 =	smov.u32 s2  }
0x28a: {  	p0 =	slt.u32 s28, $0x7C;
	v15 =	vld [tilespmem:s23+$0xFFFFFFF0];
	[tilespmem:s17+$0x180] =	vst v18  }
0x28b: {  	v18 =	vld [tilespmem:s23+$0x0];
	[tilespmem:s9+$0x180] =	vst v20;
	v20 =	vadd.s32 $0x280, v0  }
0x28c: {  	v21 =	vld [tilespmem:s23+$0xFFFFFFE0];
	[tilespmem:s18+$0x180] =	vst v19  }
0x28d: {  	v19 =	vld.idx.msk [tilespmem:v12+s19+$0x0], $0xffff;
	[tilespmem:s8+$0x380] =	vst v16;
	s8 =	smov.u32 s17  }
0x28e: {  	v16 =	vld.idx.msk [tilespmem:v13+s19+$0x0], $0xffff;
	[tilespmem:s0+$0x380] =	vst v14;
	s0 =	smov.u32 s7;
	s7 =	smov.u32 s18  }
0x28f: {  	v14 =	vadd.s32 $0x80, v15;
	v23 =	vadd.s32 $0x100, v15;
	v24 =	vadd.s32 $0x180, v15;
	v25 =	vld.idx.msk [tilespmem:v11+s19+$0x0], $0xffff;
	[tilespmem:s15+$0x200] =	vst v17  }
0x290: {  	v17 =	vadd.s32 $0x80, v18;
	v26 =	vadd.s32 $0x100, v18;
	v27 =	vadd.s32 $0x180, v18;
	v20 =	vld.idx.msk [tilespmem:v20+s19+$0x0], $0xffff  }
0x291: {  	v28 =	vadd.s32 $0x80, v21;
	v29 =	vadd.s32 $0x100, v21;
	v30 =	vadd.s32 $0x180, v21;
	v31 =	vld.idx.msk [tilespmem:v22+s19+$0x0], $0xffff  }
0x292: {  	v33 =	vadd.s32 $0x300, v0;
	v13 =	vadd.s32 $0x200, v15;
	v12 =	vadd.s32 $0x200, v21;
	v32 =	vld.idx.msk [tilespmem:v15+s19+$0x0], $0xffff  }
0x293: {  	s6 =	sadd.s32 $0x200, s6;
	v36 =	vadd.s32 $0x80, v22;
	v11 =	vadd.s32 $0x200, v18;
	v34 =	vadd.s32 $0x280, v21;
	v35 =	vld.idx.msk [tilespmem:v18+s19+$0x0], $0xffff;
	[tilespmem:s9+$0x200] =	vst v19  }
0x294: {  	s16 =	sadd.s32 $0x40, s16;
	s2 =	sand.u32 $0x3C00, s6;
	v38 =	vadd.s32 $0x280, v15;
	v39 =	vadd.s32 $0x280, v18;
	v37 =	vadd.s32 $0x300, v21;
	v19 =	vld.idx.msk [tilespmem:v21+s19+$0x0], $0xffff;
	[tilespmem:s8+$0x200] =	vst v16  }
0x295: {  	s10 =	sadd.s32 $0xFFFFFFD0, s16;
	s11 =	sadd.s32 $0xC800, s2;
	s2 =	sand.u32 $0x70, s16;
	v40 =	vadd.s32 $0x300, v18;
	v16 =	vadd.s32 $0x380, v21;
	v21 =	vadd.s32 $0x300, v15;
	v41 =	vld.idx.msk [tilespmem:v8+s19+$0x0], $0xffff;
	[tilespmem:s7+$0x200] =	vst v25;
	v8 =	vmovc v34  }
0x296: {  	s12 =	sadd.s32 $0xFFFFFFE0, s16;
	s14 =	sadd.s32 $0xFFFFFFF0, s16;
	s25 =	sor.u32 s2, s11;
	v25 =	vadd.s32 $0x380, v15;
	v15 =	vadd.s32 $0x380, v18;
	v18 =	vld.idx.msk [tilespmem:v9+s19+$0x0], $0xffff;
	[tilespmem:s15+$0x280] =	vst v20;
	v9 =	vmov v38  }
0x297: {  	s2 =	sand.u32 $0x40, s10;
	s10 =	sand.u32 $0x50, s12;
	s12 =	sand.u32 $0x60, s14;
	[tilespmem:s25+$0x0] =	vst v31;
	v20 =	vld.idx.msk [tilespmem:v33+s19+$0x0], $0xffff  }
0x298: {  	s2 =	sor.u32 s2, s11;
	s17 =	sor.u32 s10, s11;
	s18 =	sor.u32 s12, s11;
	v31 =	vld.idx.msk [tilespmem:v36+s19+$0x0], $0xffff  }
0x299: {  	v33 =	vadd.s32 $0x380, v0;
	v0 =	vmov v22;
	[tilespmem:s17+$0x0] =	vst v32;
	v32 =	vld.idx.msk [tilespmem:v10+s19+$0x0], $0xffff;
	v10 =	vmov v39  }
0x29a: {  	[tilespmem:s2+$0x0] =	vst v19;
	v14 =	vld.idx.msk [tilespmem:v14+s19+$0x0], $0xffff;
	v19 =	vadd.s32 $0x100, v0  }
0x29b: {  	v22 =	vld.idx.msk [tilespmem:v28+s19+$0x0], $0xffff;
	[tilespmem:s18+$0x0] =	vst v35  }
0x29c: {  	v17 =	vld.idx.msk [tilespmem:v17+s19+$0x0], $0xffff;
	[tilespmem:s9+$0x280] =	vst v41  }
0x29d: {  	v28 =	vld.idx.msk [tilespmem:v5+s19+$0x0], $0xffff;
	[tilespmem:s15+$0x300] =	vst v20;
	v5 =	vmov v37  }
0x29e: {  	[tilespmem:s25+$0x80] =	vst v31;
	v20 =	vld.idx.msk [tilespmem:v33+s19+$0x0], $0xffff  }
0x29f: {  	v19 =	vld.idx.msk [tilespmem:v19+s19+$0x0], $0xffff;
	[tilespmem:s8+$0x280] =	vst v18  }
0x2a0: {  	[tilespmem:s17+$0x80] =	vst v14;
	v31 =	vld.idx.msk [tilespmem:v7+s19+$0x0], $0xffff;
	v7 =	vmov v21  }
0x2a1: {  	v21 =	vadd.s32 $0x180, v0;
	[tilespmem:s2+$0x80] =	vst v22;
	v18 =	vld.idx.msk [tilespmem:v23+s19+$0x0], $0xffff  }
0x2a2: {  	v22 =	vld.idx.msk [tilespmem:v29+s19+$0x0], $0xffff;
	[tilespmem:s18+$0x80] =	vst v17  }
0x2a3: {  	v23 =	vld.idx.msk [tilespmem:v26+s19+$0x0], $0xffff;
	[tilespmem:s7+$0x280] =	vst v32  }
0x2a4: {  	v26 =	vld.idx.msk [tilespmem:v6+s19+$0x0], $0xffff;
	[tilespmem:s15+$0x380] =	vst v20;
	v6 =	vmov v40;
	s15 =	smov.u32 s25  }
0x2a5: {  	[tilespmem:s15+$0x100] =	vst v19;
	v14 =	vld.idx.msk [tilespmem:v1+s19+$0x0], $0xffff;
	v1 =	vmov v2;
	v2 =	vmov v15  }
0x2a6: {  	v17 =	vld.idx.msk [tilespmem:v21+s19+$0x0], $0xffff;
	[tilespmem:s9+$0x300] =	vst v28  }
.Ltmp5:
0x2a7: {  	[tilespmem:s17+$0x100] =	vst v18;
	v15 =	vld.idx.msk [tilespmem:v3+s19+$0x0], $0xffff;
	v3 =	vmov v16;
	(pc) =	sbr.rel @p0 .LBB2_11-.Ltmp5, $4  }
0x2a8: {  	v21 =	vadd.s32 $0x200, v0;
	[tilespmem:s2+$0x100] =	vst v22;
	v18 =	vld.idx.msk [tilespmem:v24+s19+$0x0], $0xffff  }
0x2a9: {  	v20 =	vld.idx.msk [tilespmem:v30+s19+$0x0], $0xffff;
	[tilespmem:s18+$0x100] =	vst v23  }
0x2aa: {  	v19 =	vld.idx.msk [tilespmem:v27+s19+$0x0], $0xffff;
	[tilespmem:s8+$0x300] =	vst v31  }
0x2ab: {  	s23 =	sadd.s32 $0x40, s23;
	v16 =	vld.idx.msk [tilespmem:v4+s19+$0x0], $0xffff;
	[tilespmem:s7+$0x300] =	vst v26;
	v4 =	vmov v25  }
0x2ac: {  	_ =	sdelay $0x2  }
0x2ad: {  	[tilespmem:s15+$0x180] =	vst v17  }
0x2ae: {  	v17 =	vld.idx.msk [tilespmem:v21+s19+$0x0], $0xffff;
	[tilespmem:s17+$0x180] =	vst v18  }
0x2af: {  	v18 =	vadd.s32 $0x280, v0;
	[tilespmem:s2+$0x180] =	vst v20;
	v13 =	vld.idx.msk [tilespmem:v13+s19+$0x0], $0xffff  }
0x2b0: {  	v12 =	vld.idx.msk [tilespmem:v12+s19+$0x0], $0xffff;
	[tilespmem:s18+$0x180] =	vst v19  }
0x2b1: {  	v11 =	vld.idx.msk [tilespmem:v11+s19+$0x0], $0xffff;
	_ =	sdelay $0x1  }
0x2b2: {  	[tilespmem:s15+$0x200] =	vst v17  }
0x2b3: {  	v17 =	vld.idx.msk [tilespmem:v18+s19+$0x0], $0xffff;
	[tilespmem:s17+$0x200] =	vst v13  }
0x2b4: {  	[tilespmem:s2+$0x200] =	vst v12;
	v12 =	vadd.s32 $0x300, v0;
	v9 =	vld.idx.msk [tilespmem:v9+s19+$0x0], $0xffff  }
0x2b5: {  	v8 =	vld.idx.msk [tilespmem:v8+s19+$0x0], $0xffff;
	[tilespmem:s18+$0x200] =	vst v11  }
0x2b6: {  	v10 =	vld.idx.msk [tilespmem:v10+s19+$0x0], $0xffff;
	_ =	sdelay $0x1  }
0x2b7: {  	[tilespmem:s15+$0x280] =	vst v17  }
0x2b8: {  	v11 =	vld.idx.msk [tilespmem:v12+s19+$0x0], $0xffff;
	[tilespmem:s17+$0x280] =	vst v9  }
0x2b9: {  	v0 =	vadd.s32 $0x380, v0;
	[tilespmem:s2+$0x280] =	vst v8;
	v7 =	vld.idx.msk [tilespmem:v7+s19+$0x0], $0xffff  }
0x2ba: {  	v5 =	vld.idx.msk [tilespmem:v5+s19+$0x0], $0xffff;
	[tilespmem:s18+$0x280] =	vst v10  }
0x2bb: {  	[tilespmem:s9+$0x380] =	vst v15;
	v6 =	vld.idx.msk [tilespmem:v6+s19+$0x0], $0xffff  }
0x2bc: {  	[tilespmem:s0+$0x380] =	vst v14  }
0x2bd: {  	v1 =	vld.idx.msk [tilespmem:v1+s19+$0x0], $0xffff;
	[tilespmem:s15+$0x300] =	vst v11  }
0x2be: {  	v0 =	vld.idx.msk [tilespmem:v0+s19+$0x0], $0xffff;
	[tilespmem:s17+$0x300] =	vst v7  }
0x2bf: {  	[tilespmem:s2+$0x300] =	vst v5;
	v4 =	vld.idx.msk [tilespmem:v4+s19+$0x0], $0xffff  }
0x2c0: {  	v3 =	vld.idx.msk [tilespmem:v3+s19+$0x0], $0xffff;
	[tilespmem:s18+$0x300] =	vst v6  }
0x2c1: {  	[tilespmem:s8+$0x380] =	vst v16;
	v2 =	vld.idx.msk [tilespmem:v2+s19+$0x0], $0xffff  }
0x2c2: {  	[tilespmem:s7+$0x380] =	vst v1  }
0x2c3: {  	[tilespmem:s15+$0x380] =	vst v0  }
0x2c4: {  	[tilespmem:s17+$0x380] =	vst v4  }
0x2c5: {  	[tilespmem:s2+$0x380] =	vst v3  }
0x2c6: {  	[tilespmem:s18+$0x380] =	vst v2  }
0x2c7: {  	s31 =	simm.s32 $0x0;
	s6 =	simm.s32 $0xC800;
	s2 =	rddreg [dreg:$0xc]  }
0x2c8: {  	[hbm4b:s2+s31] =	stream.linear.scatter [tilespmem:s6], [sflag:$0x4], $0x4000, $0x38;
	[tilespmem:$0x18800] =	vst v63  }
0x2c9: {  	_ =	swait.ge [sflag:s24], $0x4000  }
0x2ca: {  	[sflag:s24] =	ssyncset.done $0x0  }
0x2cb: {  	s30 =	simm.s32 $0x5;
	[sflag:s24] =	ssyncadd.s32 $0xFFFFC000  }
0x2cc: {  	_ =	swait.ge [sflag:s30], $0x4000  }
0x2cd: {  	[sflag:s30] =	ssyncset.done $0x0  }
0x2ce: {  	s7 =	simm.s32 $0x20;
	[sflag:s30] =	ssyncadd.s32 $0xFFFFC000  }
0x2cf: {  	v7 =	vld [tilespmem:s7+$0x10]  }
0x2d0: {  	v6 =	vld [tilespmem:s7+$0xFFFFFFE0]  }
0x2d1: {  	v0 =	vld [tilespmem:s7+$0xFFFFFFF0]  }
0x2d2: {  	v1 =	vld [tilespmem:s7+$0x0];
	_ =	sdelay $0x4  }
0x2d3: {  	v2 =	vld.idx.msk [tilespmem:v7+s20+$0x0], $0xffff  }
0x2d4: {  	v3 =	vadd.s32 $0x80, v7;
	v8 =	vld.idx.msk [tilespmem:v6+s20+$0x0], $0xffff  }
0x2d5: {  	s0 =	sand.u32 $0x3C00, s31;
	s8 =	simm.s32 $0x30;
	v9 =	vadd.s32 $0x80, v6;
	v4 =	vld.idx.msk [tilespmem:v0+s20+$0x0], $0xffff  }
0x2d6: {  	s10 =	simm.s32 $0x0;
	s0 =	sadd.s32 $0xC800, s0;
	s2 =	sand.u32 $0x70, s8;
	v5 =	vadd.s32 $0x80, v0;
	v10 =	vld.idx.msk [tilespmem:v1+s20+$0x0], $0xffff  }
0x2d7: {  	s9 =	simm.s32 $0x10;
	s12 =	sand.u32 $0x40, s10;
	s6 =	sor.u32 s2, s0;
	v11 =	vadd.s32 $0x80, v1  }
0x2d8: {  	s11 =	simm.s32 $0x20;
	s16 =	sor.u32 s12, s0;
	s7 =	sand.u32 $0x50, s9;
	[tilespmem:s6+$0x4000] =	vst v2  }
0x2d9: {  	s15 =	sand.u32 $0x60, s11;
	s14 =	sor.u32 s7, s0;
	[tilespmem:s16+$0x4000] =	vst v8;
	v2 =	vld.idx.msk [tilespmem:v3+s20+$0x0], $0xffff  }
0x2da: {  	s0 =	sor.u32 s15, s0;
	[tilespmem:s14+$0x4000] =	vst v4;
	v3 =	vadd.s32 $0x100, v7;
	v8 =	vld.idx.msk [tilespmem:v9+s20+$0x0], $0xffff  }
0x2db: {  	[tilespmem:s0+$0x4000] =	vst v10;
	v4 =	vld.idx.msk [tilespmem:v5+s20+$0x0], $0xffff;
	v9 =	vadd.s32 $0x100, v6  }
0x2dc: {  	v5 =	vadd.s32 $0x100, v0;
	v10 =	vld.idx.msk [tilespmem:v11+s20+$0x0], $0xffff  }
0x2dd: {  	v11 =	vadd.s32 $0x100, v1  }
0x2de: {  	[tilespmem:s6+$0x4080] =	vst v2  }
0x2df: {  	s18 =	simm.s32 $0x200;
	[tilespmem:s16+$0x4080] =	vst v8;
	v2 =	vld.idx.msk [tilespmem:v3+s20+$0x0], $0xffff  }
0x2e0: {  	s23 =	simm.s32 $0x70;
	s25 =	simm.s32 $0x50;
	s7 =	sand.u32 $0x3C00, s18;
	[tilespmem:s14+$0x4080] =	vst v4;
	v3 =	vadd.s32 $0x180, v7;
	v8 =	vld.idx.msk [tilespmem:v9+s20+$0x0], $0xffff  }
0x2e1: {  	s8 =	sand.u32 $0x70, s23;
	s31 =	simm.s32 $0x40;
	s7 =	sadd.s32 $0xC800, s7;
	[tilespmem:s0+$0x4080] =	vst v10;
	v4 =	vld.idx.msk [tilespmem:v5+s20+$0x0], $0xffff;
	v9 =	vadd.s32 $0x180, v6  }
0x2e2: {  	s11 =	sand.u32 $0x40, s31;
	s9 =	sand.u32 $0x50, s25;
	s23 =	sor.u32 s8, s7;
	v5 =	vadd.s32 $0x180, v0;
	v10 =	vld.idx.msk [tilespmem:v11+s20+$0x0], $0xffff  }
0x2e3: {  	s8 =	sor.u32 s9, s7;
	s9 =	sor.u32 s11, s7;
	s11 =	simm.s32 $0xA0;
	v11 =	vadd.s32 $0x180, v1  }
0x2e4: {  	v21 =	vld [tilespmem:s11+$0xFFFFFFF0];
	[tilespmem:s6+$0x4100] =	vst v2  }
0x2e5: {  	[tilespmem:s16+$0x4100] =	vst v8;
	v2 =	vld.idx.msk [tilespmem:v3+s20+$0x0], $0xffff  }
0x2e6: {  	[tilespmem:s14+$0x4100] =	vst v4;
	v4 =	vld.idx.msk [tilespmem:v9+s20+$0x0], $0xffff  }
0x2e7: {  	[tilespmem:s0+$0x4100] =	vst v10;
	v3 =	vadd.s32 $0x200, v7;
	v8 =	vld.idx.msk [tilespmem:v5+s20+$0x0], $0xffff  }
0x2e8: {  	s17 =	simm.s32 $0x60;
	v9 =	vld.idx.msk [tilespmem:v11+s20+$0x0], $0xffff  }
0x2e9: {  	v10 =	vadd.s32 $0x200, v6;
	v5 =	vld [tilespmem:s17+$0x10]  }
0x2ea: {  	v11 =	vadd.s32 $0x200, v0;
	[tilespmem:s6+$0x4180] =	vst v2;
	v2 =	vld [tilespmem:s17+$0x0]  }
0x2eb: {  	v13 =	vadd.s32 $0x200, v1;
	[tilespmem:s16+$0x4180] =	vst v4;
	v4 =	vld [tilespmem:s17+$0xFFFFFFE0]  }
0x2ec: {  	v12 =	vld.idx.msk [tilespmem:v3+s20+$0x0], $0xffff  }
0x2ed: {  	v14 =	vadd.s32 $0x280, v7;
	v3 =	vld [tilespmem:s17+$0xFFFFFFF0]  }
0x2ee: {  	[tilespmem:s14+$0x4180] =	vst v8;
	v8 =	vld.idx.msk [tilespmem:v10+s20+$0x0], $0xffff  }
0x2ef: {  	[tilespmem:s0+$0x4180] =	vst v9;
	v9 =	vld.idx.msk [tilespmem:v11+s20+$0x0], $0xffff;
	v11 =	vadd.s32 $0x280, v6  }
0x2f0: {  	v10 =	vld.idx.msk [tilespmem:v13+s20+$0x0], $0xffff;
	v13 =	vadd.s32 $0x280, v0  }
0x2f1: {  	v22 =	vld [tilespmem:s11+$0x0];
	[tilespmem:s6+$0x4200] =	vst v12  }
0x2f2: {  	v12 =	vld.idx.msk [tilespmem:v14+s20+$0x0], $0xffff  }
0x2f3: {  	[tilespmem:s16+$0x4200] =	vst v8;
	v14 =	vld.idx.msk [tilespmem:v5+s20+$0x0], $0xffff  }
0x2f4: {  	v16 =	vadd.s32 $0x300, v7;
	[tilespmem:s14+$0x4200] =	vst v9;
	v9 =	vld.idx.msk [tilespmem:v11+s20+$0x0], $0xffff  }
0x2f5: {  	v18 =	vadd.s32 $0x80, v5;
	v13 =	vld.idx.msk [tilespmem:v13+s20+$0x0], $0xffff  }
0x2f6: {  	v19 =	vadd.s32 $0x280, v1;
	v15 =	vld.idx.msk [tilespmem:v3+s20+$0x0], $0xffff  }
0x2f7: {  	v20 =	vadd.s32 $0x80, v3;
	[tilespmem:s0+$0x4200] =	vst v10;
	v8 =	vld.idx.msk [tilespmem:v4+s20+$0x0], $0xffff  }
0x2f8: {  	v11 =	vadd.s32 $0x80, v4;
	v17 =	vld.idx.msk [tilespmem:v2+s20+$0x0], $0xffff;
	[tilespmem:s6+$0x4280] =	vst v12  }
0x2f9: {  	v12 =	vadd.s32 $0x80, v2;
	[tilespmem:s23+$0x4000] =	vst v14;
	v14 =	vld.idx.msk [tilespmem:v16+s20+$0x0], $0xffff  }
0x2fa: {  	s10 =	simm.s32 $0x60;
	[tilespmem:s16+$0x4280] =	vst v9;
	v16 =	vadd.s32 $0x300, v6;
	v10 =	vld.idx.msk [tilespmem:v18+s20+$0x0], $0xffff  }
0x2fb: {  	s10 =	sand.u32 $0x60, s10;
	v18 =	vadd.s32 $0x100, v5;
	[tilespmem:s8+$0x4000] =	vst v15;
	v15 =	vld.idx.msk [tilespmem:v19+s20+$0x0], $0xffff  }
0x2fc: {  	s7 =	sor.u32 s10, s7;
	[tilespmem:s9+$0x4000] =	vst v8;
	v19 =	vadd.s32 $0x300, v0;
	v8 =	vld.idx.msk [tilespmem:v20+s20+$0x0], $0xffff  }
0x2fd: {  	v7 =	vadd.s32 $0x380, v7;
	[tilespmem:s7+$0x4000] =	vst v17;
	v11 =	vld.idx.msk [tilespmem:v11+s20+$0x0], $0xffff  }
0x2fe: {  	[tilespmem:s14+$0x4280] =	vst v13;
	v17 =	vadd.s32 $0x100, v3;
	v12 =	vld.idx.msk [tilespmem:v12+s20+$0x0], $0xffff  }
0x2ff: {  	v9 =	vadd.s32 $0x100, v4;
	v16 =	vld.idx.msk [tilespmem:v16+s20+$0x0], $0xffff;
	[tilespmem:s23+$0x4080] =	vst v10  }
0x300: {  	[tilespmem:s6+$0x4300] =	vst v14;
	v14 =	vadd.s32 $0x100, v2;
	v18 =	vld.idx.msk [tilespmem:v18+s20+$0x0], $0xffff  }
0x301: {  	v13 =	vadd.s32 $0x180, v5;
	[tilespmem:s8+$0x4080] =	vst v8;
	v8 =	vld.idx.msk [tilespmem:v19+s20+$0x0], $0xffff  }
0x302: {  	v0 =	vadd.s32 $0x380, v0;
	v7 =	vld.idx.msk [tilespmem:v7+s20+$0x0], $0xffff;
	[tilespmem:s9+$0x4080] =	vst v11  }
0x303: {  	[tilespmem:s0+$0x4280] =	vst v15;
	v11 =	vld.idx.msk [tilespmem:v17+s20+$0x0], $0xffff  }
0x304: {  	v9 =	vld.idx.msk [tilespmem:v9+s20+$0x0], $0xffff;
	v17 =	vadd.s32 $0x180, v3;
	[tilespmem:s7+$0x4080] =	vst v12  }
0x305: {  	v12 =	vadd.s32 $0x180, v4;
	v14 =	vld.idx.msk [tilespmem:v14+s20+$0x0], $0xffff;
	[tilespmem:s23+$0x4100] =	vst v18  }
0x306: {  	v15 =	vadd.s32 $0x180, v2;
	v13 =	vld.idx.msk [tilespmem:v13+s20+$0x0], $0xffff;
	[tilespmem:s14+$0x4300] =	vst v8  }
0x307: {  	v10 =	vadd.s32 $0x300, v1;
	v8 =	vld.idx.msk [tilespmem:v0+s20+$0x0], $0xffff  }
0x308: {  	[tilespmem:s8+$0x4100] =	vst v11;
	v0 =	vld [tilespmem:s11+$0x10]  }
0x309: {  	v6 =	vadd.s32 $0x380, v6;
	[tilespmem:s9+$0x4100] =	vst v9;
	v9 =	vld.idx.msk [tilespmem:v17+s20+$0x0], $0xffff  }
0x30a: {  	v11 =	vadd.s32 $0x200, v5;
	v12 =	vld.idx.msk [tilespmem:v12+s20+$0x0], $0xffff;
	[tilespmem:s7+$0x4100] =	vst v14  }
0x30b: {  	v14 =	vld.idx.msk [tilespmem:v15+s20+$0x0], $0xffff;
	v15 =	vadd.s32 $0x200, v4  }
0x30c: {  	v10 =	vld.idx.msk [tilespmem:v10+s20+$0x0], $0xffff;
	[tilespmem:s16+$0x4300] =	vst v16  }
0x30d: {  	v19 =	vld [tilespmem:s11+$0xFFFFFFE0];
	[tilespmem:s23+$0x4180] =	vst v13;
	v13 =	vadd.s32 $0x200, v3  }
0x30e: {  	v16 =	vadd.s32 $0x200, v2;
	v6 =	vld.idx.msk [tilespmem:v6+s20+$0x0], $0xffff;
	[tilespmem:s6+$0x4380] =	vst v7  }
0x30f: {  	v11 =	vld.idx.msk [tilespmem:v11+s20+$0x0], $0xffff;
	[tilespmem:s9+$0x4180] =	vst v12  }
0x310: {  	[tilespmem:s8+$0x4180] =	vst v9;
	v9 =	vld.idx.msk [tilespmem:v15+s20+$0x0], $0xffff  }
0x311: {  	v17 =	vadd.s32 $0x280, v5;
	[tilespmem:s0+$0x4300] =	vst v10;
	v10 =	vld.idx.msk [tilespmem:v0+s20+$0x0], $0xffff  }
0x312: {  	[tilespmem:s7+$0x4180] =	vst v14;
	v12 =	vld.idx.msk [tilespmem:v13+s20+$0x0], $0xffff  }
0x313: {  	s6 =	simm.s32 $0x400;
	[tilespmem:s16+$0x4380] =	vst v6;
	v13 =	vld.idx.msk [tilespmem:v16+s20+$0x0], $0xffff;
	v16 =	vadd.s32 $0x80, v0  }
0x314: {  	s12 =	sand.u32 $0x3C00, s6;
	v6 =	vld.idx.msk [tilespmem:v21+s20+$0x0], $0xffff;
	s16 =	simm.s32 $0xB0;
	[tilespmem:s23+$0x4200] =	vst v11;
	v11 =	vadd.s32 $0x280, v4  }
0x315: {  	s17 =	sand.u32 $0x70, s16;
	[tilespmem:s14+$0x4380] =	vst v8;
	v8 =	vld.idx.msk [tilespmem:v22+s20+$0x0], $0xffff;
	s14 =	sadd.s32 $0xC800, s12;
	v14 =	vadd.s32 $0x280, v3  }
0x316: {  	s15 =	sor.u32 s17, s14;
	v7 =	vld.idx.msk [tilespmem:v17+s20+$0x0], $0xffff;
	v17 =	vadd.s32 $0x280, v2;
	[tilespmem:s9+$0x4200] =	vst v9  }
0x317: {  	s18 =	simm.s32 $0x90;
	v15 =	vadd.s32 $0x300, v5;
	v9 =	vld.idx.msk [tilespmem:v19+s20+$0x0], $0xffff;
	[tilespmem:s15+$0x4000] =	vst v10  }
0x318: {  	v18 =	vadd.s32 $0x80, v21;
	s11 =	sand.u32 $0x50, s18;
	[tilespmem:s7+$0x4200] =	vst v13;
	v13 =	vld.idx.msk [tilespmem:v16+s20+$0x0], $0xffff  }
0x319: {  	s17 =	sor.u32 s11, s14;
	[tilespmem:s8+$0x4200] =	vst v12;
	v12 =	vadd.s32 $0x80, v19;
	v11 =	vld.idx.msk [tilespmem:v11+s20+$0x0], $0xffff  }
0x31a: {  	s25 =	simm.s32 $0x80;
	[tilespmem:s17+$0x4000] =	vst v6;
	v16 =	vadd.s32 $0x100, v0;
	v14 =	vld.idx.msk [tilespmem:v14+s20+$0x0], $0xffff  }
0x31b: {  	s2 =	sand.u32 $0x40, s25;
	v1 =	vadd.s32 $0x380, v1;
	[tilespmem:s23+$0x4280] =	vst v7;
	v6 =	vld.idx.msk [tilespmem:v17+s20+$0x0], $0xffff  }
0x31c: {  	s12 =	simm.s32 $0xA0;
	s2 =	sor.u32 s2, s14;
	v7 =	vadd.s32 $0x80, v22;
	v10 =	vld.idx.msk [tilespmem:v15+s20+$0x0], $0xffff  }
0x31d: {  	s31 =	sand.u32 $0x60, s12;
	v17 =	vadd.s32 $0x300, v3;
	[tilespmem:s2+$0x4000] =	vst v9;
	v9 =	vld.idx.msk [tilespmem:v18+s20+$0x0], $0xffff  }
0x31e: {  	s18 =	sor.u32 s31, s14;
	v15 =	vadd.s32 $0x300, v4;
	v12 =	vld.idx.msk [tilespmem:v12+s20+$0x0], $0xffff;
	[tilespmem:s15+$0x4080] =	vst v13  }
0x31f: {  	v5 =	vadd.s32 $0x380, v5;
	[tilespmem:s18+$0x4000] =	vst v8;
	v16 =	vld.idx.msk [tilespmem:v16+s20+$0x0], $0xffff  }
0x320: {  	v8 =	vadd.s32 $0x100, v21;
	[tilespmem:s8+$0x4280] =	vst v14;
	v14 =	vld.idx.msk [tilespmem:v1+s20+$0x0], $0xffff  }
0x321: {  	[tilespmem:s9+$0x4280] =	vst v11;
	v11 =	vadd.s32 $0x100, v19;
	v7 =	vld.idx.msk [tilespmem:v7+s20+$0x0], $0xffff  }
0x322: {  	v13 =	vadd.s32 $0x300, v2;
	v23 =	vld.idx.msk [tilespmem:v17+s20+$0x0], $0xffff;
	[tilespmem:s7+$0x4280] =	vst v6  }
0x323: {  	v15 =	vld.idx.msk [tilespmem:v15+s20+$0x0], $0xffff;
	[tilespmem:s23+$0x4300] =	vst v10;
	v10 =	vadd.s32 $0x100, v22  }
0x324: {  	v5 =	vld.idx.msk [tilespmem:v5+s20+$0x0], $0xffff;
	[tilespmem:s17+$0x4080] =	vst v9;
	v9 =	vadd.s32 $0x180, v0  }
0x325: {  	v4 =	vadd.s32 $0x380, v4;
	[tilespmem:s2+$0x4080] =	vst v12;
	v8 =	vld.idx.msk [tilespmem:v8+s20+$0x0], $0xffff  }
0x326: {  	v18 =	vld.idx.msk [tilespmem:v11+s20+$0x0], $0xffff;
	[tilespmem:s18+$0x4080] =	vst v7;
	v7 =	vadd.s32 $0x180, v21  }
0x327: {  	v25 =	vld.idx.msk [tilespmem:v13+s20+$0x0], $0xffff;
	[tilespmem:s15+$0x4100] =	vst v16;
	v16 =	vadd.s32 $0x380, v3  }
0x328: {  	v6 =	vadd.s32 $0x180, v19;
	[tilespmem:s8+$0x4300] =	vst v23;
	v24 =	vld.idx.msk [tilespmem:v10+s20+$0x0], $0xffff  }
0x329: {  	v26 =	vadd.s32 $0x180, v22;
	[tilespmem:s9+$0x4300] =	vst v15;
	v17 =	vld.idx.msk [tilespmem:v9+s20+$0x0], $0xffff  }
0x32a: {  	v13 =	vadd.s32 $0x200, v21;
	v15 =	vld.idx.msk [tilespmem:v4+s20+$0x0], $0xffff;
	v9 =	vadd.s32 $0x280, v21;
	[tilespmem:s17+$0x4100] =	vst v8  }
0x32b: {  	v4 =	vadd.s32 $0x380, v21;
	[tilespmem:s2+$0x4100] =	vst v18;
	v18 =	vld.idx.msk [tilespmem:v7+s20+$0x0], $0xffff;
	v7 =	vadd.s32 $0x300, v21;
	v21 =	vadd.s32 $0x200, v0  }
0x32c: {  	v1 =	vadd.s32 $0x380, v2;
	v2 =	vadd.s32 $0x380, v22;
	v12 =	vadd.s32 $0x200, v19;
	[tilespmem:s23+$0x4380] =	vst v5;
	v16 =	vld.idx.msk [tilespmem:v16+s20+$0x0], $0xffff  }
0x32d: {  	v11 =	vadd.s32 $0x200, v22;
	v3 =	vadd.s32 $0x380, v19;
	v10 =	vadd.s32 $0x280, v22;
	v20 =	vld.idx.msk [tilespmem:v6+s20+$0x0], $0xffff;
	[tilespmem:s18+$0x4100] =	vst v24  }
0x32e: {  	s28 =	simm.s32 $0x8;
	v5 =	vadd.s32 $0x300, v19;
	s23 =	simm.s32 $0xE0;
	v8 =	vadd.s32 $0x280, v19;
	[tilespmem:s7+$0x4300] =	vst v25;
	v6 =	vadd.s32 $0x300, v22;
	v19 =	vld.idx.msk [tilespmem:v26+s20+$0x0], $0xffff  }
.LBB2_13:
0x32f: {  	v22 =	vld [tilespmem:s23+$0x10];
	[tilespmem:s15+$0x4180] =	vst v17  }
0x330: {  	s28 =	sadd.s32 $0x4, s28;
	v17 =	vld.idx.msk [tilespmem:v21+s20+$0x0], $0xffff;
	[tilespmem:s9+$0x4380] =	vst v15;
	s9 =	smov.u32 s2  }
0x331: {  	p0 =	slt.u32 s28, $0x7C;
	v15 =	vld [tilespmem:s23+$0xFFFFFFF0];
	[tilespmem:s17+$0x4180] =	vst v18  }
0x332: {  	v18 =	vld [tilespmem:s23+$0x0];
	[tilespmem:s9+$0x4180] =	vst v20;
	v20 =	vadd.s32 $0x280, v0  }
0x333: {  	v21 =	vld [tilespmem:s23+$0xFFFFFFE0];
	[tilespmem:s18+$0x4180] =	vst v19  }
0x334: {  	v19 =	vld.idx.msk [tilespmem:v12+s20+$0x0], $0xffff;
	[tilespmem:s8+$0x4380] =	vst v16;
	s8 =	smov.u32 s17  }
0x335: {  	v16 =	vld.idx.msk [tilespmem:v13+s20+$0x0], $0xffff;
	[tilespmem:s0+$0x4380] =	vst v14;
	s0 =	smov.u32 s7;
	s7 =	smov.u32 s18  }
0x336: {  	v14 =	vadd.s32 $0x80, v15;
	v23 =	vadd.s32 $0x100, v15;
	v24 =	vadd.s32 $0x180, v15;
	v25 =	vld.idx.msk [tilespmem:v11+s20+$0x0], $0xffff;
	[tilespmem:s15+$0x4200] =	vst v17  }
0x337: {  	v17 =	vadd.s32 $0x80, v18;
	v26 =	vadd.s32 $0x100, v18;
	v27 =	vadd.s32 $0x180, v18;
	v20 =	vld.idx.msk [tilespmem:v20+s20+$0x0], $0xffff  }
0x338: {  	v28 =	vadd.s32 $0x80, v21;
	v29 =	vadd.s32 $0x100, v21;
	v30 =	vadd.s32 $0x180, v21;
	v31 =	vld.idx.msk [tilespmem:v22+s20+$0x0], $0xffff  }
0x339: {  	v33 =	vadd.s32 $0x300, v0;
	v13 =	vadd.s32 $0x200, v15;
	v12 =	vadd.s32 $0x200, v21;
	v32 =	vld.idx.msk [tilespmem:v15+s20+$0x0], $0xffff  }
0x33a: {  	s6 =	sadd.s32 $0x200, s6;
	v36 =	vadd.s32 $0x80, v22;
	v11 =	vadd.s32 $0x200, v18;
	v34 =	vadd.s32 $0x280, v21;
	v35 =	vld.idx.msk [tilespmem:v18+s20+$0x0], $0xffff;
	[tilespmem:s9+$0x4200] =	vst v19  }
0x33b: {  	s16 =	sadd.s32 $0x40, s16;
	s2 =	sand.u32 $0x3C00, s6;
	v38 =	vadd.s32 $0x280, v15;
	v39 =	vadd.s32 $0x280, v18;
	v37 =	vadd.s32 $0x300, v21;
	v19 =	vld.idx.msk [tilespmem:v21+s20+$0x0], $0xffff;
	[tilespmem:s8+$0x4200] =	vst v16  }
0x33c: {  	s10 =	sadd.s32 $0xFFFFFFD0, s16;
	s11 =	sadd.s32 $0xC800, s2;
	s2 =	sand.u32 $0x70, s16;
	v40 =	vadd.s32 $0x300, v18;
	v16 =	vadd.s32 $0x380, v21;
	v21 =	vadd.s32 $0x300, v15;
	v41 =	vld.idx.msk [tilespmem:v8+s20+$0x0], $0xffff;
	[tilespmem:s7+$0x4200] =	vst v25;
	v8 =	vmovc v34  }
0x33d: {  	s12 =	sadd.s32 $0xFFFFFFE0, s16;
	s14 =	sadd.s32 $0xFFFFFFF0, s16;
	s25 =	sor.u32 s2, s11;
	v25 =	vadd.s32 $0x380, v15;
	v15 =	vadd.s32 $0x380, v18;
	v18 =	vld.idx.msk [tilespmem:v9+s20+$0x0], $0xffff;
	[tilespmem:s15+$0x4280] =	vst v20;
	v9 =	vmov v38  }
0x33e: {  	s2 =	sand.u32 $0x40, s10;
	s10 =	sand.u32 $0x50, s12;
	s12 =	sand.u32 $0x60, s14;
	[tilespmem:s25+$0x4000] =	vst v31;
	v20 =	vld.idx.msk [tilespmem:v33+s20+$0x0], $0xffff  }
0x33f: {  	s2 =	sor.u32 s2, s11;
	s17 =	sor.u32 s10, s11;
	s18 =	sor.u32 s12, s11;
	v31 =	vld.idx.msk [tilespmem:v36+s20+$0x0], $0xffff  }
0x340: {  	v33 =	vadd.s32 $0x380, v0;
	v0 =	vmov v22;
	[tilespmem:s17+$0x4000] =	vst v32;
	v32 =	vld.idx.msk [tilespmem:v10+s20+$0x0], $0xffff;
	v10 =	vmov v39  }
0x341: {  	[tilespmem:s2+$0x4000] =	vst v19;
	v14 =	vld.idx.msk [tilespmem:v14+s20+$0x0], $0xffff;
	v19 =	vadd.s32 $0x100, v0  }
0x342: {  	v22 =	vld.idx.msk [tilespmem:v28+s20+$0x0], $0xffff;
	[tilespmem:s18+$0x4000] =	vst v35  }
0x343: {  	v17 =	vld.idx.msk [tilespmem:v17+s20+$0x0], $0xffff;
	[tilespmem:s9+$0x4280] =	vst v41  }
0x344: {  	v28 =	vld.idx.msk [tilespmem:v5+s20+$0x0], $0xffff;
	[tilespmem:s15+$0x4300] =	vst v20;
	v5 =	vmov v37  }
0x345: {  	[tilespmem:s25+$0x4080] =	vst v31;
	v20 =	vld.idx.msk [tilespmem:v33+s20+$0x0], $0xffff  }
0x346: {  	v19 =	vld.idx.msk [tilespmem:v19+s20+$0x0], $0xffff;
	[tilespmem:s8+$0x4280] =	vst v18  }
0x347: {  	[tilespmem:s17+$0x4080] =	vst v14;
	v31 =	vld.idx.msk [tilespmem:v7+s20+$0x0], $0xffff;
	v7 =	vmov v21  }
0x348: {  	v21 =	vadd.s32 $0x180, v0;
	[tilespmem:s2+$0x4080] =	vst v22;
	v18 =	vld.idx.msk [tilespmem:v23+s20+$0x0], $0xffff  }
0x349: {  	v22 =	vld.idx.msk [tilespmem:v29+s20+$0x0], $0xffff;
	[tilespmem:s18+$0x4080] =	vst v17  }
0x34a: {  	v23 =	vld.idx.msk [tilespmem:v26+s20+$0x0], $0xffff;
	[tilespmem:s7+$0x4280] =	vst v32  }
0x34b: {  	v26 =	vld.idx.msk [tilespmem:v6+s20+$0x0], $0xffff;
	[tilespmem:s15+$0x4380] =	vst v20;
	v6 =	vmov v40;
	s15 =	smov.u32 s25  }
0x34c: {  	[tilespmem:s15+$0x4100] =	vst v19;
	v14 =	vld.idx.msk [tilespmem:v1+s20+$0x0], $0xffff;
	v1 =	vmov v2;
	v2 =	vmov v15  }
0x34d: {  	v17 =	vld.idx.msk [tilespmem:v21+s20+$0x0], $0xffff;
	[tilespmem:s9+$0x4300] =	vst v28  }
.Ltmp6:
0x34e: {  	[tilespmem:s17+$0x4100] =	vst v18;
	v15 =	vld.idx.msk [tilespmem:v3+s20+$0x0], $0xffff;
	v3 =	vmov v16;
	(pc) =	sbr.rel @p0 .LBB2_13-.Ltmp6, $4  }
0x34f: {  	v21 =	vadd.s32 $0x200, v0;
	[tilespmem:s2+$0x4100] =	vst v22;
	v18 =	vld.idx.msk [tilespmem:v24+s20+$0x0], $0xffff  }
0x350: {  	v20 =	vld.idx.msk [tilespmem:v30+s20+$0x0], $0xffff;
	[tilespmem:s18+$0x4100] =	vst v23  }
0x351: {  	v19 =	vld.idx.msk [tilespmem:v27+s20+$0x0], $0xffff;
	[tilespmem:s8+$0x4300] =	vst v31  }
0x352: {  	s23 =	sadd.s32 $0x40, s23;
	v16 =	vld.idx.msk [tilespmem:v4+s20+$0x0], $0xffff;
	[tilespmem:s7+$0x4300] =	vst v26;
	v4 =	vmov v25  }
0x353: {  	_ =	sdelay $0x2  }
0x354: {  	[tilespmem:s15+$0x4180] =	vst v17  }
0x355: {  	v17 =	vld.idx.msk [tilespmem:v21+s20+$0x0], $0xffff;
	[tilespmem:s17+$0x4180] =	vst v18  }
0x356: {  	v60 =	vadd.s32 $0x280, v0;
	[tilespmem:s2+$0x4180] =	vst v20;
	v13 =	vld.idx.msk [tilespmem:v13+s20+$0x0], $0xffff  }
0x357: {  	v12 =	vld.idx.msk [tilespmem:v12+s20+$0x0], $0xffff;
	[tilespmem:s18+$0x4180] =	vst v19  }
0x358: {  	v11 =	vld.idx.msk [tilespmem:v11+s20+$0x0], $0xffff;
	_ =	sdelay $0x1  }
0x359: {  	[tilespmem:s15+$0x4200] =	vst v17  }
0x35a: {  	v17 =	vld.idx.msk [tilespmem:v60+s20+$0x0], $0xffff;
	[tilespmem:s17+$0x4200] =	vst v13  }
0x35b: {  	v61 =	vadd.s32 $0x300, v0;
	[tilespmem:s2+$0x4200] =	vst v12;
	v9 =	vld.idx.msk [tilespmem:v9+s20+$0x0], $0xffff  }
0x35c: {  	v8 =	vld.idx.msk [tilespmem:v8+s20+$0x0], $0xffff;
	[tilespmem:s18+$0x4200] =	vst v11  }
0x35d: {  	v10 =	vld.idx.msk [tilespmem:v10+s20+$0x0], $0xffff;
	_ =	sdelay $0x1  }
0x35e: {  	[tilespmem:s15+$0x4280] =	vst v17  }
0x35f: {  	v62 =	vld.idx.msk [tilespmem:v61+s20+$0x0], $0xffff;
	[tilespmem:s17+$0x4280] =	vst v9  }
0x360: {  	v63 =	vadd.s32 $0x380, v0;
	[tilespmem:s2+$0x4280] =	vst v8;
	v7 =	vld.idx.msk [tilespmem:v7+s20+$0x0], $0xffff  }
0x361: {  	v5 =	vld.idx.msk [tilespmem:v5+s20+$0x0], $0xffff;
	[tilespmem:s18+$0x4280] =	vst v10  }
0x362: {  	[tilespmem:s9+$0x4380] =	vst v15;
	v6 =	vld.idx.msk [tilespmem:v6+s20+$0x0], $0xffff  }
0x363: {  	[tilespmem:s0+$0x4380] =	vst v14  }
0x364: {  	v1 =	vld.idx.msk [tilespmem:v1+s20+$0x0], $0xffff;
	[tilespmem:s15+$0x4300] =	vst v62  }
0x365: {  	v0 =	vld.idx.msk [tilespmem:v63+s20+$0x0], $0xffff;
	[tilespmem:s17+$0x4300] =	vst v7  }
0x366: {  	[tilespmem:s2+$0x4300] =	vst v5;
	v4 =	vld.idx.msk [tilespmem:v4+s20+$0x0], $0xffff  }
0x367: {  	v3 =	vld.idx.msk [tilespmem:v3+s20+$0x0], $0xffff;
	[tilespmem:s18+$0x4300] =	vst v6  }
0x368: {  	[tilespmem:s8+$0x4380] =	vst v16;
	v2 =	vld.idx.msk [tilespmem:v2+s20+$0x0], $0xffff  }
0x369: {  	[tilespmem:s7+$0x4380] =	vst v1  }
0x36a: {  	[tilespmem:s15+$0x4380] =	vst v0  }
0x36b: {  	[tilespmem:s17+$0x4380] =	vst v4  }
0x36c: {  	[tilespmem:s2+$0x4380] =	vst v3  }
0x36d: {  	[tilespmem:s18+$0x4380] =	vst v2  }
0x36e: {  	s25 =	simm.s32 $0x10800;
	s28 =	simm.s32 $0x6;
	s0 =	rddreg [dreg:$0xd]  }
0x36f: {  	[hbm4b:s0+s4] =	stream.linear.scatter [tilespmem:s25], [sflag:$0x5], $0x4000, $0x38;
	[tilespmem:$0x18800] =	vst v63  }
0x370: {  	_ =	swait.ge [sflag:s28], $0x4000  }
0x371: {  	[sflag:s28] =	ssyncset.done $0x0  }
0x372: {  	[sflag:s28] =	ssyncadd.s32 $0xFFFFC000  }
0x373: {  	_ =	swait.ge [sflag:s29], $0x4000  }
0x374: {  	[sflag:s29] =	ssyncset.done $0x0  }
0x375: {  	[sflag:s29] =	ssyncadd.s32 $0xFFFFC000  }
0x376: {  	_ =	swait.ge [sflag:s30], $0x4000  }
0x377: {  	s29 =	rddreg [dreg:$0xf]  }
0x378: {  	s31 =	rddreg [dreg:$0xe];
	s2 =	sadd.s32 $0x1, s29  }
0x379: {  	p0 =	sne.s32 s2, s31  }
.Ltmp7:
0x37a: {  	_ = 	snop;
	(pc) =	sbr.rel @p0 .LBB2_1-.Ltmp7, $3  }
0x37b: {  	_ =	sdelay $0x1  }
0x37c: {  	[sflag:s30] =	ssyncset.done $0x0  }
0x37d: {  	[sflag:s30] =	ssyncadd.s32 $0xFFFFC000  }
0x37e: {  	_ =	sfence.sel $0x180000  }
0x37f: {  	[bflag:$0x0] =	sbarrier.arrive $0xFFFF  }
0x380: {  	_ =	strace $0x90000047  }
0x381: {  	s0 =	stileid.u32;
	[bflag:$0x2] =	sbarrier.arrive $0xFFFF  }
0x382: {  	p0 =	sne.s32 s0, $0x0;
	s0 =	rddreg [dreg:$0x3]  }
0x383: {  	s0 =	sadd.s32 @!p0 $0x100000, s0  }
0x384: {  	[sflag:s0] =	ssyncadd.tile.s32 @!p0 $0x1;
	_ =	shalt  }
.Lfunc_end2:
_tile_overlayer_lowered:
.L_overlay_start_2:
0x385: {  	(tag) =	ssettag $0x2  }
0x386: {  	s0 =	rddreg [dreg:$0x0];
	s2 =	stileid.u32  }
0x387: {  	s1 =	rddreg [dreg:$0x1];
	p0 =	sne.s32 s2, $0x0  }
0x388: {  	s3 =	rddreg [dreg:$0x2];
	[bflag:$0x3] =	sbarrier.arrive $0xFFFF;
	s2 =	simm.s32 @!p0 $0x1C07  }
0x389: {  	[timem:s3], [sflag:s2] =	dma.local @!p0 [hbm:s0], s1  }
0x38a: {  	s0 =	simm.s32 @!p0 $0x7  }
0x38b: {  	_ =	swait.ge @!p0 [sflag:s0], s1  }
0x38c: {  	s1 =	ssub.s32 @!p0 $0x0, s1;
	[sflag:s0] =	ssyncset.done @!p0 $0x0  }
0x38d: {  	[sflag:s0] =	ssyncadd.s32 @!p0 s1  }
0x38e: {  	[bflag:$0x3] =	sbarrier.arrive $0xFFFF  }
0x38f: {  	_ =	shalt  }

</sc_bundles>
